<compile_context>
chip_gen: v7x
topology: tpu7x:2x2x1
jax: 0.10.2.dev20260603
libtpu: 0.0.44.dev20260713+nightly
codegen_flags: <defaults>
</compile_context>

<pallas_src>
import functools

import jax
import jax.numpy as jnp
import numpy as np
from jax import lax
from jax.experimental import pallas as pl
from jax.experimental.pallas import tpu as pltpu
from jax.experimental.pallas import tpu_sc as plsc

_RANK = 100000

_NC, _NS, _L = 2, 16, 16
_NW = _NC * _NS
_N_PER = 4 * 512 * 512
_CHUNK = _N_PER // _NW
_HALF = _CHUNK // 2
_NBINS = 65536


def _keys_of(b_i32):
    return b_i32 ^ ((b_i32 >> np.int32(31)) & np.int32(0x7FFFFFFF))




def _sc_hist_common(e_hbm, m_hbm, d_hbm, meta_hbm, out_hbm,
                    buf0, buf1, hist, hvec, idx, shist, sem0, sem1,
                    *, low_pass):
    cid = lax.axis_index("c")
    sid = lax.axis_index("s")
    wid = sid * _NC + cid
    base = wid * _CHUNK

    @plsc.parallel_loop(0, 512, unroll=8)
    def _zero(r):
        for c in range(8):
            hist[r, pl.ds(c * _L, _L)] = jnp.zeros((_L,), jnp.int32)

    for j in range(4):
        for c in range(8):
            idx[j, pl.ds(c * _L, _L)] = (
                lax.broadcasted_iota(jnp.int32, (_L,), 0)
                + np.int32(j * 128 + c * _L))

    @pl.when(sid == 0)
    def _():
        pltpu.sync_copy(hist, shist)

    if low_pass:
        pltpu.sync_copy(meta_hbm.at[pl.ds(0, _L)], hvec)
        hs = hvec[...] - np.int32(32768)
    ones = jnp.ones((_L,), jnp.int32)

    bufs = (buf0, buf1)
    sems = (sem0, sem1)
    srcs = []
    for arr in (e_hbm, m_hbm, d_hbm):
        for h in range(2):
            srcs.append(arr.at[pl.ds(base + h * _HALF, _HALF)])

    copies = [None, None]
    copies[0] = pltpu.async_copy(srcs[0], bufs[0], sems[0])
    for q in range(len(srcs)):
        copies[q % 2].wait()
        if q + 1 < len(srcs):
            copies[(q + 1) % 2] = pltpu.async_copy(
                srcs[q + 1], bufs[(q + 1) % 2], sems[(q + 1) % 2])
        buf = bufs[q % 2]

        @plsc.parallel_loop(0, _HALF // _L, unroll=8)
        def _accum(i):
            key = _keys_of(buf[pl.ds(i * _L, _L)])
            if low_pass:
                row = (key >> np.int32(7)) & np.int32(511)
                col = key & np.int32(127)
                plsc.addupdate_scatter(
                    hist, [row, col], ones,
                    mask=(key >> np.int32(16)) == hs)
            else:
                row = (key >> np.int32(23)) + np.int32(256)
                col = (key >> np.int32(16)) & np.int32(127)
                plsc.addupdate_scatter(hist, [row, col], ones)

    plsc.subcore_barrier()
    for j in range(4):
        pltpu.sync_copy(hist.at[pl.ds(j * 128, 128)],
                        shist.at[idx.at[j]], add=True)
    plsc.subcore_barrier()

    @pl.when(sid == 0)
    def _():
        pltpu.sync_copy(shist, out_hbm.at[cid])


def _make_sc_hist(low_pass):
    mesh = plsc.VectorSubcoreMesh(core_axis_name="c", subcore_axis_name="s",
                                  num_cores=_NC, num_subcores=_NS)
    return pl.kernel(
        functools.partial(_sc_hist_common, low_pass=low_pass),
        out_type=jax.ShapeDtypeStruct((_NC, 512, 128), jnp.int32),
        mesh=mesh,
        compiler_params=pltpu.CompilerParams(needs_layout_passes=False),
        scratch_types=[
            pltpu.VMEM((_HALF,), jnp.int32),
            pltpu.VMEM((_HALF,), jnp.int32),
            pltpu.VMEM((512, 128), jnp.int32),
            pltpu.VMEM((_L,), jnp.int32),
            pltpu.VMEM((4, 128), jnp.int32),
            pltpu.VMEM_SHARED((512, 128), jnp.int32),
            pltpu.SemaphoreType.DMA,
            pltpu.SemaphoreType.DMA,
        ],
    )




def _search_hist(hists_i32, k_f32):
    h = jnp.sum(hists_i32.astype(jnp.float32), axis=0)
    tri512 = (lax.broadcasted_iota(jnp.int32, (512, 512), 0)
              > lax.broadcasted_iota(jnp.int32, (512, 512), 1)
              ).astype(jnp.float32)
    tri128 = (lax.broadcasted_iota(jnp.int32, (128, 128), 0)
              > lax.broadcasted_iota(jnp.int32, (128, 128), 1)
              ).astype(jnp.float32)

    dot = functools.partial(jnp.dot, precision=lax.Precision.HIGHEST,
                            preferred_element_type=jnp.float32)
    rsum = jnp.sum(h, axis=1)[None, :]
    srow = dot(rsum, tri512)
    row_hit = ((srow <= k_f32) & (srow + rsum > k_f32)).astype(jnp.float32)
    iota_row = lax.broadcasted_iota(jnp.int32, (1, 512), 1).astype(jnp.float32)
    rstar = jnp.sum(row_hit * iota_row)
    sbase = jnp.sum(row_hit * srow)

    colvec = dot(row_hit, h)
    scol = dot(colvec, tri128)
    tot = sbase + scol
    col_hit = ((tot <= k_f32) & (tot + colvec > k_f32)).astype(jnp.float32)
    iota_col = lax.broadcasted_iota(jnp.int32, (1, 128), 1).astype(jnp.float32)
    cstar = jnp.sum(col_hit * iota_col)
    sstar = sbase + jnp.sum(col_hit * scol)
    return rstar * 128.0 + cstar, sstar


def _tc_find_bin_body(hists_ref, meta_ref):
    hstar, sstar = _search_hist(hists_ref[...], jnp.float32(_RANK))
    kprime = jnp.float32(_RANK) - sstar
    row = lax.broadcasted_iota(jnp.int32, (8, 128), 0)
    meta_ref[...] = jnp.where(row == 0, hstar.astype(jnp.int32),
                              kprime.astype(jnp.int32))


def _tc_thresh_mask_body(hists_ref, meta_ref, e_ref, m_ref, d_ref,
                         oe_ref, om_ref, od_ref):
    kprime = meta_ref[1, 0].astype(jnp.float32)
    hstar = meta_ref[0, 0]
    lowstar, _ = _search_hist(hists_ref[...], kprime)
    t = ((hstar - np.int32(32768)) << np.int32(16)) | lowstar.astype(jnp.int32)
    bits = t ^ ((t >> np.int32(31)) & np.int32(0x7FFFFFFF))
    thresh = lax.bitcast_convert_type(bits, jnp.float32)
    for src, dst in ((e_ref, oe_ref), (m_ref, om_ref), (d_ref, od_ref)):
        x = src[...]
        dst[...] = jnp.where(x < thresh, jnp.float32(0.0), x)




def kernel(early, middle, deep):
    shp = early.shape
    eb = lax.bitcast_convert_type(early, jnp.int32).reshape(-1)
    mb = lax.bitcast_convert_type(middle, jnp.int32).reshape(-1)
    db = lax.bitcast_convert_type(deep, jnp.int32).reshape(-1)
    unused_meta = jnp.zeros((1024,), jnp.int32)

    hist1 = _make_sc_hist(low_pass=False)(eb, mb, db, unused_meta)

    meta = pl.pallas_call(
        _tc_find_bin_body,
        out_shape=jax.ShapeDtypeStruct((8, 128), jnp.int32),
    )(hist1)

    hist2 = _make_sc_hist(low_pass=True)(eb, mb, db, meta.reshape(-1))

    oe, om, od = pl.pallas_call(
        _tc_thresh_mask_body,
        out_shape=tuple(
            jax.ShapeDtypeStruct((1024, 1024), jnp.float32) for _ in range(3)),
    )(hist2, meta, early.reshape(1024, 1024), middle.reshape(1024, 1024),
      deep.reshape(1024, 1024))

    return (oe.reshape(shp), om.reshape(shp), od.reshape(shp))

# --- scband reference (transcript-rebuilt; emitter-appended) ---
"""Pipeline reference for scband-extraction-model-28750511079887 (READ-ONLY COPY).

The authoritative reference and input builder live on the scoring server;
editing this copy changes nothing except your own understanding.
"""

import jax, jax.numpy as jnp
import numpy as np

MAX_FEATURES = 100000
THRESH_INIT = 0.0


def setup_inputs(seed: int = 0) -> dict:
    key = jax.random.key(seed)
    k1, k2, k3 = jax.random.split(key, 3)
    early = jax.random.uniform(k1, (4, 1, 512, 512), dtype=jnp.float32)
    middle = jax.random.uniform(k2, (4, 1, 512, 512), dtype=jnp.float32)
    deep = jax.random.uniform(k3, (4, 1, 512, 512), dtype=jnp.float32)
    return {"early": early, "middle": middle, "deep": deep}


def reference(early, middle, deep):
    # DetectionModule.forward: attention_model is identity here, producing the
    # three score maps directly (matches torch module with identity scorer).
    all_scores = jnp.concatenate([early.ravel(), middle.ravel(), deep.ravel()])
    total = all_scores.shape[0]
    if MAX_FEATURES is not None and MAX_FEATURES < total:
        # torch.sort(..., descending=True).values[max_features]
        sorted_desc = jnp.sort(all_scores)[::-1]
        thresh = sorted_desc[MAX_FEATURES]
    else:
        thresh = jnp.float32(THRESH_INIT)
    # early[early < thresh] = 0  (and same for middle, deep)
    early_o = jnp.where(early < thresh, jnp.float32(0.0), early)
    middle_o = jnp.where(middle < thresh, jnp.float32(0.0), middle)
    deep_o = jnp.where(deep < thresh, jnp.float32(0.0), deep)
    return (early_o, middle_o, deep_o)

if __name__ == "__main__":
    import jax
    _d = setup_inputs()
    print(jax.jit(kernel)(*tuple(_d.values())))

</pallas_src>

<mosaic_0001>
#map = affine_map<(d0, d1) -> (0)>
#map1 = affine_map<(d0, d1) -> (0, 0, 0)>
module attributes {stable_mosaic.version = 14 : i64} {
  func.func @_sc_hist_common(%arg0: i32, %arg1: i32, %arg2: memref<1048576xi32, #tpu.memory_space<hbm>>, %arg3: memref<1048576xi32, #tpu.memory_space<hbm>>, %arg4: memref<1048576xi32, #tpu.memory_space<hbm>>, %arg5: memref<1024xi32, #tpu.memory_space<hbm>>, %arg6: memref<2x512x128xi32, #tpu.memory_space<hbm>>, %arg7: memref<16384xi32, #tpu.memory_space<vmem>>, %arg8: memref<16384xi32, #tpu.memory_space<vmem>>, %arg9: memref<512x128xi32, #tpu.memory_space<vmem>>, %arg10: memref<16xi32, #tpu.memory_space<vmem>>, %arg11: memref<4x128xi32, #tpu.memory_space<vmem>>, %arg12: memref<512x128xi32, #tpu.memory_space<vmem_shared>>, %arg13: memref<!tpu.dma_semaphore, #tpu.memory_space<semaphore_mem>>, %arg14: memref<!tpu.dma_semaphore, #tpu.memory_space<semaphore_mem>>) attributes {dimension_semantics = [#tpu.dimension_semantics<core_parallel>, #tpu.dimension_semantics<subcore_parallel>], iteration_bounds = array<i64: 2, 16>, scalar_prefetch = 0 : i64, scratch_operands = 8 : i64, tpu.core_type = #tpu.core_type<sc_vector_subcore>, window_params = [{transform_indices = #map}, {transform_indices = #map}, {transform_indices = #map}, {transform_indices = #map}, {transform_indices = #map1}]} {
    %mul3A = arith.constant 2 : i32
    %mul3A_0 = arith.muli %arg1, %mul3A : i32
    %add3A = arith.addi %mul3A_0, %arg0 : i32
    %mul3A_1 = arith.constant 32768 : i32
    %mul3A_2 = arith.muli %add3A, %mul3A_1 : i32
    %parallel_loop3A = arith.constant 0 : i32
    %parallel_loop3A_3 = arith.constant 512 : i32
    %parallel_loop3A_4 = arith.constant 1 : i32
    scf.for %parallel_loop3A_323 = %parallel_loop3A to %parallel_loop3A_3 step %parallel_loop3A_4  : i32 {
      %parallel_loop3A_324 = arith.constant 0 : i32
      %parallel_loop3A_325 = vector.broadcast %parallel_loop3A_324 : i32 to vector<16xi32>
      %parallel_loop3A_326 = arith.index_cast %parallel_loop3A_323 : i32 to index
      %parallel_loop3A_327 = arith.constant 0 : index
      %parallel_loop3A_328 = tpu.vector_load %arg9[%parallel_loop3A_326, %parallel_loop3A_327] {strides = array<i32>} : memref<512x128xi32, #tpu.memory_space<vmem>>, vector<16xi32>,
      tpu.vector_store %arg9[%parallel_loop3A_326, %parallel_loop3A_327], %parallel_loop3A_325 {strides = array<i32>} : memref<512x128xi32, #tpu.memory_space<vmem>>, vector<16xi32>,
      %parallel_loop3A_329 = arith.constant 0 : i32
      %parallel_loop3A_330 = vector.broadcast %parallel_loop3A_329 : i32 to vector<16xi32>
      %parallel_loop3A_331 = arith.index_cast %parallel_loop3A_323 : i32 to index
      %parallel_loop3A_332 = arith.constant 16 : index
      %parallel_loop3A_333 = tpu.vector_load %arg9[%parallel_loop3A_331, %parallel_loop3A_332] {strides = array<i32>} : memref<512x128xi32, #tpu.memory_space<vmem>>, vector<16xi32>,
      tpu.vector_store %arg9[%parallel_loop3A_331, %parallel_loop3A_332], %parallel_loop3A_330 {strides = array<i32>} : memref<512x128xi32, #tpu.memory_space<vmem>>, vector<16xi32>,
      %parallel_loop3A_334 = arith.constant 0 : i32
      %parallel_loop3A_335 = vector.broadcast %parallel_loop3A_334 : i32 to vector<16xi32>
      %parallel_loop3A_336 = arith.index_cast %parallel_loop3A_323 : i32 to index
      %parallel_loop3A_337 = arith.constant 32 : index
      %parallel_loop3A_338 = tpu.vector_load %arg9[%parallel_loop3A_336, %parallel_loop3A_337] {strides = array<i32>} : memref<512x128xi32, #tpu.memory_space<vmem>>, vector<16xi32>,
      tpu.vector_store %arg9[%parallel_loop3A_336, %parallel_loop3A_337], %parallel_loop3A_335 {strides = array<i32>} : memref<512x128xi32, #tpu.memory_space<vmem>>, vector<16xi32>,
      %parallel_loop3A_339 = arith.constant 0 : i32
      %parallel_loop3A_340 = vector.broadcast %parallel_loop3A_339 : i32 to vector<16xi32>
      %parallel_loop3A_341 = arith.index_cast %parallel_loop3A_323 : i32 to index
      %parallel_loop3A_342 = arith.constant 48 : index
      %parallel_loop3A_343 = tpu.vector_load %arg9[%parallel_loop3A_341, %parallel_loop3A_342] {strides = array<i32>} : memref<512x128xi32, #tpu.memory_space<vmem>>, vector<16xi32>,
      tpu.vector_store %arg9[%parallel_loop3A_341, %parallel_loop3A_342], %parallel_loop3A_340 {strides = array<i32>} : memref<512x128xi32, #tpu.memory_space<vmem>>, vector<16xi32>,
      %parallel_loop3A_344 = arith.constant 0 : i32
      %parallel_loop3A_345 = vector.broadcast %parallel_loop3A_344 : i32 to vector<16xi32>
      %parallel_loop3A_346 = arith.index_cast %parallel_loop3A_323 : i32 to index
      %parallel_loop3A_347 = arith.constant 64 : index
      %parallel_loop3A_348 = tpu.vector_load %arg9[%parallel_loop3A_346, %parallel_loop3A_347] {strides = array<i32>} : memref<512x128xi32, #tpu.memory_space<vmem>>, vector<16xi32>,
      tpu.vector_store %arg9[%parallel_loop3A_346, %parallel_loop3A_347], %parallel_loop3A_345 {strides = array<i32>} : memref<512x128xi32, #tpu.memory_space<vmem>>, vector<16xi32>,
      %parallel_loop3A_349 = arith.constant 0 : i32
      %parallel_loop3A_350 = vector.broadcast %parallel_loop3A_349 : i32 to vector<16xi32>
      %parallel_loop3A_351 = arith.index_cast %parallel_loop3A_323 : i32 to index
      %parallel_loop3A_352 = arith.constant 80 : index
      %parallel_loop3A_353 = tpu.vector_load %arg9[%parallel_loop3A_351, %parallel_loop3A_352] {strides = array<i32>} : memref<512x128xi32, #tpu.memory_space<vmem>>, vector<16xi32>,
      tpu.vector_store %arg9[%parallel_loop3A_351, %parallel_loop3A_352], %parallel_loop3A_350 {strides = array<i32>} : memref<512x128xi32, #tpu.memory_space<vmem>>, vector<16xi32>,
      %parallel_loop3A_354 = arith.constant 0 : i32
      %parallel_loop3A_355 = vector.broadcast %parallel_loop3A_354 : i32 to vector<16xi32>
      %parallel_loop3A_356 = arith.index_cast %parallel_loop3A_323 : i32 to index
      %parallel_loop3A_357 = arith.constant 96 : index
      %parallel_loop3A_358 = tpu.vector_load %arg9[%parallel_loop3A_356, %parallel_loop3A_357] {strides = array<i32>} : memref<512x128xi32, #tpu.memory_space<vmem>>, vector<16xi32>,
      tpu.vector_store %arg9[%parallel_loop3A_356, %parallel_loop3A_357], %parallel_loop3A_355 {strides = array<i32>} : memref<512x128xi32, #tpu.memory_space<vmem>>, vector<16xi32>,
      %parallel_loop3A_359 = arith.constant 0 : i32
      %parallel_loop3A_360 = vector.broadcast %parallel_loop3A_359 : i32 to vector<16xi32>
      %parallel_loop3A_361 = arith.index_cast %parallel_loop3A_323 : i32 to index
      %parallel_loop3A_362 = arith.constant 112 : index
      %parallel_loop3A_363 = tpu.vector_load %arg9[%parallel_loop3A_361, %parallel_loop3A_362] {strides = array<i32>} : memref<512x128xi32, #tpu.memory_space<vmem>>, vector<16xi32>,
      tpu.vector_store %arg9[%parallel_loop3A_361, %parallel_loop3A_362], %parallel_loop3A_360 {strides = array<i32>} : memref<512x128xi32, #tpu.memory_space<vmem>>, vector<16xi32>,
    } {sc.loop_unroll_factor = 8 : i64, sc.parallel_access}
    %iota3A = tpu.iota {dimensions = array<i32: 0>} : vector<16xi32>
    %add3A_5 = arith.constant 0 : i32
    %add3A_6 = vector.broadcast %add3A_5 : i32 to vector<16xi32>
    %add3A_7 = arith.addi %iota3A, %add3A_6 : vector<16xi32>
    %swap3A = arith.constant 0 : i32
    %swap3A_8 = arith.index_cast %swap3A : i32 to index
    %swap3A_9 = arith.constant 0 : index
    %swap3A_10 = tpu.vector_load %arg11[%swap3A_8, %swap3A_9] {strides = array<i32>} : memref<4x128xi32, #tpu.memory_space<vmem>>, vector<16xi32>,
    tpu.vector_store %arg11[%swap3A_8, %swap3A_9], %add3A_7 {strides = array<i32>} : memref<4x128xi32, #tpu.memory_space<vmem>>, vector<16xi32>,
    %iota3A_11 = tpu.iota {dimensions = array<i32: 0>} : vector<16xi32>
    %add3A_12 = arith.constant 16 : i32
    %add3A_13 = vector.broadcast %add3A_12 : i32 to vector<16xi32>
    %add3A_14 = arith.addi %iota3A_11, %add3A_13 : vector<16xi32>
    %swap3A_15 = arith.constant 0 : i32
    %swap3A_16 = arith.index_cast %swap3A_15 : i32 to index
    %swap3A_17 = arith.constant 16 : index
    %swap3A_18 = tpu.vector_load %arg11[%swap3A_16, %swap3A_17] {strides = array<i32>} : memref<4x128xi32, #tpu.memory_space<vmem>>, vector<16xi32>,
    tpu.vector_store %arg11[%swap3A_16, %swap3A_17], %add3A_14 {strides = array<i32>} : memref<4x128xi32, #tpu.memory_space<vmem>>, vector<16xi32>,
    %iota3A_19 = tpu.iota {dimensions = array<i32: 0>} : vector<16xi32>
    %add3A_20 = arith.constant 32 : i32
    %add3A_21 = vector.broadcast %add3A_20 : i32 to vector<16xi32>
    %add3A_22 = arith.addi %iota3A_19, %add3A_21 : vector<16xi32>
    %swap3A_23 = arith.constant 0 : i32
    %swap3A_24 = arith.index_cast %swap3A_23 : i32 to index
    %swap3A_25 = arith.constant 32 : index
    %swap3A_26 = tpu.vector_load %arg11[%swap3A_24, %swap3A_25] {strides = array<i32>} : memref<4x128xi32, #tpu.memory_space<vmem>>, vector<16xi32>,
    tpu.vector_store %arg11[%swap3A_24, %swap3A_25], %add3A_22 {strides = array<i32>} : memref<4x128xi32, #tpu.memory_space<vmem>>, vector<16xi32>,
    %iota3A_27 = tpu.iota {dimensions = array<i32: 0>} : vector<16xi32>
    %add3A_28 = arith.constant 48 : i32
    %add3A_29 = vector.broadcast %add3A_28 : i32 to vector<16xi32>
    %add3A_30 = arith.addi %iota3A_27, %add3A_29 : vector<16xi32>
    %swap3A_31 = arith.constant 0 : i32
    %swap3A_32 = arith.index_cast %swap3A_31 : i32 to index
    %swap3A_33 = arith.constant 48 : index
    %swap3A_34 = tpu.vector_load %arg11[%swap3A_32, %swap3A_33] {strides = array<i32>} : memref<4x128xi32, #tpu.memory_space<vmem>>, vector<16xi32>,
    tpu.vector_store %arg11[%swap3A_32, %swap3A_33], %add3A_30 {strides = array<i32>} : memref<4x128xi32, #tpu.memory_space<vmem>>, vector<16xi32>,
    %iota3A_35 = tpu.iota {dimensions = array<i32: 0>} : vector<16xi32>
    %add3A_36 = arith.constant 64 : i32
    %add3A_37 = vector.broadcast %add3A_36 : i32 to vector<16xi32>
    %add3A_38 = arith.addi %iota3A_35, %add3A_37 : vector<16xi32>
    %swap3A_39 = arith.constant 0 : i32
    %swap3A_40 = arith.index_cast %swap3A_39 : i32 to index
    %swap3A_41 = arith.constant 64 : index
    %swap3A_42 = tpu.vector_load %arg11[%swap3A_40, %swap3A_41] {strides = array<i32>} : memref<4x128xi32, #tpu.memory_space<vmem>>, vector<16xi32>,
    tpu.vector_store %arg11[%swap3A_40, %swap3A_41], %add3A_38 {strides = array<i32>} : memref<4x128xi32, #tpu.memory_space<vmem>>, vector<16xi32>,
    %iota3A_43 = tpu.iota {dimensions = array<i32: 0>} : vector<16xi32>
    %add3A_44 = arith.constant 80 : i32
    %add3A_45 = vector.broadcast %add3A_44 : i32 to vector<16xi32>
    %add3A_46 = arith.addi %iota3A_43, %add3A_45 : vector<16xi32>
    %swap3A_47 = arith.constant 0 : i32
    %swap3A_48 = arith.index_cast %swap3A_47 : i32 to index
    %swap3A_49 = arith.constant 80 : index
    %swap3A_50 = tpu.vector_load %arg11[%swap3A_48, %swap3A_49] {strides = array<i32>} : memref<4x128xi32, #tpu.memory_space<vmem>>, vector<16xi32>,
    tpu.vector_store %arg11[%swap3A_48, %swap3A_49], %add3A_46 {strides = array<i32>} : memref<4x128xi32, #tpu.memory_space<vmem>>, vector<16xi32>,
    %iota3A_51 = tpu.iota {dimensions = array<i32: 0>} : vector<16xi32>
    %add3A_52 = arith.constant 96 : i32
    %add3A_53 = vector.broadcast %add3A_52 : i32 to vector<16xi32>
    %add3A_54 = arith.addi %iota3A_51, %add3A_53 : vector<16xi32>
    %swap3A_55 = arith.constant 0 : i32
    %swap3A_56 = arith.index_cast %swap3A_55 : i32 to index
    %swap3A_57 = arith.constant 96 : index
    %swap3A_58 = tpu.vector_load %arg11[%swap3A_56, %swap3A_57] {strides = array<i32>} : memref<4x128xi32, #tpu.memory_space<vmem>>, vector<16xi32>,
    tpu.vector_store %arg11[%swap3A_56, %swap3A_57], %add3A_54 {strides = array<i32>} : memref<4x128xi32, #tpu.memory_space<vmem>>, vector<16xi32>,
    %iota3A_59 = tpu.iota {dimensions = array<i32: 0>} : vector<16xi32>
    %add3A_60 = arith.constant 112 : i32
    %add3A_61 = vector.broadcast %add3A_60 : i32 to vector<16xi32>
    %add3A_62 = arith.addi %iota3A_59, %add3A_61 : vector<16xi32>
    %swap3A_63 = arith.constant 0 : i32
    %swap3A_64 = arith.index_cast %swap3A_63 : i32 to index
    %swap3A_65 = arith.constant 112 : index
    %swap3A_66 = tpu.vector_load %arg11[%swap3A_64, %swap3A_65] {strides = array<i32>} : memref<4x128xi32, #tpu.memory_space<vmem>>, vector<16xi32>,
    tpu.vector_store %arg11[%swap3A_64, %swap3A_65], %add3A_62 {strides = array<i32>} : memref<4x128xi32, #tpu.memory_space<vmem>>, vector<16xi32>,
    %iota3A_67 = tpu.iota {dimensions = array<i32: 0>} : vector<16xi32>
    %add3A_68 = arith.constant 128 : i32
    %add3A_69 = vector.broadcast %add3A_68 : i32 to vector<16xi32>
    %add3A_70 = arith.addi %iota3A_67, %add3A_69 : vector<16xi32>
    %swap3A_71 = arith.constant 1 : i32
    %swap3A_72 = arith.index_cast %swap3A_71 : i32 to index
    %swap3A_73 = arith.constant 0 : index
    %swap3A_74 = tpu.vector_load %arg11[%swap3A_72, %swap3A_73] {strides = array<i32>} : memref<4x128xi32, #tpu.memory_space<vmem>>, vector<16xi32>,
    tpu.vector_store %arg11[%swap3A_72, %swap3A_73], %add3A_70 {strides = array<i32>} : memref<4x128xi32, #tpu.memory_space<vmem>>, vector<16xi32>,
    %iota3A_75 = tpu.iota {dimensions = array<i32: 0>} : vector<16xi32>
    %add3A_76 = arith.constant 144 : i32
    %add3A_77 = vector.broadcast %add3A_76 : i32 to vector<16xi32>
    %add3A_78 = arith.addi %iota3A_75, %add3A_77 : vector<16xi32>
    %swap3A_79 = arith.constant 1 : i32
    %swap3A_80 = arith.index_cast %swap3A_79 : i32 to index
    %swap3A_81 = arith.constant 16 : index
    %swap3A_82 = tpu.vector_load %arg11[%swap3A_80, %swap3A_81] {strides = array<i32>} : memref<4x128xi32, #tpu.memory_space<vmem>>, vector<16xi32>,
    tpu.vector_store %arg11[%swap3A_80, %swap3A_81], %add3A_78 {strides = array<i32>} : memref<4x128xi32, #tpu.memory_space<vmem>>, vector<16xi32>,
    %iota3A_83 = tpu.iota {dimensions = array<i32: 0>} : vector<16xi32>
    %add3A_84 = arith.constant 160 : i32
    %add3A_85 = vector.broadcast %add3A_84 : i32 to vector<16xi32>
    %add3A_86 = arith.addi %iota3A_83, %add3A_85 : vector<16xi32>
    %swap3A_87 = arith.constant 1 : i32
    %swap3A_88 = arith.index_cast %swap3A_87 : i32 to index
    %swap3A_89 = arith.constant 32 : index
    %swap3A_90 = tpu.vector_load %arg11[%swap3A_88, %swap3A_89] {strides = array<i32>} : memref<4x128xi32, #tpu.memory_space<vmem>>, vector<16xi32>,
    tpu.vector_store %arg11[%swap3A_88, %swap3A_89], %add3A_86 {strides = array<i32>} : memref<4x128xi32, #tpu.memory_space<vmem>>, vector<16xi32>,
    %iota3A_91 = tpu.iota {dimensions = array<i32: 0>} : vector<16xi32>
    %add3A_92 = arith.constant 176 : i32
    %add3A_93 = vector.broadcast %add3A_92 : i32 to vector<16xi32>
    %add3A_94 = arith.addi %iota3A_91, %add3A_93 : vector<16xi32>
    %swap3A_95 = arith.constant 1 : i32
    %swap3A_96 = arith.index_cast %swap3A_95 : i32 to index
    %swap3A_97 = arith.constant 48 : index
    %swap3A_98 = tpu.vector_load %arg11[%swap3A_96, %swap3A_97] {strides = array<i32>} : memref<4x128xi32, #tpu.memory_space<vmem>>, vector<16xi32>,
    tpu.vector_store %arg11[%swap3A_96, %swap3A_97], %add3A_94 {strides = array<i32>} : memref<4x128xi32, #tpu.memory_space<vmem>>, vector<16xi32>,
    %iota3A_99 = tpu.iota {dimensions = array<i32: 0>} : vector<16xi32>
    %add3A_100 = arith.constant 192 : i32
    %add3A_101 = vector.broadcast %add3A_100 : i32 to vector<16xi32>
    %add3A_102 = arith.addi %iota3A_99, %add3A_101 : vector<16xi32>
    %swap3A_103 = arith.constant 1 : i32
    %swap3A_104 = arith.index_cast %swap3A_103 : i32 to index
    %swap3A_105 = arith.constant 64 : index
    %swap3A_106 = tpu.vector_load %arg11[%swap3A_104, %swap3A_105] {strides = array<i32>} : memref<4x128xi32, #tpu.memory_space<vmem>>, vector<16xi32>,
    tpu.vector_store %arg11[%swap3A_104, %swap3A_105], %add3A_102 {strides = array<i32>} : memref<4x128xi32, #tpu.memory_space<vmem>>, vector<16xi32>,
    %iota3A_107 = tpu.iota {dimensions = array<i32: 0>} : vector<16xi32>
    %add3A_108 = arith.constant 208 : i32
    %add3A_109 = vector.broadcast %add3A_108 : i32 to vector<16xi32>
    %add3A_110 = arith.addi %iota3A_107, %add3A_109 : vector<16xi32>
    %swap3A_111 = arith.constant 1 : i32
    %swap3A_112 = arith.index_cast %swap3A_111 : i32 to index
    %swap3A_113 = arith.constant 80 : index
    %swap3A_114 = tpu.vector_load %arg11[%swap3A_112, %swap3A_113] {strides = array<i32>} : memref<4x128xi32, #tpu.memory_space<vmem>>, vector<16xi32>,
    tpu.vector_store %arg11[%swap3A_112, %swap3A_113], %add3A_110 {strides = array<i32>} : memref<4x128xi32, #tpu.memory_space<vmem>>, vector<16xi32>,
    %iota3A_115 = tpu.iota {dimensions = array<i32: 0>} : vector<16xi32>
    %add3A_116 = arith.constant 224 : i32
    %add3A_117 = vector.broadcast %add3A_116 : i32 to vector<16xi32>
    %add3A_118 = arith.addi %iota3A_115, %add3A_117 : vector<16xi32>
    %swap3A_119 = arith.constant 1 : i32
    %swap3A_120 = arith.index_cast %swap3A_119 : i32 to index
    %swap3A_121 = arith.constant 96 : index
    %swap3A_122 = tpu.vector_load %arg11[%swap3A_120, %swap3A_121] {strides = array<i32>} : memref<4x128xi32, #tpu.memory_space<vmem>>, vector<16xi32>,
    tpu.vector_store %arg11[%swap3A_120, %swap3A_121], %add3A_118 {strides = array<i32>} : memref<4x128xi32, #tpu.memory_space<vmem>>, vector<16xi32>,
    %iota3A_123 = tpu.iota {dimensions = array<i32: 0>} : vector<16xi32>
    %add3A_124 = arith.constant 240 : i32
    %add3A_125 = vector.broadcast %add3A_124 : i32 to vector<16xi32>
    %add3A_126 = arith.addi %iota3A_123, %add3A_125 : vector<16xi32>
    %swap3A_127 = arith.constant 1 : i32
    %swap3A_128 = arith.index_cast %swap3A_127 : i32 to index
    %swap3A_129 = arith.constant 112 : index
    %swap3A_130 = tpu.vector_load %arg11[%swap3A_128, %swap3A_129] {strides = array<i32>} : memref<4x128xi32, #tpu.memory_space<vmem>>, vector<16xi32>,
    tpu.vector_store %arg11[%swap3A_128, %swap3A_129], %add3A_126 {strides = array<i32>} : memref<4x128xi32, #tpu.memory_space<vmem>>, vector<16xi32>,
    %iota3A_131 = tpu.iota {dimensions = array<i32: 0>} : vector<16xi32>
    %add3A_132 = arith.constant 256 : i32
    %add3A_133 = vector.broadcast %add3A_132 : i32 to vector<16xi32>
    %add3A_134 = arith.addi %iota3A_131, %add3A_133 : vector<16xi32>
    %swap3A_135 = arith.constant 2 : i32
    %swap3A_136 = arith.index_cast %swap3A_135 : i32 to index
    %swap3A_137 = arith.constant 0 : index
    %swap3A_138 = tpu.vector_load %arg11[%swap3A_136, %swap3A_137] {strides = array<i32>} : memref<4x128xi32, #tpu.memory_space<vmem>>, vector<16xi32>,
    tpu.vector_store %arg11[%swap3A_136, %swap3A_137], %add3A_134 {strides = array<i32>} : memref<4x128xi32, #tpu.memory_space<vmem>>, vector<16xi32>,
    %iota3A_139 = tpu.iota {dimensions = array<i32: 0>} : vector<16xi32>
    %add3A_140 = arith.constant 272 : i32
    %add3A_141 = vector.broadcast %add3A_140 : i32 to vector<16xi32>
    %add3A_142 = arith.addi %iota3A_139, %add3A_141 : vector<16xi32>
    %swap3A_143 = arith.constant 2 : i32
    %swap3A_144 = arith.index_cast %swap3A_143 : i32 to index
    %swap3A_145 = arith.constant 16 : index
    %swap3A_146 = tpu.vector_load %arg11[%swap3A_144, %swap3A_145] {strides = array<i32>} : memref<4x128xi32, #tpu.memory_space<vmem>>, vector<16xi32>,
    tpu.vector_store %arg11[%swap3A_144, %swap3A_145], %add3A_142 {strides = array<i32>} : memref<4x128xi32, #tpu.memory_space<vmem>>, vector<16xi32>,
    %iota3A_147 = tpu.iota {dimensions = array<i32: 0>} : vector<16xi32>
    %add3A_148 = arith.constant 288 : i32
    %add3A_149 = vector.broadcast %add3A_148 : i32 to vector<16xi32>
    %add3A_150 = arith.addi %iota3A_147, %add3A_149 : vector<16xi32>
    %swap3A_151 = arith.constant 2 : i32
    %swap3A_152 = arith.index_cast %swap3A_151 : i32 to index
    %swap3A_153 = arith.constant 32 : index
    %swap3A_154 = tpu.vector_load %arg11[%swap3A_152, %swap3A_153] {strides = array<i32>} : memref<4x128xi32, #tpu.memory_space<vmem>>, vector<16xi32>,
    tpu.vector_store %arg11[%swap3A_152, %swap3A_153], %add3A_150 {strides = array<i32>} : memref<4x128xi32, #tpu.memory_space<vmem>>, vector<16xi32>,
    %iota3A_155 = tpu.iota {dimensions = array<i32: 0>} : vector<16xi32>
    %add3A_156 = arith.constant 304 : i32
    %add3A_157 = vector.broadcast %add3A_156 : i32 to vector<16xi32>
    %add3A_158 = arith.addi %iota3A_155, %add3A_157 : vector<16xi32>
    %swap3A_159 = arith.constant 2 : i32
    %swap3A_160 = arith.index_cast %swap3A_159 : i32 to index
    %swap3A_161 = arith.constant 48 : index
    %swap3A_162 = tpu.vector_load %arg11[%swap3A_160, %swap3A_161] {strides = array<i32>} : memref<4x128xi32, #tpu.memory_space<vmem>>, vector<16xi32>,
    tpu.vector_store %arg11[%swap3A_160, %swap3A_161], %add3A_158 {strides = array<i32>} : memref<4x128xi32, #tpu.memory_space<vmem>>, vector<16xi32>,
    %iota3A_163 = tpu.iota {dimensions = array<i32: 0>} : vector<16xi32>
    %add3A_164 = arith.constant 320 : i32
    %add3A_165 = vector.broadcast %add3A_164 : i32 to vector<16xi32>
    %add3A_166 = arith.addi %iota3A_163, %add3A_165 : vector<16xi32>
    %swap3A_167 = arith.constant 2 : i32
    %swap3A_168 = arith.index_cast %swap3A_167 : i32 to index
    %swap3A_169 = arith.constant 64 : index
    %swap3A_170 = tpu.vector_load %arg11[%swap3A_168, %swap3A_169] {strides = array<i32>} : memref<4x128xi32, #tpu.memory_space<vmem>>, vector<16xi32>,
    tpu.vector_store %arg11[%swap3A_168, %swap3A_169], %add3A_166 {strides = array<i32>} : memref<4x128xi32, #tpu.memory_space<vmem>>, vector<16xi32>,
    %iota3A_171 = tpu.iota {dimensions = array<i32: 0>} : vector<16xi32>
    %add3A_172 = arith.constant 336 : i32
    %add3A_173 = vector.broadcast %add3A_172 : i32 to vector<16xi32>
    %add3A_174 = arith.addi %iota3A_171, %add3A_173 : vector<16xi32>
    %swap3A_175 = arith.constant 2 : i32
    %swap3A_176 = arith.index_cast %swap3A_175 : i32 to index
    %swap3A_177 = arith.constant 80 : index
    %swap3A_178 = tpu.vector_load %arg11[%swap3A_176, %swap3A_177] {strides = array<i32>} : memref<4x128xi32, #tpu.memory_space<vmem>>, vector<16xi32>,
    tpu.vector_store %arg11[%swap3A_176, %swap3A_177], %add3A_174 {strides = array<i32>} : memref<4x128xi32, #tpu.memory_space<vmem>>, vector<16xi32>,
    %iota3A_179 = tpu.iota {dimensions = array<i32: 0>} : vector<16xi32>
    %add3A_180 = arith.constant 352 : i32
    %add3A_181 = vector.broadcast %add3A_180 : i32 to vector<16xi32>
    %add3A_182 = arith.addi %iota3A_179, %add3A_181 : vector<16xi32>
    %swap3A_183 = arith.constant 2 : i32
    %swap3A_184 = arith.index_cast %swap3A_183 : i32 to index
    %swap3A_185 = arith.constant 96 : index
    %swap3A_186 = tpu.vector_load %arg11[%swap3A_184, %swap3A_185] {strides = array<i32>} : memref<4x128xi32, #tpu.memory_space<vmem>>, vector<16xi32>,
    tpu.vector_store %arg11[%swap3A_184, %swap3A_185], %add3A_182 {strides = array<i32>} : memref<4x128xi32, #tpu.memory_space<vmem>>, vector<16xi32>,
    %iota3A_187 = tpu.iota {dimensions = array<i32: 0>} : vector<16xi32>
    %add3A_188 = arith.constant 368 : i32
    %add3A_189 = vector.broadcast %add3A_188 : i32 to vector<16xi32>
    %add3A_190 = arith.addi %iota3A_187, %add3A_189 : vector<16xi32>
    %swap3A_191 = arith.constant 2 : i32
    %swap3A_192 = arith.index_cast %swap3A_191 : i32 to index
    %swap3A_193 = arith.constant 112 : index
    %swap3A_194 = tpu.vector_load %arg11[%swap3A_192, %swap3A_193] {strides = array<i32>} : memref<4x128xi32, #tpu.memory_space<vmem>>, vector<16xi32>,
    tpu.vector_store %arg11[%swap3A_192, %swap3A_193], %add3A_190 {strides = array<i32>} : memref<4x128xi32, #tpu.memory_space<vmem>>, vector<16xi32>,
    %iota3A_195 = tpu.iota {dimensions = array<i32: 0>} : vector<16xi32>
    %add3A_196 = arith.constant 384 : i32
    %add3A_197 = vector.broadcast %add3A_196 : i32 to vector<16xi32>
    %add3A_198 = arith.addi %iota3A_195, %add3A_197 : vector<16xi32>
    %swap3A_199 = arith.constant 3 : i32
    %swap3A_200 = arith.index_cast %swap3A_199 : i32 to index
    %swap3A_201 = arith.constant 0 : index
    %swap3A_202 = tpu.vector_load %arg11[%swap3A_200, %swap3A_201] {strides = array<i32>} : memref<4x128xi32, #tpu.memory_space<vmem>>, vector<16xi32>,
    tpu.vector_store %arg11[%swap3A_200, %swap3A_201], %add3A_198 {strides = array<i32>} : memref<4x128xi32, #tpu.memory_space<vmem>>, vector<16xi32>,
    %iota3A_203 = tpu.iota {dimensions = array<i32: 0>} : vector<16xi32>
    %add3A_204 = arith.constant 400 : i32
    %add3A_205 = vector.broadcast %add3A_204 : i32 to vector<16xi32>
    %add3A_206 = arith.addi %iota3A_203, %add3A_205 : vector<16xi32>
    %swap3A_207 = arith.constant 3 : i32
    %swap3A_208 = arith.index_cast %swap3A_207 : i32 to index
    %swap3A_209 = arith.constant 16 : index
    %swap3A_210 = tpu.vector_load %arg11[%swap3A_208, %swap3A_209] {strides = array<i32>} : memref<4x128xi32, #tpu.memory_space<vmem>>, vector<16xi32>,
    tpu.vector_store %arg11[%swap3A_208, %swap3A_209], %add3A_206 {strides = array<i32>} : memref<4x128xi32, #tpu.memory_space<vmem>>, vector<16xi32>,
    %iota3A_211 = tpu.iota {dimensions = array<i32: 0>} : vector<16xi32>
    %add3A_212 = arith.constant 416 : i32
    %add3A_213 = vector.broadcast %add3A_212 : i32 to vector<16xi32>
    %add3A_214 = arith.addi %iota3A_211, %add3A_213 : vector<16xi32>
    %swap3A_215 = arith.constant 3 : i32
    %swap3A_216 = arith.index_cast %swap3A_215 : i32 to index
    %swap3A_217 = arith.constant 32 : index
    %swap3A_218 = tpu.vector_load %arg11[%swap3A_216, %swap3A_217] {strides = array<i32>} : memref<4x128xi32, #tpu.memory_space<vmem>>, vector<16xi32>,
    tpu.vector_store %arg11[%swap3A_216, %swap3A_217], %add3A_214 {strides = array<i32>} : memref<4x128xi32, #tpu.memory_space<vmem>>, vector<16xi32>,
    %iota3A_219 = tpu.iota {dimensions = array<i32: 0>} : vector<16xi32>
    %add3A_220 = arith.constant 432 : i32
    %add3A_221 = vector.broadcast %add3A_220 : i32 to vector<16xi32>
    %add3A_222 = arith.addi %iota3A_219, %add3A_221 : vector<16xi32>
    %swap3A_223 = arith.constant 3 : i32
    %swap3A_224 = arith.index_cast %swap3A_223 : i32 to index
    %swap3A_225 = arith.constant 48 : index
    %swap3A_226 = tpu.vector_load %arg11[%swap3A_224, %swap3A_225] {strides = array<i32>} : memref<4x128xi32, #tpu.memory_space<vmem>>, vector<16xi32>,
    tpu.vector_store %arg11[%swap3A_224, %swap3A_225], %add3A_222 {strides = array<i32>} : memref<4x128xi32, #tpu.memory_space<vmem>>, vector<16xi32>,
    %iota3A_227 = tpu.iota {dimensions = array<i32: 0>} : vector<16xi32>
    %add3A_228 = arith.constant 448 : i32
    %add3A_229 = vector.broadcast %add3A_228 : i32 to vector<16xi32>
    %add3A_230 = arith.addi %iota3A_227, %add3A_229 : vector<16xi32>
    %swap3A_231 = arith.constant 3 : i32
    %swap3A_232 = arith.index_cast %swap3A_231 : i32 to index
    %swap3A_233 = arith.constant 64 : index
    %swap3A_234 = tpu.vector_load %arg11[%swap3A_232, %swap3A_233] {strides = array<i32>} : memref<4x128xi32, #tpu.memory_space<vmem>>, vector<16xi32>,
    tpu.vector_store %arg11[%swap3A_232, %swap3A_233], %add3A_230 {strides = array<i32>} : memref<4x128xi32, #tpu.memory_space<vmem>>, vector<16xi32>,
    %iota3A_235 = tpu.iota {dimensions = array<i32: 0>} : vector<16xi32>
    %add3A_236 = arith.constant 464 : i32
    %add3A_237 = vector.broadcast %add3A_236 : i32 to vector<16xi32>
    %add3A_238 = arith.addi %iota3A_235, %add3A_237 : vector<16xi32>
    %swap3A_239 = arith.constant 3 : i32
    %swap3A_240 = arith.index_cast %swap3A_239 : i32 to index
    %swap3A_241 = arith.constant 80 : index
    %swap3A_242 = tpu.vector_load %arg11[%swap3A_240, %swap3A_241] {strides = array<i32>} : memref<4x128xi32, #tpu.memory_space<vmem>>, vector<16xi32>,
    tpu.vector_store %arg11[%swap3A_240, %swap3A_241], %add3A_238 {strides = array<i32>} : memref<4x128xi32, #tpu.memory_space<vmem>>, vector<16xi32>,
    %iota3A_243 = tpu.iota {dimensions = array<i32: 0>} : vector<16xi32>
    %add3A_244 = arith.constant 480 : i32
    %add3A_245 = vector.broadcast %add3A_244 : i32 to vector<16xi32>
    %add3A_246 = arith.addi %iota3A_243, %add3A_245 : vector<16xi32>
    %swap3A_247 = arith.constant 3 : i32
    %swap3A_248 = arith.index_cast %swap3A_247 : i32 to index
    %swap3A_249 = arith.constant 96 : index
    %swap3A_250 = tpu.vector_load %arg11[%swap3A_248, %swap3A_249] {strides = array<i32>} : memref<4x128xi32, #tpu.memory_space<vmem>>, vector<16xi32>,
    tpu.vector_store %arg11[%swap3A_248, %swap3A_249], %add3A_246 {strides = array<i32>} : memref<4x128xi32, #tpu.memory_space<vmem>>, vector<16xi32>,
    %iota3A_251 = tpu.iota {dimensions = array<i32: 0>} : vector<16xi32>
    %add3A_252 = arith.constant 496 : i32
    %add3A_253 = vector.broadcast %add3A_252 : i32 to vector<16xi32>
    %add3A_254 = arith.addi %iota3A_251, %add3A_253 : vector<16xi32>
    %swap3A_255 = arith.constant 3 : i32
    %swap3A_256 = arith.index_cast %swap3A_255 : i32 to index
    %swap3A_257 = arith.constant 112 : index
    %swap3A_258 = tpu.vector_load %arg11[%swap3A_256, %swap3A_257] {strides = array<i32>} : memref<4x128xi32, #tpu.memory_space<vmem>>, vector<16xi32>,
    tpu.vector_store %arg11[%swap3A_256, %swap3A_257], %add3A_254 {strides = array<i32>} : memref<4x128xi32, #tpu.memory_space<vmem>>, vector<16xi32>,
    %eq3A = arith.constant 0 : i32
    %eq3A_259 = arith.cmpi eq, %arg1, %eq3A : i32
    %convert_element_type3A = arith.extui %eq3A_259 : i1 to i32
    %cond3A = arith.constant 0 : i32
    %cond3A_260 = arith.cmpi ne, %convert_element_type3A, %cond3A : i32
    scf.if %cond3A_260 {
      "tpu.region"() ({
        %run_scoped3A_323 = tpu.sem_alloc : memref<!tpu.dma_semaphore, #tpu.memory_space<semaphore_mem>>
        tpu.enqueue_dma source(%arg9 : memref<512x128xi32, #tpu.memory_space<vmem>>) target(%arg12 : memref<512x128xi32, #tpu.memory_space<vmem_shared>>) target_semaphore(%run_scoped3A_323 : memref<!tpu.dma_semaphore, #tpu.memory_space<semaphore_mem>>)
        tpu.wait_dma2 semaphore(%run_scoped3A_323 : memref<!tpu.dma_semaphore, #tpu.memory_space<semaphore_mem>>) src(%arg9 : memref<512x128xi32, #tpu.memory_space<vmem>>) dst(%arg12 : memref<512x128xi32, #tpu.memory_space<vmem_shared>>)
        tpu.yield
      }) : () -> ()
    } else {
    }
    %broadcast_in_dim3A = arith.constant 1 : i32
    %broadcast_in_dim3A_261 = vector.broadcast %broadcast_in_dim3A : i32 to vector<16xi32>
    %add3A_262 = arith.constant 0 : i32
    %add3A_263 = arith.addi %mul3A_2, %add3A_262 : i32
    %add3A_264 = arith.constant 16384 : i32
    %add3A_265 = arith.addi %mul3A_2, %add3A_264 : i32
    %add3A_266 = arith.constant 0 : i32
    %add3A_267 = arith.addi %mul3A_2, %add3A_266 : i32
    %add3A_268 = arith.constant 16384 : i32
    %add3A_269 = arith.addi %mul3A_2, %add3A_268 : i32
    %add3A_270 = arith.constant 0 : i32
    %add3A_271 = arith.addi %mul3A_2, %add3A_270 : i32
    %add3A_272 = arith.constant 16384 : i32
    %add3A_273 = arith.addi %mul3A_2, %add3A_272 : i32
    %dma_start3A = tpu.memref_slice %arg2[%add3A_263] : memref<1048576xi32, #tpu.memory_space<hbm>> -> memref<16384xi32, #tpu.memory_space<hbm>>
    %dma_start3A_274 = tpu.memref_slice %arg2[%add3A_263] : memref<1048576xi32, #tpu.memory_space<hbm>> -> memref<16384xi32, #tpu.memory_space<hbm>>
    tpu.enqueue_dma source(%dma_start3A_274 : memref<16384xi32, #tpu.memory_space<hbm>>) target(%arg7 : memref<16384xi32, #tpu.memory_space<vmem>>) target_semaphore(%arg13 : memref<!tpu.dma_semaphore, #tpu.memory_space<semaphore_mem>>)
    %dma_wait3A = tpu.memref_slice %arg2[%add3A_263] : memref<1048576xi32, #tpu.memory_space<hbm>> -> memref<16384xi32, #tpu.memory_space<hbm>>
    %dma_wait3A_275 = tpu.memref_slice %arg2[%add3A_263] : memref<1048576xi32, #tpu.memory_space<hbm>> -> memref<16384xi32, #tpu.memory_space<hbm>>
    tpu.wait_dma2 semaphore(%arg13 : memref<!tpu.dma_semaphore, #tpu.memory_space<semaphore_mem>>) src(%dma_wait3A_275 : memref<16384xi32, #tpu.memory_space<hbm>>) dst(%arg7 : memref<16384xi32, #tpu.memory_space<vmem>>)
    %dma_start3A_276 = tpu.memref_slice %arg2[%add3A_265] : memref<1048576xi32, #tpu.memory_space<hbm>> -> memref<16384xi32, #tpu.memory_space<hbm>>
    %dma_start3A_277 = tpu.memref_slice %arg2[%add3A_265] : memref<1048576xi32, #tpu.memory_space<hbm>> -> memref<16384xi32, #tpu.memory_space<hbm>>
    tpu.enqueue_dma source(%dma_start3A_277 : memref<16384xi32, #tpu.memory_space<hbm>>) target(%arg8 : memref<16384xi32, #tpu.memory_space<vmem>>) target_semaphore(%arg14 : memref<!tpu.dma_semaphore, #tpu.memory_space<semaphore_mem>>)
    %parallel_loop3A_278 = arith.constant 0 : i32
    %parallel_loop3A_279 = arith.constant 1024 : i32
    %parallel_loop3A_280 = arith.constant 1 : i32
    scf.for %parallel_loop3A_323 = %parallel_loop3A_278 to %parallel_loop3A_279 step %parallel_loop3A_280  : i32 {
      %parallel_loop3A_324 = arith.constant 16 : i32
      %parallel_loop3A_325 = arith.muli %parallel_loop3A_323, %parallel_loop3A_324 : i32
      %parallel_loop3A_326 = arith.index_cast %parallel_loop3A_325 : i32 to index
      %parallel_loop3A_327 = tpu.vector_load %arg7[%parallel_loop3A_326] {strides = array<i32>} : memref<16384xi32, #tpu.memory_space<vmem>>, vector<16xi32>,
      %parallel_loop3A_328 = arith.constant 31 : i32
      %parallel_loop3A_329 = vector.broadcast %parallel_loop3A_328 : i32 to vector<16xi32>
      %parallel_loop3A_330 = arith.shrsi %parallel_loop3A_327, %parallel_loop3A_329 : vector<16xi32>
      %parallel_loop3A_331 = arith.constant 2147483647 : i32
      %parallel_loop3A_332 = vector.broadcast %parallel_loop3A_331 : i32 to vector<16xi32>
      %parallel_loop3A_333 = arith.andi %parallel_loop3A_330, %parallel_loop3A_332 : vector<16xi32>
      %parallel_loop3A_334 = arith.xori %parallel_loop3A_327, %parallel_loop3A_333 : vector<16xi32>
      %parallel_loop3A_335 = arith.constant 23 : i32
      %parallel_loop3A_336 = vector.broadcast %parallel_loop3A_335 : i32 to vector<16xi32>
      %parallel_loop3A_337 = arith.shrsi %parallel_loop3A_334, %parallel_loop3A_336 : vector<16xi32>
      %parallel_loop3A_338 = arith.constant 256 : i32
      %parallel_loop3A_339 = vector.broadcast %parallel_loop3A_338 : i32 to vector<16xi32>
      %parallel_loop3A_340 = arith.addi %parallel_loop3A_337, %parallel_loop3A_339 : vector<16xi32>
      %parallel_loop3A_341 = arith.constant 16 : i32
      %parallel_loop3A_342 = vector.broadcast %parallel_loop3A_341 : i32 to vector<16xi32>
      %parallel_loop3A_343 = arith.shrsi %parallel_loop3A_334, %parallel_loop3A_342 : vector<16xi32>
      %parallel_loop3A_344 = arith.constant 127 : i32
      %parallel_loop3A_345 = vector.broadcast %parallel_loop3A_344 : i32 to vector<16xi32>
      %parallel_loop3A_346 = arith.andi %parallel_loop3A_343, %parallel_loop3A_345 : vector<16xi32>
      tpu.vector_store_idx %arg9[%parallel_loop3A_340, %parallel_loop3A_346], %broadcast_in_dim3A_261 {add = true} : memref<512x128xi32, #tpu.memory_space<vmem>>[vector<16xi32>, vector<16xi32>], vector<16xi32>,
    } {sc.loop_unroll_factor = 8 : i64, sc.parallel_access}
    %dma_wait3A_281 = tpu.memref_slice %arg2[%add3A_265] : memref<1048576xi32, #tpu.memory_space<hbm>> -> memref<16384xi32, #tpu.memory_space<hbm>>
    %dma_wait3A_282 = tpu.memref_slice %arg2[%add3A_265] : memref<1048576xi32, #tpu.memory_space<hbm>> -> memref<16384xi32, #tpu.memory_space<hbm>>
    tpu.wait_dma2 semaphore(%arg14 : memref<!tpu.dma_semaphore, #tpu.memory_space<semaphore_mem>>) src(%dma_wait3A_282 : memref<16384xi32, #tpu.memory_space<hbm>>) dst(%arg8 : memref<16384xi32, #tpu.memory_space<vmem>>)
    %dma_start3A_283 = tpu.memref_slice %arg3[%add3A_267] : memref<1048576xi32, #tpu.memory_space<hbm>> -> memref<16384xi32, #tpu.memory_space<hbm>>
    %dma_start3A_284 = tpu.memref_slice %arg3[%add3A_267] : memref<1048576xi32, #tpu.memory_space<hbm>> -> memref<16384xi32, #tpu.memory_space<hbm>>
    tpu.enqueue_dma source(%dma_start3A_284 : memref<16384xi32, #tpu.memory_space<hbm>>) target(%arg7 : memref<16384xi32, #tpu.memory_space<vmem>>) target_semaphore(%arg13 : memref<!tpu.dma_semaphore, #tpu.memory_space<semaphore_mem>>)
    %parallel_loop3A_285 = arith.constant 0 : i32
    %parallel_loop3A_286 = arith.constant 1024 : i32
    %parallel_loop3A_287 = arith.constant 1 : i32
    scf.for %parallel_loop3A_323 = %parallel_loop3A_285 to %parallel_loop3A_286 step %parallel_loop3A_287  : i32 {
      %parallel_loop3A_324 = arith.constant 16 : i32
      %parallel_loop3A_325 = arith.muli %parallel_loop3A_323, %parallel_loop3A_324 : i32
      %parallel_loop3A_326 = arith.index_cast %parallel_loop3A_325 : i32 to index
      %parallel_loop3A_327 = tpu.vector_load %arg8[%parallel_loop3A_326] {strides = array<i32>} : memref<16384xi32, #tpu.memory_space<vmem>>, vector<16xi32>,
      %parallel_loop3A_328 = arith.constant 31 : i32
      %parallel_loop3A_329 = vector.broadcast %parallel_loop3A_328 : i32 to vector<16xi32>
      %parallel_loop3A_330 = arith.shrsi %parallel_loop3A_327, %parallel_loop3A_329 : vector<16xi32>
      %parallel_loop3A_331 = arith.constant 2147483647 : i32
      %parallel_loop3A_332 = vector.broadcast %parallel_loop3A_331 : i32 to vector<16xi32>
      %parallel_loop3A_333 = arith.andi %parallel_loop3A_330, %parallel_loop3A_332 : vector<16xi32>
      %parallel_loop3A_334 = arith.xori %parallel_loop3A_327, %parallel_loop3A_333 : vector<16xi32>
      %parallel_loop3A_335 = arith.constant 23 : i32
      %parallel_loop3A_336 = vector.broadcast %parallel_loop3A_335 : i32 to vector<16xi32>
      %parallel_loop3A_337 = arith.shrsi %parallel_loop3A_334, %parallel_loop3A_336 : vector<16xi32>
      %parallel_loop3A_338 = arith.constant 256 : i32
      %parallel_loop3A_339 = vector.broadcast %parallel_loop3A_338 : i32 to vector<16xi32>
      %parallel_loop3A_340 = arith.addi %parallel_loop3A_337, %parallel_loop3A_339 : vector<16xi32>
      %parallel_loop3A_341 = arith.constant 16 : i32
      %parallel_loop3A_342 = vector.broadcast %parallel_loop3A_341 : i32 to vector<16xi32>
      %parallel_loop3A_343 = arith.shrsi %parallel_loop3A_334, %parallel_loop3A_342 : vector<16xi32>
      %parallel_loop3A_344 = arith.constant 127 : i32
      %parallel_loop3A_345 = vector.broadcast %parallel_loop3A_344 : i32 to vector<16xi32>
      %parallel_loop3A_346 = arith.andi %parallel_loop3A_343, %parallel_loop3A_345 : vector<16xi32>
      tpu.vector_store_idx %arg9[%parallel_loop3A_340, %parallel_loop3A_346], %broadcast_in_dim3A_261 {add = true} : memref<512x128xi32, #tpu.memory_space<vmem>>[vector<16xi32>, vector<16xi32>], vector<16xi32>,
    } {sc.loop_unroll_factor = 8 : i64, sc.parallel_access}
    %dma_wait3A_288 = tpu.memref_slice %arg3[%add3A_267] : memref<1048576xi32, #tpu.memory_space<hbm>> -> memref<16384xi32, #tpu.memory_space<hbm>>
    %dma_wait3A_289 = tpu.memref_slice %arg3[%add3A_267] : memref<1048576xi32, #tpu.memory_space<hbm>> -> memref<16384xi32, #tpu.memory_space<hbm>>
    tpu.wait_dma2 semaphore(%arg13 : memref<!tpu.dma_semaphore, #tpu.memory_space<semaphore_mem>>) src(%dma_wait3A_289 : memref<16384xi32, #tpu.memory_space<hbm>>) dst(%arg7 : memref<16384xi32, #tpu.memory_space<vmem>>)
    %dma_start3A_290 = tpu.memref_slice %arg3[%add3A_269] : memref<1048576xi32, #tpu.memory_space<hbm>> -> memref<16384xi32, #tpu.memory_space<hbm>>
    %dma_start3A_291 = tpu.memref_slice %arg3[%add3A_269] : memref<1048576xi32, #tpu.memory_space<hbm>> -> memref<16384xi32, #tpu.memory_space<hbm>>
    tpu.enqueue_dma source(%dma_start3A_291 : memref<16384xi32, #tpu.memory_space<hbm>>) target(%arg8 : memref<16384xi32, #tpu.memory_space<vmem>>) target_semaphore(%arg14 : memref<!tpu.dma_semaphore, #tpu.memory_space<semaphore_mem>>)
    %parallel_loop3A_292 = arith.constant 0 : i32
    %parallel_loop3A_293 = arith.constant 1024 : i32
    %parallel_loop3A_294 = arith.constant 1 : i32
    scf.for %parallel_loop3A_323 = %parallel_loop3A_292 to %parallel_loop3A_293 step %parallel_loop3A_294  : i32 {
      %parallel_loop3A_324 = arith.constant 16 : i32
      %parallel_loop3A_325 = arith.muli %parallel_loop3A_323, %parallel_loop3A_324 : i32
      %parallel_loop3A_326 = arith.index_cast %parallel_loop3A_325 : i32 to index
      %parallel_loop3A_327 = tpu.vector_load %arg7[%parallel_loop3A_326] {strides = array<i32>} : memref<16384xi32, #tpu.memory_space<vmem>>, vector<16xi32>,
      %parallel_loop3A_328 = arith.constant 31 : i32
      %parallel_loop3A_329 = vector.broadcast %parallel_loop3A_328 : i32 to vector<16xi32>
      %parallel_loop3A_330 = arith.shrsi %parallel_loop3A_327, %parallel_loop3A_329 : vector<16xi32>
      %parallel_loop3A_331 = arith.constant 2147483647 : i32
      %parallel_loop3A_332 = vector.broadcast %parallel_loop3A_331 : i32 to vector<16xi32>
      %parallel_loop3A_333 = arith.andi %parallel_loop3A_330, %parallel_loop3A_332 : vector<16xi32>
      %parallel_loop3A_334 = arith.xori %parallel_loop3A_327, %parallel_loop3A_333 : vector<16xi32>
      %parallel_loop3A_335 = arith.constant 23 : i32
      %parallel_loop3A_336 = vector.broadcast %parallel_loop3A_335 : i32 to vector<16xi32>
      %parallel_loop3A_337 = arith.shrsi %parallel_loop3A_334, %parallel_loop3A_336 : vector<16xi32>
      %parallel_loop3A_338 = arith.constant 256 : i32
      %parallel_loop3A_339 = vector.broadcast %parallel_loop3A_338 : i32 to vector<16xi32>
      %parallel_loop3A_340 = arith.addi %parallel_loop3A_337, %parallel_loop3A_339 : vector<16xi32>
      %parallel_loop3A_341 = arith.constant 16 : i32
      %parallel_loop3A_342 = vector.broadcast %parallel_loop3A_341 : i32 to vector<16xi32>
      %parallel_loop3A_343 = arith.shrsi %parallel_loop3A_334, %parallel_loop3A_342 : vector<16xi32>
      %parallel_loop3A_344 = arith.constant 127 : i32
      %parallel_loop3A_345 = vector.broadcast %parallel_loop3A_344 : i32 to vector<16xi32>
      %parallel_loop3A_346 = arith.andi %parallel_loop3A_343, %parallel_loop3A_345 : vector<16xi32>
      tpu.vector_store_idx %arg9[%parallel_loop3A_340, %parallel_loop3A_346], %broadcast_in_dim3A_261 {add = true} : memref<512x128xi32, #tpu.memory_space<vmem>>[vector<16xi32>, vector<16xi32>], vector<16xi32>,
    } {sc.loop_unroll_factor = 8 : i64, sc.parallel_access}
    %dma_wait3A_295 = tpu.memref_slice %arg3[%add3A_269] : memref<1048576xi32, #tpu.memory_space<hbm>> -> memref<16384xi32, #tpu.memory_space<hbm>>
    %dma_wait3A_296 = tpu.memref_slice %arg3[%add3A_269] : memref<1048576xi32, #tpu.memory_space<hbm>> -> memref<16384xi32, #tpu.memory_space<hbm>>
    tpu.wait_dma2 semaphore(%arg14 : memref<!tpu.dma_semaphore, #tpu.memory_space<semaphore_mem>>) src(%dma_wait3A_296 : memref<16384xi32, #tpu.memory_space<hbm>>) dst(%arg8 : memref<16384xi32, #tpu.memory_space<vmem>>)
    %dma_start3A_297 = tpu.memref_slice %arg4[%add3A_271] : memref<1048576xi32, #tpu.memory_space<hbm>> -> memref<16384xi32, #tpu.memory_space<hbm>>
    %dma_start3A_298 = tpu.memref_slice %arg4[%add3A_271] : memref<1048576xi32, #tpu.memory_space<hbm>> -> memref<16384xi32, #tpu.memory_space<hbm>>
    tpu.enqueue_dma source(%dma_start3A_298 : memref<16384xi32, #tpu.memory_space<hbm>>) target(%arg7 : memref<16384xi32, #tpu.memory_space<vmem>>) target_semaphore(%arg13 : memref<!tpu.dma_semaphore, #tpu.memory_space<semaphore_mem>>)
    %parallel_loop3A_299 = arith.constant 0 : i32
    %parallel_loop3A_300 = arith.constant 1024 : i32
    %parallel_loop3A_301 = arith.constant 1 : i32
    scf.for %parallel_loop3A_323 = %parallel_loop3A_299 to %parallel_loop3A_300 step %parallel_loop3A_301  : i32 {
      %parallel_loop3A_324 = arith.constant 16 : i32
      %parallel_loop3A_325 = arith.muli %parallel_loop3A_323, %parallel_loop3A_324 : i32
      %parallel_loop3A_326 = arith.index_cast %parallel_loop3A_325 : i32 to index
      %parallel_loop3A_327 = tpu.vector_load %arg8[%parallel_loop3A_326] {strides = array<i32>} : memref<16384xi32, #tpu.memory_space<vmem>>, vector<16xi32>,
      %parallel_loop3A_328 = arith.constant 31 : i32
      %parallel_loop3A_329 = vector.broadcast %parallel_loop3A_328 : i32 to vector<16xi32>
      %parallel_loop3A_330 = arith.shrsi %parallel_loop3A_327, %parallel_loop3A_329 : vector<16xi32>
      %parallel_loop3A_331 = arith.constant 2147483647 : i32
      %parallel_loop3A_332 = vector.broadcast %parallel_loop3A_331 : i32 to vector<16xi32>
      %parallel_loop3A_333 = arith.andi %parallel_loop3A_330, %parallel_loop3A_332 : vector<16xi32>
      %parallel_loop3A_334 = arith.xori %parallel_loop3A_327, %parallel_loop3A_333 : vector<16xi32>
      %parallel_loop3A_335 = arith.constant 23 : i32
      %parallel_loop3A_336 = vector.broadcast %parallel_loop3A_335 : i32 to vector<16xi32>
      %parallel_loop3A_337 = arith.shrsi %parallel_loop3A_334, %parallel_loop3A_336 : vector<16xi32>
      %parallel_loop3A_338 = arith.constant 256 : i32
      %parallel_loop3A_339 = vector.broadcast %parallel_loop3A_338 : i32 to vector<16xi32>
      %parallel_loop3A_340 = arith.addi %parallel_loop3A_337, %parallel_loop3A_339 : vector<16xi32>
      %parallel_loop3A_341 = arith.constant 16 : i32
      %parallel_loop3A_342 = vector.broadcast %parallel_loop3A_341 : i32 to vector<16xi32>
      %parallel_loop3A_343 = arith.shrsi %parallel_loop3A_334, %parallel_loop3A_342 : vector<16xi32>
      %parallel_loop3A_344 = arith.constant 127 : i32
      %parallel_loop3A_345 = vector.broadcast %parallel_loop3A_344 : i32 to vector<16xi32>
      %parallel_loop3A_346 = arith.andi %parallel_loop3A_343, %parallel_loop3A_345 : vector<16xi32>
      tpu.vector_store_idx %arg9[%parallel_loop3A_340, %parallel_loop3A_346], %broadcast_in_dim3A_261 {add = true} : memref<512x128xi32, #tpu.memory_space<vmem>>[vector<16xi32>, vector<16xi32>], vector<16xi32>,
    } {sc.loop_unroll_factor = 8 : i64, sc.parallel_access}
    %dma_wait3A_302 = tpu.memref_slice %arg4[%add3A_271] : memref<1048576xi32, #tpu.memory_space<hbm>> -> memref<16384xi32, #tpu.memory_space<hbm>>
    %dma_wait3A_303 = tpu.memref_slice %arg4[%add3A_271] : memref<1048576xi32, #tpu.memory_space<hbm>> -> memref<16384xi32, #tpu.memory_space<hbm>>
    tpu.wait_dma2 semaphore(%arg13 : memref<!tpu.dma_semaphore, #tpu.memory_space<semaphore_mem>>) src(%dma_wait3A_303 : memref<16384xi32, #tpu.memory_space<hbm>>) dst(%arg7 : memref<16384xi32, #tpu.memory_space<vmem>>)
    %dma_start3A_304 = tpu.memref_slice %arg4[%add3A_273] : memref<1048576xi32, #tpu.memory_space<hbm>> -> memref<16384xi32, #tpu.memory_space<hbm>>
    %dma_start3A_305 = tpu.memref_slice %arg4[%add3A_273] : memref<1048576xi32, #tpu.memory_space<hbm>> -> memref<16384xi32, #tpu.memory_space<hbm>>
    tpu.enqueue_dma source(%dma_start3A_305 : memref<16384xi32, #tpu.memory_space<hbm>>) target(%arg8 : memref<16384xi32, #tpu.memory_space<vmem>>) target_semaphore(%arg14 : memref<!tpu.dma_semaphore, #tpu.memory_space<semaphore_mem>>)
    %parallel_loop3A_306 = arith.constant 0 : i32
    %parallel_loop3A_307 = arith.constant 1024 : i32
    %parallel_loop3A_308 = arith.constant 1 : i32
    scf.for %parallel_loop3A_323 = %parallel_loop3A_306 to %parallel_loop3A_307 step %parallel_loop3A_308  : i32 {
      %parallel_loop3A_324 = arith.constant 16 : i32
      %parallel_loop3A_325 = arith.muli %parallel_loop3A_323, %parallel_loop3A_324 : i32
      %parallel_loop3A_326 = arith.index_cast %parallel_loop3A_325 : i32 to index
      %parallel_loop3A_327 = tpu.vector_load %arg7[%parallel_loop3A_326] {strides = array<i32>} : memref<16384xi32, #tpu.memory_space<vmem>>, vector<16xi32>,
      %parallel_loop3A_328 = arith.constant 31 : i32
      %parallel_loop3A_329 = vector.broadcast %parallel_loop3A_328 : i32 to vector<16xi32>
      %parallel_loop3A_330 = arith.shrsi %parallel_loop3A_327, %parallel_loop3A_329 : vector<16xi32>
      %parallel_loop3A_331 = arith.constant 2147483647 : i32
      %parallel_loop3A_332 = vector.broadcast %parallel_loop3A_331 : i32 to vector<16xi32>
      %parallel_loop3A_333 = arith.andi %parallel_loop3A_330, %parallel_loop3A_332 : vector<16xi32>
      %parallel_loop3A_334 = arith.xori %parallel_loop3A_327, %parallel_loop3A_333 : vector<16xi32>
      %parallel_loop3A_335 = arith.constant 23 : i32
      %parallel_loop3A_336 = vector.broadcast %parallel_loop3A_335 : i32 to vector<16xi32>
      %parallel_loop3A_337 = arith.shrsi %parallel_loop3A_334, %parallel_loop3A_336 : vector<16xi32>
      %parallel_loop3A_338 = arith.constant 256 : i32
      %parallel_loop3A_339 = vector.broadcast %parallel_loop3A_338 : i32 to vector<16xi32>
      %parallel_loop3A_340 = arith.addi %parallel_loop3A_337, %parallel_loop3A_339 : vector<16xi32>
      %parallel_loop3A_341 = arith.constant 16 : i32
      %parallel_loop3A_342 = vector.broadcast %parallel_loop3A_341 : i32 to vector<16xi32>
      %parallel_loop3A_343 = arith.shrsi %parallel_loop3A_334, %parallel_loop3A_342 : vector<16xi32>
      %parallel_loop3A_344 = arith.constant 127 : i32
      %parallel_loop3A_345 = vector.broadcast %parallel_loop3A_344 : i32 to vector<16xi32>
      %parallel_loop3A_346 = arith.andi %parallel_loop3A_343, %parallel_loop3A_345 : vector<16xi32>
      tpu.vector_store_idx %arg9[%parallel_loop3A_340, %parallel_loop3A_346], %broadcast_in_dim3A_261 {add = true} : memref<512x128xi32, #tpu.memory_space<vmem>>[vector<16xi32>, vector<16xi32>], vector<16xi32>,
    } {sc.loop_unroll_factor = 8 : i64, sc.parallel_access}
    %dma_wait3A_309 = tpu.memref_slice %arg4[%add3A_273] : memref<1048576xi32, #tpu.memory_space<hbm>> -> memref<16384xi32, #tpu.memory_space<hbm>>
    %dma_wait3A_310 = tpu.memref_slice %arg4[%add3A_273] : memref<1048576xi32, #tpu.memory_space<hbm>> -> memref<16384xi32, #tpu.memory_space<hbm>>
    tpu.wait_dma2 semaphore(%arg14 : memref<!tpu.dma_semaphore, #tpu.memory_space<semaphore_mem>>) src(%dma_wait3A_310 : memref<16384xi32, #tpu.memory_space<hbm>>) dst(%arg8 : memref<16384xi32, #tpu.memory_space<vmem>>)
    %parallel_loop3A_311 = arith.constant 0 : i32
    %parallel_loop3A_312 = arith.constant 1024 : i32
    %parallel_loop3A_313 = arith.constant 1 : i32
    scf.for %parallel_loop3A_323 = %parallel_loop3A_311 to %parallel_loop3A_312 step %parallel_loop3A_313  : i32 {
      %parallel_loop3A_324 = arith.constant 16 : i32
      %parallel_loop3A_325 = arith.muli %parallel_loop3A_323, %parallel_loop3A_324 : i32
      %parallel_loop3A_326 = arith.index_cast %parallel_loop3A_325 : i32 to index
      %parallel_loop3A_327 = tpu.vector_load %arg8[%parallel_loop3A_326] {strides = array<i32>} : memref<16384xi32, #tpu.memory_space<vmem>>, vector<16xi32>,
      %parallel_loop3A_328 = arith.constant 31 : i32
      %parallel_loop3A_329 = vector.broadcast %parallel_loop3A_328 : i32 to vector<16xi32>
      %parallel_loop3A_330 = arith.shrsi %parallel_loop3A_327, %parallel_loop3A_329 : vector<16xi32>
      %parallel_loop3A_331 = arith.constant 2147483647 : i32
      %parallel_loop3A_332 = vector.broadcast %parallel_loop3A_331 : i32 to vector<16xi32>
      %parallel_loop3A_333 = arith.andi %parallel_loop3A_330, %parallel_loop3A_332 : vector<16xi32>
      %parallel_loop3A_334 = arith.xori %parallel_loop3A_327, %parallel_loop3A_333 : vector<16xi32>
      %parallel_loop3A_335 = arith.constant 23 : i32
      %parallel_loop3A_336 = vector.broadcast %parallel_loop3A_335 : i32 to vector<16xi32>
      %parallel_loop3A_337 = arith.shrsi %parallel_loop3A_334, %parallel_loop3A_336 : vector<16xi32>
      %parallel_loop3A_338 = arith.constant 256 : i32
      %parallel_loop3A_339 = vector.broadcast %parallel_loop3A_338 : i32 to vector<16xi32>
      %parallel_loop3A_340 = arith.addi %parallel_loop3A_337, %parallel_loop3A_339 : vector<16xi32>
      %parallel_loop3A_341 = arith.constant 16 : i32
      %parallel_loop3A_342 = vector.broadcast %parallel_loop3A_341 : i32 to vector<16xi32>
      %parallel_loop3A_343 = arith.shrsi %parallel_loop3A_334, %parallel_loop3A_342 : vector<16xi32>
      %parallel_loop3A_344 = arith.constant 127 : i32
      %parallel_loop3A_345 = vector.broadcast %parallel_loop3A_344 : i32 to vector<16xi32>
      %parallel_loop3A_346 = arith.andi %parallel_loop3A_343, %parallel_loop3A_345 : vector<16xi32>
      tpu.vector_store_idx %arg9[%parallel_loop3A_340, %parallel_loop3A_346], %broadcast_in_dim3A_261 {add = true} : memref<512x128xi32, #tpu.memory_space<vmem>>[vector<16xi32>, vector<16xi32>], vector<16xi32>,
    } {sc.loop_unroll_factor = 8 : i64, sc.parallel_access}
    %barrier3A = arith.constant 0 : index
    tpu.barrier barrier_id(%barrier3A)
    %run_scoped3A = arith.constant 0 : i32
    "tpu.region"() ({
      %run_scoped3A_323 = tpu.sem_alloc : memref<!tpu.dma_semaphore, #tpu.memory_space<semaphore_mem>>
      %dma_start3A_324 = arith.constant 0 : i32
      %dma_start3A_325 = arith.constant 0 : i32
      %dma_start3A_326 = tpu.memref_slice %arg9[%dma_start3A_324, %dma_start3A_325] : memref<512x128xi32, #tpu.memory_space<vmem>> -> memref<128x128xi32, #tpu.memory_space<vmem>>
      %dma_start3A_327 = arith.constant 0 : i32
      %dma_start3A_328 = tpu.memref_slice %arg11[%run_scoped3A, %dma_start3A_327] : memref<4x128xi32, #tpu.memory_space<vmem>> -> memref<1x128xi32, #tpu.memory_space<vmem>>
      %dma_start3A_329 = tpu.memref_squeeze %dma_start3A_328 : memref<1x128xi32, #tpu.memory_space<vmem>> -> memref<128xi32, #tpu.memory_space<vmem>>
      %dma_start3A_330 = arith.constant 0 : i32
      %dma_start3A_331 = arith.constant 0 : i32
      %dma_start3A_332 = tpu.memref_slice %arg12[%dma_start3A_330, %dma_start3A_331] : memref<512x128xi32, #tpu.memory_space<vmem_shared>> -> memref<512x128xi32, #tpu.memory_space<vmem_shared>>
      tpu.enqueue_indirect_dma source(%dma_start3A_326 : memref<128x128xi32, #tpu.memory_space<vmem>>) target(%dma_start3A_332 : memref<512x128xi32, #tpu.memory_space<vmem_shared>>) offsets(%dma_start3A_329 : memref<128xi32, #tpu.memory_space<vmem>>) semaphore(%run_scoped3A_323 : memref<!tpu.dma_semaphore, #tpu.memory_space<semaphore_mem>>) {add = true}
      %dma_wait3A_333 = arith.constant 0 : i32
      %dma_wait3A_334 = arith.constant 0 : i32
      %dma_wait3A_335 = tpu.memref_slice %arg9[%dma_wait3A_333, %dma_wait3A_334] : memref<512x128xi32, #tpu.memory_space<vmem>> -> memref<128x128xi32, #tpu.memory_space<vmem>>
      %dma_wait3A_336 = arith.constant 0 : i32
      %dma_wait3A_337 = tpu.memref_slice %arg11[%run_scoped3A, %dma_wait3A_336] : memref<4x128xi32, #tpu.memory_space<vmem>> -> memref<1x128xi32, #tpu.memory_space<vmem>>
      %dma_wait3A_338 = tpu.memref_squeeze %dma_wait3A_337 : memref<1x128xi32, #tpu.memory_space<vmem>> -> memref<128xi32, #tpu.memory_space<vmem>>
      %dma_wait3A_339 = arith.constant 0 : i32
      %dma_wait3A_340 = arith.constant 0 : i32
      %dma_wait3A_341 = tpu.memref_slice %arg12[%dma_wait3A_339, %dma_wait3A_340] : memref<512x128xi32, #tpu.memory_space<vmem_shared>> -> memref<512x128xi32, #tpu.memory_space<vmem_shared>>
      tpu.wait_indirect_dma semaphore(%run_scoped3A_323 : memref<!tpu.dma_semaphore, #tpu.memory_space<semaphore_mem>>) src(%dma_wait3A_335 : memref<128x128xi32, #tpu.memory_space<vmem>>) dst(%dma_wait3A_341 : memref<512x128xi32, #tpu.memory_space<vmem_shared>>)
      tpu.yield
    }) : () -> ()
    %run_scoped3A_314 = arith.constant 1 : i32
    "tpu.region"() ({
      %run_scoped3A_323 = tpu.sem_alloc : memref<!tpu.dma_semaphore, #tpu.memory_space<semaphore_mem>>
      %dma_start3A_324 = arith.constant 128 : i32
      %dma_start3A_325 = arith.constant 0 : i32
      %dma_start3A_326 = tpu.memref_slice %arg9[%dma_start3A_324, %dma_start3A_325] : memref<512x128xi32, #tpu.memory_space<vmem>> -> memref<128x128xi32, #tpu.memory_space<vmem>>
      %dma_start3A_327 = arith.constant 0 : i32
      %dma_start3A_328 = tpu.memref_slice %arg11[%run_scoped3A_314, %dma_start3A_327] : memref<4x128xi32, #tpu.memory_space<vmem>> -> memref<1x128xi32, #tpu.memory_space<vmem>>
      %dma_start3A_329 = tpu.memref_squeeze %dma_start3A_328 : memref<1x128xi32, #tpu.memory_space<vmem>> -> memref<128xi32, #tpu.memory_space<vmem>>
      %dma_start3A_330 = arith.constant 0 : i32
      %dma_start3A_331 = arith.constant 0 : i32
      %dma_start3A_332 = tpu.memref_slice %arg12[%dma_start3A_330, %dma_start3A_331] : memref<512x128xi32, #tpu.memory_space<vmem_shared>> -> memref<512x128xi32, #tpu.memory_space<vmem_shared>>
      tpu.enqueue_indirect_dma source(%dma_start3A_326 : memref<128x128xi32, #tpu.memory_space<vmem>>) target(%dma_start3A_332 : memref<512x128xi32, #tpu.memory_space<vmem_shared>>) offsets(%dma_start3A_329 : memref<128xi32, #tpu.memory_space<vmem>>) semaphore(%run_scoped3A_323 : memref<!tpu.dma_semaphore, #tpu.memory_space<semaphore_mem>>) {add = true}
      %dma_wait3A_333 = arith.constant 128 : i32
      %dma_wait3A_334 = arith.constant 0 : i32
      %dma_wait3A_335 = tpu.memref_slice %arg9[%dma_wait3A_333, %dma_wait3A_334] : memref<512x128xi32, #tpu.memory_space<vmem>> -> memref<128x128xi32, #tpu.memory_space<vmem>>
      %dma_wait3A_336 = arith.constant 0 : i32
      %dma_wait3A_337 = tpu.memref_slice %arg11[%run_scoped3A_314, %dma_wait3A_336] : memref<4x128xi32, #tpu.memory_space<vmem>> -> memref<1x128xi32, #tpu.memory_space<vmem>>
      %dma_wait3A_338 = tpu.memref_squeeze %dma_wait3A_337 : memref<1x128xi32, #tpu.memory_space<vmem>> -> memref<128xi32, #tpu.memory_space<vmem>>
      %dma_wait3A_339 = arith.constant 0 : i32
      %dma_wait3A_340 = arith.constant 0 : i32
      %dma_wait3A_341 = tpu.memref_slice %arg12[%dma_wait3A_339, %dma_wait3A_340] : memref<512x128xi32, #tpu.memory_space<vmem_shared>> -> memref<512x128xi32, #tpu.memory_space<vmem_shared>>
      tpu.wait_indirect_dma semaphore(%run_scoped3A_323 : memref<!tpu.dma_semaphore, #tpu.memory_space<semaphore_mem>>) src(%dma_wait3A_335 : memref<128x128xi32, #tpu.memory_space<vmem>>) dst(%dma_wait3A_341 : memref<512x128xi32, #tpu.memory_space<vmem_shared>>)
      tpu.yield
    }) : () -> ()
    %run_scoped3A_315 = arith.constant 2 : i32
    "tpu.region"() ({
      %run_scoped3A_323 = tpu.sem_alloc : memref<!tpu.dma_semaphore, #tpu.memory_space<semaphore_mem>>
      %dma_start3A_324 = arith.constant 256 : i32
      %dma_start3A_325 = arith.constant 0 : i32
      %dma_start3A_326 = tpu.memref_slice %arg9[%dma_start3A_324, %dma_start3A_325] : memref<512x128xi32, #tpu.memory_space<vmem>> -> memref<128x128xi32, #tpu.memory_space<vmem>>
      %dma_start3A_327 = arith.constant 0 : i32
      %dma_start3A_328 = tpu.memref_slice %arg11[%run_scoped3A_315, %dma_start3A_327] : memref<4x128xi32, #tpu.memory_space<vmem>> -> memref<1x128xi32, #tpu.memory_space<vmem>>
      %dma_start3A_329 = tpu.memref_squeeze %dma_start3A_328 : memref<1x128xi32, #tpu.memory_space<vmem>> -> memref<128xi32, #tpu.memory_space<vmem>>
      %dma_start3A_330 = arith.constant 0 : i32
      %dma_start3A_331 = arith.constant 0 : i32
      %dma_start3A_332 = tpu.memref_slice %arg12[%dma_start3A_330, %dma_start3A_331] : memref<512x128xi32, #tpu.memory_space<vmem_shared>> -> memref<512x128xi32, #tpu.memory_space<vmem_shared>>
      tpu.enqueue_indirect_dma source(%dma_start3A_326 : memref<128x128xi32, #tpu.memory_space<vmem>>) target(%dma_start3A_332 : memref<512x128xi32, #tpu.memory_space<vmem_shared>>) offsets(%dma_start3A_329 : memref<128xi32, #tpu.memory_space<vmem>>) semaphore(%run_scoped3A_323 : memref<!tpu.dma_semaphore, #tpu.memory_space<semaphore_mem>>) {add = true}
      %dma_wait3A_333 = arith.constant 256 : i32
      %dma_wait3A_334 = arith.constant 0 : i32
      %dma_wait3A_335 = tpu.memref_slice %arg9[%dma_wait3A_333, %dma_wait3A_334] : memref<512x128xi32, #tpu.memory_space<vmem>> -> memref<128x128xi32, #tpu.memory_space<vmem>>
      %dma_wait3A_336 = arith.constant 0 : i32
      %dma_wait3A_337 = tpu.memref_slice %arg11[%run_scoped3A_315, %dma_wait3A_336] : memref<4x128xi32, #tpu.memory_space<vmem>> -> memref<1x128xi32, #tpu.memory_space<vmem>>
      %dma_wait3A_338 = tpu.memref_squeeze %dma_wait3A_337 : memref<1x128xi32, #tpu.memory_space<vmem>> -> memref<128xi32, #tpu.memory_space<vmem>>
      %dma_wait3A_339 = arith.constant 0 : i32
      %dma_wait3A_340 = arith.constant 0 : i32
      %dma_wait3A_341 = tpu.memref_slice %arg12[%dma_wait3A_339, %dma_wait3A_340] : memref<512x128xi32, #tpu.memory_space<vmem_shared>> -> memref<512x128xi32, #tpu.memory_space<vmem_shared>>
      tpu.wait_indirect_dma semaphore(%run_scoped3A_323 : memref<!tpu.dma_semaphore, #tpu.memory_space<semaphore_mem>>) src(%dma_wait3A_335 : memref<128x128xi32, #tpu.memory_space<vmem>>) dst(%dma_wait3A_341 : memref<512x128xi32, #tpu.memory_space<vmem_shared>>)
      tpu.yield
    }) : () -> ()
    %run_scoped3A_316 = arith.constant 3 : i32
    "tpu.region"() ({
      %run_scoped3A_323 = tpu.sem_alloc : memref<!tpu.dma_semaphore, #tpu.memory_space<semaphore_mem>>
      %dma_start3A_324 = arith.constant 384 : i32
      %dma_start3A_325 = arith.constant 0 : i32
      %dma_start3A_326 = tpu.memref_slice %arg9[%dma_start3A_324, %dma_start3A_325] : memref<512x128xi32, #tpu.memory_space<vmem>> -> memref<128x128xi32, #tpu.memory_space<vmem>>
      %dma_start3A_327 = arith.constant 0 : i32
      %dma_start3A_328 = tpu.memref_slice %arg11[%run_scoped3A_316, %dma_start3A_327] : memref<4x128xi32, #tpu.memory_space<vmem>> -> memref<1x128xi32, #tpu.memory_space<vmem>>
      %dma_start3A_329 = tpu.memref_squeeze %dma_start3A_328 : memref<1x128xi32, #tpu.memory_space<vmem>> -> memref<128xi32, #tpu.memory_space<vmem>>
      %dma_start3A_330 = arith.constant 0 : i32
      %dma_start3A_331 = arith.constant 0 : i32
      %dma_start3A_332 = tpu.memref_slice %arg12[%dma_start3A_330, %dma_start3A_331] : memref<512x128xi32, #tpu.memory_space<vmem_shared>> -> memref<512x128xi32, #tpu.memory_space<vmem_shared>>
      tpu.enqueue_indirect_dma source(%dma_start3A_326 : memref<128x128xi32, #tpu.memory_space<vmem>>) target(%dma_start3A_332 : memref<512x128xi32, #tpu.memory_space<vmem_shared>>) offsets(%dma_start3A_329 : memref<128xi32, #tpu.memory_space<vmem>>) semaphore(%run_scoped3A_323 : memref<!tpu.dma_semaphore, #tpu.memory_space<semaphore_mem>>) {add = true}
      %dma_wait3A_333 = arith.constant 384 : i32
      %dma_wait3A_334 = arith.constant 0 : i32
      %dma_wait3A_335 = tpu.memref_slice %arg9[%dma_wait3A_333, %dma_wait3A_334] : memref<512x128xi32, #tpu.memory_space<vmem>> -> memref<128x128xi32, #tpu.memory_space<vmem>>
      %dma_wait3A_336 = arith.constant 0 : i32
      %dma_wait3A_337 = tpu.memref_slice %arg11[%run_scoped3A_316, %dma_wait3A_336] : memref<4x128xi32, #tpu.memory_space<vmem>> -> memref<1x128xi32, #tpu.memory_space<vmem>>
      %dma_wait3A_338 = tpu.memref_squeeze %dma_wait3A_337 : memref<1x128xi32, #tpu.memory_space<vmem>> -> memref<128xi32, #tpu.memory_space<vmem>>
      %dma_wait3A_339 = arith.constant 0 : i32
      %dma_wait3A_340 = arith.constant 0 : i32
      %dma_wait3A_341 = tpu.memref_slice %arg12[%dma_wait3A_339, %dma_wait3A_340] : memref<512x128xi32, #tpu.memory_space<vmem_shared>> -> memref<512x128xi32, #tpu.memory_space<vmem_shared>>
      tpu.wait_indirect_dma semaphore(%run_scoped3A_323 : memref<!tpu.dma_semaphore, #tpu.memory_space<semaphore_mem>>) src(%dma_wait3A_335 : memref<128x128xi32, #tpu.memory_space<vmem>>) dst(%dma_wait3A_341 : memref<512x128xi32, #tpu.memory_space<vmem_shared>>)
      tpu.yield
    }) : () -> ()
    %barrier3A_317 = arith.constant 0 : index
    tpu.barrier barrier_id(%barrier3A_317)
    %eq3A_318 = arith.constant 0 : i32
    %eq3A_319 = arith.cmpi eq, %arg1, %eq3A_318 : i32
    %convert_element_type3A_320 = arith.extui %eq3A_319 : i1 to i32
    %cond3A_321 = arith.constant 0 : i32
    %cond3A_322 = arith.cmpi ne, %convert_element_type3A_320, %cond3A_321 : i32
    scf.if %cond3A_322 {
      "tpu.region"() ({
        %run_scoped3A_323 = tpu.sem_alloc : memref<!tpu.dma_semaphore, #tpu.memory_space<semaphore_mem>>
        %dma_start3A_324 = arith.constant 0 : i32
        %dma_start3A_325 = arith.constant 0 : i32
        %dma_start3A_326 = tpu.memref_slice %arg6[%arg0, %dma_start3A_324, %dma_start3A_325] : memref<2x512x128xi32, #tpu.memory_space<hbm>> -> memref<1x512x128xi32, #tpu.memory_space<hbm>>
        %dma_start3A_327 = tpu.memref_squeeze %dma_start3A_326 : memref<1x512x128xi32, #tpu.memory_space<hbm>> -> memref<512x128xi32, #tpu.memory_space<hbm>>
        tpu.enqueue_dma source(%arg12 : memref<512x128xi32, #tpu.memory_space<vmem_shared>>) target(%dma_start3A_327 : memref<512x128xi32, #tpu.memory_space<hbm>>) target_semaphore(%run_scoped3A_323 : memref<!tpu.dma_semaphore, #tpu.memory_space<semaphore_mem>>)
        %dma_wait3A_328 = arith.constant 0 : i32
        %dma_wait3A_329 = arith.constant 0 : i32
        %dma_wait3A_330 = tpu.memref_slice %arg6[%arg0, %dma_wait3A_328, %dma_wait3A_329] : memref<2x512x128xi32, #tpu.memory_space<hbm>> -> memref<1x512x128xi32, #tpu.memory_space<hbm>>
        %dma_wait3A_331 = tpu.memref_squeeze %dma_wait3A_330 : memref<1x512x128xi32, #tpu.memory_space<hbm>> -> memref<512x128xi32, #tpu.memory_space<hbm>>
        tpu.wait_dma2 semaphore(%run_scoped3A_323 : memref<!tpu.dma_semaphore, #tpu.memory_space<semaphore_mem>>) src(%arg12 : memref<512x128xi32, #tpu.memory_space<vmem_shared>>) dst(%dma_wait3A_331 : memref<512x128xi32, #tpu.memory_space<hbm>>)
        tpu.yield
      }) : () -> ()
    } else {
    }
    return
  }
}

#map = affine_map<(d0, d1) -> (0)>
#map1 = affine_map<(d0, d1) -> (0, 0, 0)>
module attributes {stable_mosaic.version = 14 : i64} {
  func.func @_sc_hist_common(%arg0: i32, %arg1: i32, %arg2: memref<1048576xi32, #tpu.memory_space<hbm>>, %arg3: memref<1048576xi32, #tpu.memory_space<hbm>>, %arg4: memref<1048576xi32, #tpu.memory_space<hbm>>, %arg5: memref<1024xi32, #tpu.memory_space<hbm>>, %arg6: memref<2x512x128xi32, #tpu.memory_space<hbm>>, %arg7: memref<16384xi32, #tpu.memory_space<vmem>>, %arg8: memref<16384xi32, #tpu.memory_space<vmem>>, %arg9: memref<512x128xi32, #tpu.memory_space<vmem>>, %arg10: memref<16xi32, #tpu.memory_space<vmem>>, %arg11: memref<4x128xi32, #tpu.memory_space<vmem>>, %arg12: memref<512x128xi32, #tpu.memory_space<vmem_shared>>, %arg13: memref<!tpu.dma_semaphore, #tpu.memory_space<semaphore_mem>>, %arg14: memref<!tpu.dma_semaphore, #tpu.memory_space<semaphore_mem>>) attributes {dimension_semantics = [#tpu.dimension_semantics<core_parallel>, #tpu.dimension_semantics<subcore_parallel>], iteration_bounds = array<i64: 2, 16>, scalar_prefetch = 0 : i64, scratch_operands = 8 : i64, tpu.core_type = #tpu.core_type<sc_vector_subcore>, window_params = [{transform_indices = #map}, {transform_indices = #map}, {transform_indices = #map}, {transform_indices = #map}, {transform_indices = #map1}]} {
    %mul3A = arith.constant 2 : i32
    %mul3A_0 = arith.muli %arg1, %mul3A : i32
    %add3A = arith.addi %mul3A_0, %arg0 : i32
    %mul3A_1 = arith.constant 32768 : i32
    %mul3A_2 = arith.muli %add3A, %mul3A_1 : i32
    %parallel_loop3A = arith.constant 0 : i32
    %parallel_loop3A_3 = arith.constant 512 : i32
    %parallel_loop3A_4 = arith.constant 1 : i32
    scf.for %parallel_loop3A_326 = %parallel_loop3A to %parallel_loop3A_3 step %parallel_loop3A_4  : i32 {
      %parallel_loop3A_327 = arith.constant 0 : i32
      %parallel_loop3A_328 = vector.broadcast %parallel_loop3A_327 : i32 to vector<16xi32>
      %parallel_loop3A_329 = arith.index_cast %parallel_loop3A_326 : i32 to index
      %parallel_loop3A_330 = arith.constant 0 : index
      %parallel_loop3A_331 = tpu.vector_load %arg9[%parallel_loop3A_329, %parallel_loop3A_330] {strides = array<i32>} : memref<512x128xi32, #tpu.memory_space<vmem>>, vector<16xi32>,
      tpu.vector_store %arg9[%parallel_loop3A_329, %parallel_loop3A_330], %parallel_loop3A_328 {strides = array<i32>} : memref<512x128xi32, #tpu.memory_space<vmem>>, vector<16xi32>,
      %parallel_loop3A_332 = arith.constant 0 : i32
      %parallel_loop3A_333 = vector.broadcast %parallel_loop3A_332 : i32 to vector<16xi32>
      %parallel_loop3A_334 = arith.index_cast %parallel_loop3A_326 : i32 to index
      %parallel_loop3A_335 = arith.constant 16 : index
      %parallel_loop3A_336 = tpu.vector_load %arg9[%parallel_loop3A_334, %parallel_loop3A_335] {strides = array<i32>} : memref<512x128xi32, #tpu.memory_space<vmem>>, vector<16xi32>,
      tpu.vector_store %arg9[%parallel_loop3A_334, %parallel_loop3A_335], %parallel_loop3A_333 {strides = array<i32>} : memref<512x128xi32, #tpu.memory_space<vmem>>, vector<16xi32>,
      %parallel_loop3A_337 = arith.constant 0 : i32
      %parallel_loop3A_338 = vector.broadcast %parallel_loop3A_337 : i32 to vector<16xi32>
      %parallel_loop3A_339 = arith.index_cast %parallel_loop3A_326 : i32 to index
      %parallel_loop3A_340 = arith.constant 32 : index
      %parallel_loop3A_341 = tpu.vector_load %arg9[%parallel_loop3A_339, %parallel_loop3A_340] {strides = array<i32>} : memref<512x128xi32, #tpu.memory_space<vmem>>, vector<16xi32>,
      tpu.vector_store %arg9[%parallel_loop3A_339, %parallel_loop3A_340], %parallel_loop3A_338 {strides = array<i32>} : memref<512x128xi32, #tpu.memory_space<vmem>>, vector<16xi32>,
      %parallel_loop3A_342 = arith.constant 0 : i32
      %parallel_loop3A_343 = vector.broadcast %parallel_loop3A_342 : i32 to vector<16xi32>
      %parallel_loop3A_344 = arith.index_cast %parallel_loop3A_326 : i32 to index
      %parallel_loop3A_345 = arith.constant 48 : index
      %parallel_loop3A_346 = tpu.vector_load %arg9[%parallel_loop3A_344, %parallel_loop3A_345] {strides = array<i32>} : memref<512x128xi32, #tpu.memory_space<vmem>>, vector<16xi32>,
      tpu.vector_store %arg9[%parallel_loop3A_344, %parallel_loop3A_345], %parallel_loop3A_343 {strides = array<i32>} : memref<512x128xi32, #tpu.memory_space<vmem>>, vector<16xi32>,
      %parallel_loop3A_347 = arith.constant 0 : i32
      %parallel_loop3A_348 = vector.broadcast %parallel_loop3A_347 : i32 to vector<16xi32>
      %parallel_loop3A_349 = arith.index_cast %parallel_loop3A_326 : i32 to index
      %parallel_loop3A_350 = arith.constant 64 : index
      %parallel_loop3A_351 = tpu.vector_load %arg9[%parallel_loop3A_349, %parallel_loop3A_350] {strides = array<i32>} : memref<512x128xi32, #tpu.memory_space<vmem>>, vector<16xi32>,
      tpu.vector_store %arg9[%parallel_loop3A_349, %parallel_loop3A_350], %parallel_loop3A_348 {strides = array<i32>} : memref<512x128xi32, #tpu.memory_space<vmem>>, vector<16xi32>,
      %parallel_loop3A_352 = arith.constant 0 : i32
      %parallel_loop3A_353 = vector.broadcast %parallel_loop3A_352 : i32 to vector<16xi32>
      %parallel_loop3A_354 = arith.index_cast %parallel_loop3A_326 : i32 to index
      %parallel_loop3A_355 = arith.constant 80 : index
      %parallel_loop3A_356 = tpu.vector_load %arg9[%parallel_loop3A_354, %parallel_loop3A_355] {strides = array<i32>} : memref<512x128xi32, #tpu.memory_space<vmem>>, vector<16xi32>,
      tpu.vector_store %arg9[%parallel_loop3A_354, %parallel_loop3A_355], %parallel_loop3A_353 {strides = array<i32>} : memref<512x128xi32, #tpu.memory_space<vmem>>, vector<16xi32>,
      %parallel_loop3A_357 = arith.constant 0 : i32
      %parallel_loop3A_358 = vector.broadcast %parallel_loop3A_357 : i32 to vector<16xi32>
      %parallel_loop3A_359 = arith.index_cast %parallel_loop3A_326 : i32 to index
      %parallel_loop3A_360 = arith.constant 96 : index
      %parallel_loop3A_361 = tpu.vector_load %arg9[%parallel_loop3A_359, %parallel_loop3A_360] {strides = array<i32>} : memref<512x128xi32, #tpu.memory_space<vmem>>, vector<16xi32>,
      tpu.vector_store %arg9[%parallel_loop3A_359, %parallel_loop3A_360], %parallel_loop3A_358 {strides = array<i32>} : memref<512x128xi32, #tpu.memory_space<vmem>>, vector<16xi32>,
      %parallel_loop3A_362 = arith.constant 0 : i32
      %parallel_loop3A_363 = vector.broadcast %parallel_loop3A_362 : i32 to vector<16xi32>
      %parallel_loop3A_364 = arith.index_cast %parallel_loop3A_326 : i32 to index
      %parallel_loop3A_365 = arith.constant 112 : index
      %parallel_loop3A_366 = tpu.vector_load %arg9[%parallel_loop3A_364, %parallel_loop3A_365] {strides = array<i32>} : memref<512x128xi32, #tpu.memory_space<vmem>>, vector<16xi32>,
      tpu.vector_store %arg9[%parallel_loop3A_364, %parallel_loop3A_365], %parallel_loop3A_363 {strides = array<i32>} : memref<512x128xi32, #tpu.memory_space<vmem>>, vector<16xi32>,
    } {sc.loop_unroll_factor = 8 : i64, sc.parallel_access}
    %iota3A = tpu.iota {dimensions = array<i32: 0>} : vector<16xi32>
    %add3A_5 = arith.constant 0 : i32
    %add3A_6 = vector.broadcast %add3A_5 : i32 to vector<16xi32>
    %add3A_7 = arith.addi %iota3A, %add3A_6 : vector<16xi32>
    %swap3A = arith.constant 0 : i32
    %swap3A_8 = arith.index_cast %swap3A : i32 to index
    %swap3A_9 = arith.constant 0 : index
    %swap3A_10 = tpu.vector_load %arg11[%swap3A_8, %swap3A_9] {strides = array<i32>} : memref<4x128xi32, #tpu.memory_space<vmem>>, vector<16xi32>,
    tpu.vector_store %arg11[%swap3A_8, %swap3A_9], %add3A_7 {strides = array<i32>} : memref<4x128xi32, #tpu.memory_space<vmem>>, vector<16xi32>,
    %iota3A_11 = tpu.iota {dimensions = array<i32: 0>} : vector<16xi32>
    %add3A_12 = arith.constant 16 : i32
    %add3A_13 = vector.broadcast %add3A_12 : i32 to vector<16xi32>
    %add3A_14 = arith.addi %iota3A_11, %add3A_13 : vector<16xi32>
    %swap3A_15 = arith.constant 0 : i32
    %swap3A_16 = arith.index_cast %swap3A_15 : i32 to index
    %swap3A_17 = arith.constant 16 : index
    %swap3A_18 = tpu.vector_load %arg11[%swap3A_16, %swap3A_17] {strides = array<i32>} : memref<4x128xi32, #tpu.memory_space<vmem>>, vector<16xi32>,
    tpu.vector_store %arg11[%swap3A_16, %swap3A_17], %add3A_14 {strides = array<i32>} : memref<4x128xi32, #tpu.memory_space<vmem>>, vector<16xi32>,
    %iota3A_19 = tpu.iota {dimensions = array<i32: 0>} : vector<16xi32>
    %add3A_20 = arith.constant 32 : i32
    %add3A_21 = vector.broadcast %add3A_20 : i32 to vector<16xi32>
    %add3A_22 = arith.addi %iota3A_19, %add3A_21 : vector<16xi32>
    %swap3A_23 = arith.constant 0 : i32
    %swap3A_24 = arith.index_cast %swap3A_23 : i32 to index
    %swap3A_25 = arith.constant 32 : index
    %swap3A_26 = tpu.vector_load %arg11[%swap3A_24, %swap3A_25] {strides = array<i32>} : memref<4x128xi32, #tpu.memory_space<vmem>>, vector<16xi32>,
    tpu.vector_store %arg11[%swap3A_24, %swap3A_25], %add3A_22 {strides = array<i32>} : memref<4x128xi32, #tpu.memory_space<vmem>>, vector<16xi32>,
    %iota3A_27 = tpu.iota {dimensions = array<i32: 0>} : vector<16xi32>
    %add3A_28 = arith.constant 48 : i32
    %add3A_29 = vector.broadcast %add3A_28 : i32 to vector<16xi32>
    %add3A_30 = arith.addi %iota3A_27, %add3A_29 : vector<16xi32>
    %swap3A_31 = arith.constant 0 : i32
    %swap3A_32 = arith.index_cast %swap3A_31 : i32 to index
    %swap3A_33 = arith.constant 48 : index
    %swap3A_34 = tpu.vector_load %arg11[%swap3A_32, %swap3A_33] {strides = array<i32>} : memref<4x128xi32, #tpu.memory_space<vmem>>, vector<16xi32>,
    tpu.vector_store %arg11[%swap3A_32, %swap3A_33], %add3A_30 {strides = array<i32>} : memref<4x128xi32, #tpu.memory_space<vmem>>, vector<16xi32>,
    %iota3A_35 = tpu.iota {dimensions = array<i32: 0>} : vector<16xi32>
    %add3A_36 = arith.constant 64 : i32
    %add3A_37 = vector.broadcast %add3A_36 : i32 to vector<16xi32>
    %add3A_38 = arith.addi %iota3A_35, %add3A_37 : vector<16xi32>
    %swap3A_39 = arith.constant 0 : i32
    %swap3A_40 = arith.index_cast %swap3A_39 : i32 to index
    %swap3A_41 = arith.constant 64 : index
    %swap3A_42 = tpu.vector_load %arg11[%swap3A_40, %swap3A_41] {strides = array<i32>} : memref<4x128xi32, #tpu.memory_space<vmem>>, vector<16xi32>,
    tpu.vector_store %arg11[%swap3A_40, %swap3A_41], %add3A_38 {strides = array<i32>} : memref<4x128xi32, #tpu.memory_space<vmem>>, vector<16xi32>,
    %iota3A_43 = tpu.iota {dimensions = array<i32: 0>} : vector<16xi32>
    %add3A_44 = arith.constant 80 : i32
    %add3A_45 = vector.broadcast %add3A_44 : i32 to vector<16xi32>
    %add3A_46 = arith.addi %iota3A_43, %add3A_45 : vector<16xi32>
    %swap3A_47 = arith.constant 0 : i32
    %swap3A_48 = arith.index_cast %swap3A_47 : i32 to index
    %swap3A_49 = arith.constant 80 : index
    %swap3A_50 = tpu.vector_load %arg11[%swap3A_48, %swap3A_49] {strides = array<i32>} : memref<4x128xi32, #tpu.memory_space<vmem>>, vector<16xi32>,
    tpu.vector_store %arg11[%swap3A_48, %swap3A_49], %add3A_46 {strides = array<i32>} : memref<4x128xi32, #tpu.memory_space<vmem>>, vector<16xi32>,
    %iota3A_51 = tpu.iota {dimensions = array<i32: 0>} : vector<16xi32>
    %add3A_52 = arith.constant 96 : i32
    %add3A_53 = vector.broadcast %add3A_52 : i32 to vector<16xi32>
    %add3A_54 = arith.addi %iota3A_51, %add3A_53 : vector<16xi32>
    %swap3A_55 = arith.constant 0 : i32
    %swap3A_56 = arith.index_cast %swap3A_55 : i32 to index
    %swap3A_57 = arith.constant 96 : index
    %swap3A_58 = tpu.vector_load %arg11[%swap3A_56, %swap3A_57] {strides = array<i32>} : memref<4x128xi32, #tpu.memory_space<vmem>>, vector<16xi32>,
    tpu.vector_store %arg11[%swap3A_56, %swap3A_57], %add3A_54 {strides = array<i32>} : memref<4x128xi32, #tpu.memory_space<vmem>>, vector<16xi32>,
    %iota3A_59 = tpu.iota {dimensions = array<i32: 0>} : vector<16xi32>
    %add3A_60 = arith.constant 112 : i32
    %add3A_61 = vector.broadcast %add3A_60 : i32 to vector<16xi32>
    %add3A_62 = arith.addi %iota3A_59, %add3A_61 : vector<16xi32>
    %swap3A_63 = arith.constant 0 : i32
    %swap3A_64 = arith.index_cast %swap3A_63 : i32 to index
    %swap3A_65 = arith.constant 112 : index
    %swap3A_66 = tpu.vector_load %arg11[%swap3A_64, %swap3A_65] {strides = array<i32>} : memref<4x128xi32, #tpu.memory_space<vmem>>, vector<16xi32>,
    tpu.vector_store %arg11[%swap3A_64, %swap3A_65], %add3A_62 {strides = array<i32>} : memref<4x128xi32, #tpu.memory_space<vmem>>, vector<16xi32>,
    %iota3A_67 = tpu.iota {dimensions = array<i32: 0>} : vector<16xi32>
    %add3A_68 = arith.constant 128 : i32
    %add3A_69 = vector.broadcast %add3A_68 : i32 to vector<16xi32>
    %add3A_70 = arith.addi %iota3A_67, %add3A_69 : vector<16xi32>
    %swap3A_71 = arith.constant 1 : i32
    %swap3A_72 = arith.index_cast %swap3A_71 : i32 to index
    %swap3A_73 = arith.constant 0 : index
    %swap3A_74 = tpu.vector_load %arg11[%swap3A_72, %swap3A_73] {strides = array<i32>} : memref<4x128xi32, #tpu.memory_space<vmem>>, vector<16xi32>,
    tpu.vector_store %arg11[%swap3A_72, %swap3A_73], %add3A_70 {strides = array<i32>} : memref<4x128xi32, #tpu.memory_space<vmem>>, vector<16xi32>,
    %iota3A_75 = tpu.iota {dimensions = array<i32: 0>} : vector<16xi32>
    %add3A_76 = arith.constant 144 : i32
    %add3A_77 = vector.broadcast %add3A_76 : i32 to vector<16xi32>
    %add3A_78 = arith.addi %iota3A_75, %add3A_77 : vector<16xi32>
    %swap3A_79 = arith.constant 1 : i32
    %swap3A_80 = arith.index_cast %swap3A_79 : i32 to index
    %swap3A_81 = arith.constant 16 : index
    %swap3A_82 = tpu.vector_load %arg11[%swap3A_80, %swap3A_81] {strides = array<i32>} : memref<4x128xi32, #tpu.memory_space<vmem>>, vector<16xi32>,
    tpu.vector_store %arg11[%swap3A_80, %swap3A_81], %add3A_78 {strides = array<i32>} : memref<4x128xi32, #tpu.memory_space<vmem>>, vector<16xi32>,
    %iota3A_83 = tpu.iota {dimensions = array<i32: 0>} : vector<16xi32>
    %add3A_84 = arith.constant 160 : i32
    %add3A_85 = vector.broadcast %add3A_84 : i32 to vector<16xi32>
    %add3A_86 = arith.addi %iota3A_83, %add3A_85 : vector<16xi32>
    %swap3A_87 = arith.constant 1 : i32
    %swap3A_88 = arith.index_cast %swap3A_87 : i32 to index
    %swap3A_89 = arith.constant 32 : index
    %swap3A_90 = tpu.vector_load %arg11[%swap3A_88, %swap3A_89] {strides = array<i32>} : memref<4x128xi32, #tpu.memory_space<vmem>>, vector<16xi32>,
    tpu.vector_store %arg11[%swap3A_88, %swap3A_89], %add3A_86 {strides = array<i32>} : memref<4x128xi32, #tpu.memory_space<vmem>>, vector<16xi32>,
    %iota3A_91 = tpu.iota {dimensions = array<i32: 0>} : vector<16xi32>
    %add3A_92 = arith.constant 176 : i32
    %add3A_93 = vector.broadcast %add3A_92 : i32 to vector<16xi32>
    %add3A_94 = arith.addi %iota3A_91, %add3A_93 : vector<16xi32>
    %swap3A_95 = arith.constant 1 : i32
    %swap3A_96 = arith.index_cast %swap3A_95 : i32 to index
    %swap3A_97 = arith.constant 48 : index
    %swap3A_98 = tpu.vector_load %arg11[%swap3A_96, %swap3A_97] {strides = array<i32>} : memref<4x128xi32, #tpu.memory_space<vmem>>, vector<16xi32>,
    tpu.vector_store %arg11[%swap3A_96, %swap3A_97], %add3A_94 {strides = array<i32>} : memref<4x128xi32, #tpu.memory_space<vmem>>, vector<16xi32>,
    %iota3A_99 = tpu.iota {dimensions = array<i32: 0>} : vector<16xi32>
    %add3A_100 = arith.constant 192 : i32
    %add3A_101 = vector.broadcast %add3A_100 : i32 to vector<16xi32>
    %add3A_102 = arith.addi %iota3A_99, %add3A_101 : vector<16xi32>
    %swap3A_103 = arith.constant 1 : i32
    %swap3A_104 = arith.index_cast %swap3A_103 : i32 to index
    %swap3A_105 = arith.constant 64 : index
    %swap3A_106 = tpu.vector_load %arg11[%swap3A_104, %swap3A_105] {strides = array<i32>} : memref<4x128xi32, #tpu.memory_space<vmem>>, vector<16xi32>,
    tpu.vector_store %arg11[%swap3A_104, %swap3A_105], %add3A_102 {strides = array<i32>} : memref<4x128xi32, #tpu.memory_space<vmem>>, vector<16xi32>,
    %iota3A_107 = tpu.iota {dimensions = array<i32: 0>} : vector<16xi32>
    %add3A_108 = arith.constant 208 : i32
    %add3A_109 = vector.broadcast %add3A_108 : i32 to vector<16xi32>
    %add3A_110 = arith.addi %iota3A_107, %add3A_109 : vector<16xi32>
    %swap3A_111 = arith.constant 1 : i32
    %swap3A_112 = arith.index_cast %swap3A_111 : i32 to index
    %swap3A_113 = arith.constant 80 : index
    %swap3A_114 = tpu.vector_load %arg11[%swap3A_112, %swap3A_113] {strides = array<i32>} : memref<4x128xi32, #tpu.memory_space<vmem>>, vector<16xi32>,
    tpu.vector_store %arg11[%swap3A_112, %swap3A_113], %add3A_110 {strides = array<i32>} : memref<4x128xi32, #tpu.memory_space<vmem>>, vector<16xi32>,
    %iota3A_115 = tpu.iota {dimensions = array<i32: 0>} : vector<16xi32>
    %add3A_116 = arith.constant 224 : i32
    %add3A_117 = vector.broadcast %add3A_116 : i32 to vector<16xi32>
    %add3A_118 = arith.addi %iota3A_115, %add3A_117 : vector<16xi32>
    %swap3A_119 = arith.constant 1 : i32
    %swap3A_120 = arith.index_cast %swap3A_119 : i32 to index
    %swap3A_121 = arith.constant 96 : index
    %swap3A_122 = tpu.vector_load %arg11[%swap3A_120, %swap3A_121] {strides = array<i32>} : memref<4x128xi32, #tpu.memory_space<vmem>>, vector<16xi32>,
    tpu.vector_store %arg11[%swap3A_120, %swap3A_121], %add3A_118 {strides = array<i32>} : memref<4x128xi32, #tpu.memory_space<vmem>>, vector<16xi32>,
    %iota3A_123 = tpu.iota {dimensions = array<i32: 0>} : vector<16xi32>
    %add3A_124 = arith.constant 240 : i32
    %add3A_125 = vector.broadcast %add3A_124 : i32 to vector<16xi32>
    %add3A_126 = arith.addi %iota3A_123, %add3A_125 : vector<16xi32>
    %swap3A_127 = arith.constant 1 : i32
    %swap3A_128 = arith.index_cast %swap3A_127 : i32 to index
    %swap3A_129 = arith.constant 112 : index
    %swap3A_130 = tpu.vector_load %arg11[%swap3A_128, %swap3A_129] {strides = array<i32>} : memref<4x128xi32, #tpu.memory_space<vmem>>, vector<16xi32>,
    tpu.vector_store %arg11[%swap3A_128, %swap3A_129], %add3A_126 {strides = array<i32>} : memref<4x128xi32, #tpu.memory_space<vmem>>, vector<16xi32>,
    %iota3A_131 = tpu.iota {dimensions = array<i32: 0>} : vector<16xi32>
    %add3A_132 = arith.constant 256 : i32
    %add3A_133 = vector.broadcast %add3A_132 : i32 to vector<16xi32>
    %add3A_134 = arith.addi %iota3A_131, %add3A_133 : vector<16xi32>
    %swap3A_135 = arith.constant 2 : i32
    %swap3A_136 = arith.index_cast %swap3A_135 : i32 to index
    %swap3A_137 = arith.constant 0 : index
    %swap3A_138 = tpu.vector_load %arg11[%swap3A_136, %swap3A_137] {strides = array<i32>} : memref<4x128xi32, #tpu.memory_space<vmem>>, vector<16xi32>,
    tpu.vector_store %arg11[%swap3A_136, %swap3A_137], %add3A_134 {strides = array<i32>} : memref<4x128xi32, #tpu.memory_space<vmem>>, vector<16xi32>,
    %iota3A_139 = tpu.iota {dimensions = array<i32: 0>} : vector<16xi32>
    %add3A_140 = arith.constant 272 : i32
    %add3A_141 = vector.broadcast %add3A_140 : i32 to vector<16xi32>
    %add3A_142 = arith.addi %iota3A_139, %add3A_141 : vector<16xi32>
    %swap3A_143 = arith.constant 2 : i32
    %swap3A_144 = arith.index_cast %swap3A_143 : i32 to index
    %swap3A_145 = arith.constant 16 : index
    %swap3A_146 = tpu.vector_load %arg11[%swap3A_144, %swap3A_145] {strides = array<i32>} : memref<4x128xi32, #tpu.memory_space<vmem>>, vector<16xi32>,
    tpu.vector_store %arg11[%swap3A_144, %swap3A_145], %add3A_142 {strides = array<i32>} : memref<4x128xi32, #tpu.memory_space<vmem>>, vector<16xi32>,
    %iota3A_147 = tpu.iota {dimensions = array<i32: 0>} : vector<16xi32>
    %add3A_148 = arith.constant 288 : i32
    %add3A_149 = vector.broadcast %add3A_148 : i32 to vector<16xi32>
    %add3A_150 = arith.addi %iota3A_147, %add3A_149 : vector<16xi32>
    %swap3A_151 = arith.constant 2 : i32
    %swap3A_152 = arith.index_cast %swap3A_151 : i32 to index
    %swap3A_153 = arith.constant 32 : index
    %swap3A_154 = tpu.vector_load %arg11[%swap3A_152, %swap3A_153] {strides = array<i32>} : memref<4x128xi32, #tpu.memory_space<vmem>>, vector<16xi32>,
    tpu.vector_store %arg11[%swap3A_152, %swap3A_153], %add3A_150 {strides = array<i32>} : memref<4x128xi32, #tpu.memory_space<vmem>>, vector<16xi32>,
    %iota3A_155 = tpu.iota {dimensions = array<i32: 0>} : vector<16xi32>
    %add3A_156 = arith.constant 304 : i32
    %add3A_157 = vector.broadcast %add3A_156 : i32 to vector<16xi32>
    %add3A_158 = arith.addi %iota3A_155, %add3A_157 : vector<16xi32>
    %swap3A_159 = arith.constant 2 : i32
    %swap3A_160 = arith.index_cast %swap3A_159 : i32 to index
    %swap3A_161 = arith.constant 48 : index
    %swap3A_162 = tpu.vector_load %arg11[%swap3A_160, %swap3A_161] {strides = array<i32>} : memref<4x128xi32, #tpu.memory_space<vmem>>, vector<16xi32>,
    tpu.vector_store %arg11[%swap3A_160, %swap3A_161], %add3A_158 {strides = array<i32>} : memref<4x128xi32, #tpu.memory_space<vmem>>, vector<16xi32>,
    %iota3A_163 = tpu.iota {dimensions = array<i32: 0>} : vector<16xi32>
    %add3A_164 = arith.constant 320 : i32
    %add3A_165 = vector.broadcast %add3A_164 : i32 to vector<16xi32>
    %add3A_166 = arith.addi %iota3A_163, %add3A_165 : vector<16xi32>
    %swap3A_167 = arith.constant 2 : i32
    %swap3A_168 = arith.index_cast %swap3A_167 : i32 to index
    %swap3A_169 = arith.constant 64 : index
    %swap3A_170 = tpu.vector_load %arg11[%swap3A_168, %swap3A_169] {strides = array<i32>} : memref<4x128xi32, #tpu.memory_space<vmem>>, vector<16xi32>,
    tpu.vector_store %arg11[%swap3A_168, %swap3A_169], %add3A_166 {strides = array<i32>} : memref<4x128xi32, #tpu.memory_space<vmem>>, vector<16xi32>,
    %iota3A_171 = tpu.iota {dimensions = array<i32: 0>} : vector<16xi32>
    %add3A_172 = arith.constant 336 : i32
    %add3A_173 = vector.broadcast %add3A_172 : i32 to vector<16xi32>
    %add3A_174 = arith.addi %iota3A_171, %add3A_173 : vector<16xi32>
    %swap3A_175 = arith.constant 2 : i32
    %swap3A_176 = arith.index_cast %swap3A_175 : i32 to index
    %swap3A_177 = arith.constant 80 : index
    %swap3A_178 = tpu.vector_load %arg11[%swap3A_176, %swap3A_177] {strides = array<i32>} : memref<4x128xi32, #tpu.memory_space<vmem>>, vector<16xi32>,
    tpu.vector_store %arg11[%swap3A_176, %swap3A_177], %add3A_174 {strides = array<i32>} : memref<4x128xi32, #tpu.memory_space<vmem>>, vector<16xi32>,
    %iota3A_179 = tpu.iota {dimensions = array<i32: 0>} : vector<16xi32>
    %add3A_180 = arith.constant 352 : i32
    %add3A_181 = vector.broadcast %add3A_180 : i32 to vector<16xi32>
    %add3A_182 = arith.addi %iota3A_179, %add3A_181 : vector<16xi32>
    %swap3A_183 = arith.constant 2 : i32
    %swap3A_184 = arith.index_cast %swap3A_183 : i32 to index
    %swap3A_185 = arith.constant 96 : index
    %swap3A_186 = tpu.vector_load %arg11[%swap3A_184, %swap3A_185] {strides = array<i32>} : memref<4x128xi32, #tpu.memory_space<vmem>>, vector<16xi32>,
    tpu.vector_store %arg11[%swap3A_184, %swap3A_185], %add3A_182 {strides = array<i32>} : memref<4x128xi32, #tpu.memory_space<vmem>>, vector<16xi32>,
    %iota3A_187 = tpu.iota {dimensions = array<i32: 0>} : vector<16xi32>
    %add3A_188 = arith.constant 368 : i32
    %add3A_189 = vector.broadcast %add3A_188 : i32 to vector<16xi32>
    %add3A_190 = arith.addi %iota3A_187, %add3A_189 : vector<16xi32>
    %swap3A_191 = arith.constant 2 : i32
    %swap3A_192 = arith.index_cast %swap3A_191 : i32 to index
    %swap3A_193 = arith.constant 112 : index
    %swap3A_194 = tpu.vector_load %arg11[%swap3A_192, %swap3A_193] {strides = array<i32>} : memref<4x128xi32, #tpu.memory_space<vmem>>, vector<16xi32>,
    tpu.vector_store %arg11[%swap3A_192, %swap3A_193], %add3A_190 {strides = array<i32>} : memref<4x128xi32, #tpu.memory_space<vmem>>, vector<16xi32>,
    %iota3A_195 = tpu.iota {dimensions = array<i32: 0>} : vector<16xi32>
    %add3A_196 = arith.constant 384 : i32
    %add3A_197 = vector.broadcast %add3A_196 : i32 to vector<16xi32>
    %add3A_198 = arith.addi %iota3A_195, %add3A_197 : vector<16xi32>
    %swap3A_199 = arith.constant 3 : i32
    %swap3A_200 = arith.index_cast %swap3A_199 : i32 to index
    %swap3A_201 = arith.constant 0 : index
    %swap3A_202 = tpu.vector_load %arg11[%swap3A_200, %swap3A_201] {strides = array<i32>} : memref<4x128xi32, #tpu.memory_space<vmem>>, vector<16xi32>,
    tpu.vector_store %arg11[%swap3A_200, %swap3A_201], %add3A_198 {strides = array<i32>} : memref<4x128xi32, #tpu.memory_space<vmem>>, vector<16xi32>,
    %iota3A_203 = tpu.iota {dimensions = array<i32: 0>} : vector<16xi32>
    %add3A_204 = arith.constant 400 : i32
    %add3A_205 = vector.broadcast %add3A_204 : i32 to vector<16xi32>
    %add3A_206 = arith.addi %iota3A_203, %add3A_205 : vector<16xi32>
    %swap3A_207 = arith.constant 3 : i32
    %swap3A_208 = arith.index_cast %swap3A_207 : i32 to index
    %swap3A_209 = arith.constant 16 : index
    %swap3A_210 = tpu.vector_load %arg11[%swap3A_208, %swap3A_209] {strides = array<i32>} : memref<4x128xi32, #tpu.memory_space<vmem>>, vector<16xi32>,
    tpu.vector_store %arg11[%swap3A_208, %swap3A_209], %add3A_206 {strides = array<i32>} : memref<4x128xi32, #tpu.memory_space<vmem>>, vector<16xi32>,
    %iota3A_211 = tpu.iota {dimensions = array<i32: 0>} : vector<16xi32>
    %add3A_212 = arith.constant 416 : i32
    %add3A_213 = vector.broadcast %add3A_212 : i32 to vector<16xi32>
    %add3A_214 = arith.addi %iota3A_211, %add3A_213 : vector<16xi32>
    %swap3A_215 = arith.constant 3 : i32
    %swap3A_216 = arith.index_cast %swap3A_215 : i32 to index
    %swap3A_217 = arith.constant 32 : index
    %swap3A_218 = tpu.vector_load %arg11[%swap3A_216, %swap3A_217] {strides = array<i32>} : memref<4x128xi32, #tpu.memory_space<vmem>>, vector<16xi32>,
    tpu.vector_store %arg11[%swap3A_216, %swap3A_217], %add3A_214 {strides = array<i32>} : memref<4x128xi32, #tpu.memory_space<vmem>>, vector<16xi32>,
    %iota3A_219 = tpu.iota {dimensions = array<i32: 0>} : vector<16xi32>
    %add3A_220 = arith.constant 432 : i32
    %add3A_221 = vector.broadcast %add3A_220 : i32 to vector<16xi32>
    %add3A_222 = arith.addi %iota3A_219, %add3A_221 : vector<16xi32>
    %swap3A_223 = arith.constant 3 : i32
    %swap3A_224 = arith.index_cast %swap3A_223 : i32 to index
    %swap3A_225 = arith.constant 48 : index
    %swap3A_226 = tpu.vector_load %arg11[%swap3A_224, %swap3A_225] {strides = array<i32>} : memref<4x128xi32, #tpu.memory_space<vmem>>, vector<16xi32>,
    tpu.vector_store %arg11[%swap3A_224, %swap3A_225], %add3A_222 {strides = array<i32>} : memref<4x128xi32, #tpu.memory_space<vmem>>, vector<16xi32>,
    %iota3A_227 = tpu.iota {dimensions = array<i32: 0>} : vector<16xi32>
    %add3A_228 = arith.constant 448 : i32
    %add3A_229 = vector.broadcast %add3A_228 : i32 to vector<16xi32>
    %add3A_230 = arith.addi %iota3A_227, %add3A_229 : vector<16xi32>
    %swap3A_231 = arith.constant 3 : i32
    %swap3A_232 = arith.index_cast %swap3A_231 : i32 to index
    %swap3A_233 = arith.constant 64 : index
    %swap3A_234 = tpu.vector_load %arg11[%swap3A_232, %swap3A_233] {strides = array<i32>} : memref<4x128xi32, #tpu.memory_space<vmem>>, vector<16xi32>,
    tpu.vector_store %arg11[%swap3A_232, %swap3A_233], %add3A_230 {strides = array<i32>} : memref<4x128xi32, #tpu.memory_space<vmem>>, vector<16xi32>,
    %iota3A_235 = tpu.iota {dimensions = array<i32: 0>} : vector<16xi32>
    %add3A_236 = arith.constant 464 : i32
    %add3A_237 = vector.broadcast %add3A_236 : i32 to vector<16xi32>
    %add3A_238 = arith.addi %iota3A_235, %add3A_237 : vector<16xi32>
    %swap3A_239 = arith.constant 3 : i32
    %swap3A_240 = arith.index_cast %swap3A_239 : i32 to index
    %swap3A_241 = arith.constant 80 : index
    %swap3A_242 = tpu.vector_load %arg11[%swap3A_240, %swap3A_241] {strides = array<i32>} : memref<4x128xi32, #tpu.memory_space<vmem>>, vector<16xi32>,
    tpu.vector_store %arg11[%swap3A_240, %swap3A_241], %add3A_238 {strides = array<i32>} : memref<4x128xi32, #tpu.memory_space<vmem>>, vector<16xi32>,
    %iota3A_243 = tpu.iota {dimensions = array<i32: 0>} : vector<16xi32>
    %add3A_244 = arith.constant 480 : i32
    %add3A_245 = vector.broadcast %add3A_244 : i32 to vector<16xi32>
    %add3A_246 = arith.addi %iota3A_243, %add3A_245 : vector<16xi32>
    %swap3A_247 = arith.constant 3 : i32
    %swap3A_248 = arith.index_cast %swap3A_247 : i32 to index
    %swap3A_249 = arith.constant 96 : index
    %swap3A_250 = tpu.vector_load %arg11[%swap3A_248, %swap3A_249] {strides = array<i32>} : memref<4x128xi32, #tpu.memory_space<vmem>>, vector<16xi32>,
    tpu.vector_store %arg11[%swap3A_248, %swap3A_249], %add3A_246 {strides = array<i32>} : memref<4x128xi32, #tpu.memory_space<vmem>>, vector<16xi32>,
    %iota3A_251 = tpu.iota {dimensions = array<i32: 0>} : vector<16xi32>
    %add3A_252 = arith.constant 496 : i32
    %add3A_253 = vector.broadcast %add3A_252 : i32 to vector<16xi32>
    %add3A_254 = arith.addi %iota3A_251, %add3A_253 : vector<16xi32>
    %swap3A_255 = arith.constant 3 : i32
    %swap3A_256 = arith.index_cast %swap3A_255 : i32 to index
    %swap3A_257 = arith.constant 112 : index
    %swap3A_258 = tpu.vector_load %arg11[%swap3A_256, %swap3A_257] {strides = array<i32>} : memref<4x128xi32, #tpu.memory_space<vmem>>, vector<16xi32>,
    tpu.vector_store %arg11[%swap3A_256, %swap3A_257], %add3A_254 {strides = array<i32>} : memref<4x128xi32, #tpu.memory_space<vmem>>, vector<16xi32>,
    %eq3A = arith.constant 0 : i32
    %eq3A_259 = arith.cmpi eq, %arg1, %eq3A : i32
    %convert_element_type3A = arith.extui %eq3A_259 : i1 to i32
    %cond3A = arith.constant 0 : i32
    %cond3A_260 = arith.cmpi ne, %convert_element_type3A, %cond3A : i32
    scf.if %cond3A_260 {
      "tpu.region"() ({
        %run_scoped3A_326 = tpu.sem_alloc : memref<!tpu.dma_semaphore, #tpu.memory_space<semaphore_mem>>
        tpu.enqueue_dma source(%arg9 : memref<512x128xi32, #tpu.memory_space<vmem>>) target(%arg12 : memref<512x128xi32, #tpu.memory_space<vmem_shared>>) target_semaphore(%run_scoped3A_326 : memref<!tpu.dma_semaphore, #tpu.memory_space<semaphore_mem>>)
        tpu.wait_dma2 semaphore(%run_scoped3A_326 : memref<!tpu.dma_semaphore, #tpu.memory_space<semaphore_mem>>) src(%arg9 : memref<512x128xi32, #tpu.memory_space<vmem>>) dst(%arg12 : memref<512x128xi32, #tpu.memory_space<vmem_shared>>)
        tpu.yield
      }) : () -> ()
    } else {
    }
    "tpu.region"() ({
      %run_scoped3A_326 = tpu.sem_alloc : memref<!tpu.dma_semaphore, #tpu.memory_space<semaphore_mem>>
      %dma_start3A_327 = arith.constant 0 : i32
      %dma_start3A_328 = tpu.memref_slice %arg5[%dma_start3A_327] : memref<1024xi32, #tpu.memory_space<hbm>> -> memref<16xi32, #tpu.memory_space<hbm>>
      %dma_start3A_329 = arith.constant 0 : i32
      %dma_start3A_330 = tpu.memref_slice %arg5[%dma_start3A_329] : memref<1024xi32, #tpu.memory_space<hbm>> -> memref<16xi32, #tpu.memory_space<hbm>>
      tpu.enqueue_dma source(%dma_start3A_330 : memref<16xi32, #tpu.memory_space<hbm>>) target(%arg10 : memref<16xi32, #tpu.memory_space<vmem>>) target_semaphore(%run_scoped3A_326 : memref<!tpu.dma_semaphore, #tpu.memory_space<semaphore_mem>>)
      %dma_wait3A_331 = arith.constant 0 : i32
      %dma_wait3A_332 = tpu.memref_slice %arg5[%dma_wait3A_331] : memref<1024xi32, #tpu.memory_space<hbm>> -> memref<16xi32, #tpu.memory_space<hbm>>
      %dma_wait3A_333 = arith.constant 0 : i32
      %dma_wait3A_334 = tpu.memref_slice %arg5[%dma_wait3A_333] : memref<1024xi32, #tpu.memory_space<hbm>> -> memref<16xi32, #tpu.memory_space<hbm>>
      tpu.wait_dma2 semaphore(%run_scoped3A_326 : memref<!tpu.dma_semaphore, #tpu.memory_space<semaphore_mem>>) src(%dma_wait3A_334 : memref<16xi32, #tpu.memory_space<hbm>>) dst(%arg10 : memref<16xi32, #tpu.memory_space<vmem>>)
      tpu.yield
    }) : () -> ()
    %get3A = arith.constant 0 : index
    %get3A_261 = tpu.vector_load %arg10[%get3A] {strides = array<i32>} : memref<16xi32, #tpu.memory_space<vmem>>, vector<16xi32>,
    %sub3A = arith.constant 32768 : i32
    %sub3A_262 = vector.broadcast %sub3A : i32 to vector<16xi32>
    %sub3A_263 = arith.subi %get3A_261, %sub3A_262 : vector<16xi32>
    %broadcast_in_dim3A = arith.constant 1 : i32
    %broadcast_in_dim3A_264 = vector.broadcast %broadcast_in_dim3A : i32 to vector<16xi32>
    %add3A_265 = arith.constant 0 : i32
    %add3A_266 = arith.addi %mul3A_2, %add3A_265 : i32
    %add3A_267 = arith.constant 16384 : i32
    %add3A_268 = arith.addi %mul3A_2, %add3A_267 : i32
    %add3A_269 = arith.constant 0 : i32
    %add3A_270 = arith.addi %mul3A_2, %add3A_269 : i32
    %add3A_271 = arith.constant 16384 : i32
    %add3A_272 = arith.addi %mul3A_2, %add3A_271 : i32
    %add3A_273 = arith.constant 0 : i32
    %add3A_274 = arith.addi %mul3A_2, %add3A_273 : i32
    %add3A_275 = arith.constant 16384 : i32
    %add3A_276 = arith.addi %mul3A_2, %add3A_275 : i32
    %dma_start3A = tpu.memref_slice %arg2[%add3A_266] : memref<1048576xi32, #tpu.memory_space<hbm>> -> memref<16384xi32, #tpu.memory_space<hbm>>
    %dma_start3A_277 = tpu.memref_slice %arg2[%add3A_266] : memref<1048576xi32, #tpu.memory_space<hbm>> -> memref<16384xi32, #tpu.memory_space<hbm>>
    tpu.enqueue_dma source(%dma_start3A_277 : memref<16384xi32, #tpu.memory_space<hbm>>) target(%arg7 : memref<16384xi32, #tpu.memory_space<vmem>>) target_semaphore(%arg13 : memref<!tpu.dma_semaphore, #tpu.memory_space<semaphore_mem>>)
    %dma_wait3A = tpu.memref_slice %arg2[%add3A_266] : memref<1048576xi32, #tpu.memory_space<hbm>> -> memref<16384xi32, #tpu.memory_space<hbm>>
    %dma_wait3A_278 = tpu.memref_slice %arg2[%add3A_266] : memref<1048576xi32, #tpu.memory_space<hbm>> -> memref<16384xi32, #tpu.memory_space<hbm>>
    tpu.wait_dma2 semaphore(%arg13 : memref<!tpu.dma_semaphore, #tpu.memory_space<semaphore_mem>>) src(%dma_wait3A_278 : memref<16384xi32, #tpu.memory_space<hbm>>) dst(%arg7 : memref<16384xi32, #tpu.memory_space<vmem>>)
    %dma_start3A_279 = tpu.memref_slice %arg2[%add3A_268] : memref<1048576xi32, #tpu.memory_space<hbm>> -> memref<16384xi32, #tpu.memory_space<hbm>>
    %dma_start3A_280 = tpu.memref_slice %arg2[%add3A_268] : memref<1048576xi32, #tpu.memory_space<hbm>> -> memref<16384xi32, #tpu.memory_space<hbm>>
    tpu.enqueue_dma source(%dma_start3A_280 : memref<16384xi32, #tpu.memory_space<hbm>>) target(%arg8 : memref<16384xi32, #tpu.memory_space<vmem>>) target_semaphore(%arg14 : memref<!tpu.dma_semaphore, #tpu.memory_space<semaphore_mem>>)
    %parallel_loop3A_281 = arith.constant 0 : i32
    %parallel_loop3A_282 = arith.constant 1024 : i32
    %parallel_loop3A_283 = arith.constant 1 : i32
    scf.for %parallel_loop3A_326 = %parallel_loop3A_281 to %parallel_loop3A_282 step %parallel_loop3A_283  : i32 {
      %parallel_loop3A_327 = arith.constant 16 : i32
      %parallel_loop3A_328 = arith.muli %parallel_loop3A_326, %parallel_loop3A_327 : i32
      %parallel_loop3A_329 = arith.index_cast %parallel_loop3A_328 : i32 to index
      %parallel_loop3A_330 = tpu.vector_load %arg7[%parallel_loop3A_329] {strides = array<i32>} : memref<16384xi32, #tpu.memory_space<vmem>>, vector<16xi32>,
      %parallel_loop3A_331 = arith.constant 31 : i32
      %parallel_loop3A_332 = vector.broadcast %parallel_loop3A_331 : i32 to vector<16xi32>
      %parallel_loop3A_333 = arith.shrsi %parallel_loop3A_330, %parallel_loop3A_332 : vector<16xi32>
      %parallel_loop3A_334 = arith.constant 2147483647 : i32
      %parallel_loop3A_335 = vector.broadcast %parallel_loop3A_334 : i32 to vector<16xi32>
      %parallel_loop3A_336 = arith.andi %parallel_loop3A_333, %parallel_loop3A_335 : vector<16xi32>
      %parallel_loop3A_337 = arith.xori %parallel_loop3A_330, %parallel_loop3A_336 : vector<16xi32>
      %parallel_loop3A_338 = arith.constant 7 : i32
      %parallel_loop3A_339 = vector.broadcast %parallel_loop3A_338 : i32 to vector<16xi32>
      %parallel_loop3A_340 = arith.shrsi %parallel_loop3A_337, %parallel_loop3A_339 : vector<16xi32>
      %parallel_loop3A_341 = arith.constant 511 : i32
      %parallel_loop3A_342 = vector.broadcast %parallel_loop3A_341 : i32 to vector<16xi32>
      %parallel_loop3A_343 = arith.andi %parallel_loop3A_340, %parallel_loop3A_342 : vector<16xi32>
      %parallel_loop3A_344 = arith.constant 127 : i32
      %parallel_loop3A_345 = vector.broadcast %parallel_loop3A_344 : i32 to vector<16xi32>
      %parallel_loop3A_346 = arith.andi %parallel_loop3A_337, %parallel_loop3A_345 : vector<16xi32>
      %parallel_loop3A_347 = arith.constant 16 : i32
      %parallel_loop3A_348 = vector.broadcast %parallel_loop3A_347 : i32 to vector<16xi32>
      %parallel_loop3A_349 = arith.shrsi %parallel_loop3A_337, %parallel_loop3A_348 : vector<16xi32>
      %parallel_loop3A_350 = arith.cmpi eq, %parallel_loop3A_349, %sub3A_263 : vector<16xi32>
      tpu.vector_store_idx %arg9[%parallel_loop3A_343, %parallel_loop3A_346], %broadcast_in_dim3A_264 masked %parallel_loop3A_350 {add = true} : memref<512x128xi32, #tpu.memory_space<vmem>>[vector<16xi32>, vector<16xi32>], vector<16xi32>, vector<16xi1>
    } {sc.loop_unroll_factor = 8 : i64, sc.parallel_access}
    %dma_wait3A_284 = tpu.memref_slice %arg2[%add3A_268] : memref<1048576xi32, #tpu.memory_space<hbm>> -> memref<16384xi32, #tpu.memory_space<hbm>>
    %dma_wait3A_285 = tpu.memref_slice %arg2[%add3A_268] : memref<1048576xi32, #tpu.memory_space<hbm>> -> memref<16384xi32, #tpu.memory_space<hbm>>
    tpu.wait_dma2 semaphore(%arg14 : memref<!tpu.dma_semaphore, #tpu.memory_space<semaphore_mem>>) src(%dma_wait3A_285 : memref<16384xi32, #tpu.memory_space<hbm>>) dst(%arg8 : memref<16384xi32, #tpu.memory_space<vmem>>)
    %dma_start3A_286 = tpu.memref_slice %arg3[%add3A_270] : memref<1048576xi32, #tpu.memory_space<hbm>> -> memref<16384xi32, #tpu.memory_space<hbm>>
    %dma_start3A_287 = tpu.memref_slice %arg3[%add3A_270] : memref<1048576xi32, #tpu.memory_space<hbm>> -> memref<16384xi32, #tpu.memory_space<hbm>>
    tpu.enqueue_dma source(%dma_start3A_287 : memref<16384xi32, #tpu.memory_space<hbm>>) target(%arg7 : memref<16384xi32, #tpu.memory_space<vmem>>) target_semaphore(%arg13 : memref<!tpu.dma_semaphore, #tpu.memory_space<semaphore_mem>>)
    %parallel_loop3A_288 = arith.constant 0 : i32
    %parallel_loop3A_289 = arith.constant 1024 : i32
    %parallel_loop3A_290 = arith.constant 1 : i32
    scf.for %parallel_loop3A_326 = %parallel_loop3A_288 to %parallel_loop3A_289 step %parallel_loop3A_290  : i32 {
      %parallel_loop3A_327 = arith.constant 16 : i32
      %parallel_loop3A_328 = arith.muli %parallel_loop3A_326, %parallel_loop3A_327 : i32
      %parallel_loop3A_329 = arith.index_cast %parallel_loop3A_328 : i32 to index
      %parallel_loop3A_330 = tpu.vector_load %arg8[%parallel_loop3A_329] {strides = array<i32>} : memref<16384xi32, #tpu.memory_space<vmem>>, vector<16xi32>,
      %parallel_loop3A_331 = arith.constant 31 : i32
      %parallel_loop3A_332 = vector.broadcast %parallel_loop3A_331 : i32 to vector<16xi32>
      %parallel_loop3A_333 = arith.shrsi %parallel_loop3A_330, %parallel_loop3A_332 : vector<16xi32>
      %parallel_loop3A_334 = arith.constant 2147483647 : i32
      %parallel_loop3A_335 = vector.broadcast %parallel_loop3A_334 : i32 to vector<16xi32>
      %parallel_loop3A_336 = arith.andi %parallel_loop3A_333, %parallel_loop3A_335 : vector<16xi32>
      %parallel_loop3A_337 = arith.xori %parallel_loop3A_330, %parallel_loop3A_336 : vector<16xi32>
      %parallel_loop3A_338 = arith.constant 7 : i32
      %parallel_loop3A_339 = vector.broadcast %parallel_loop3A_338 : i32 to vector<16xi32>
      %parallel_loop3A_340 = arith.shrsi %parallel_loop3A_337, %parallel_loop3A_339 : vector<16xi32>
      %parallel_loop3A_341 = arith.constant 511 : i32
      %parallel_loop3A_342 = vector.broadcast %parallel_loop3A_341 : i32 to vector<16xi32>
      %parallel_loop3A_343 = arith.andi %parallel_loop3A_340, %parallel_loop3A_342 : vector<16xi32>
      %parallel_loop3A_344 = arith.constant 127 : i32
      %parallel_loop3A_345 = vector.broadcast %parallel_loop3A_344 : i32 to vector<16xi32>
      %parallel_loop3A_346 = arith.andi %parallel_loop3A_337, %parallel_loop3A_345 : vector<16xi32>
      %parallel_loop3A_347 = arith.constant 16 : i32
      %parallel_loop3A_348 = vector.broadcast %parallel_loop3A_347 : i32 to vector<16xi32>
      %parallel_loop3A_349 = arith.shrsi %parallel_loop3A_337, %parallel_loop3A_348 : vector<16xi32>
      %parallel_loop3A_350 = arith.cmpi eq, %parallel_loop3A_349, %sub3A_263 : vector<16xi32>
      tpu.vector_store_idx %arg9[%parallel_loop3A_343, %parallel_loop3A_346], %broadcast_in_dim3A_264 masked %parallel_loop3A_350 {add = true} : memref<512x128xi32, #tpu.memory_space<vmem>>[vector<16xi32>, vector<16xi32>], vector<16xi32>, vector<16xi1>
    } {sc.loop_unroll_factor = 8 : i64, sc.parallel_access}
    %dma_wait3A_291 = tpu.memref_slice %arg3[%add3A_270] : memref<1048576xi32, #tpu.memory_space<hbm>> -> memref<16384xi32, #tpu.memory_space<hbm>>
    %dma_wait3A_292 = tpu.memref_slice %arg3[%add3A_270] : memref<1048576xi32, #tpu.memory_space<hbm>> -> memref<16384xi32, #tpu.memory_space<hbm>>
    tpu.wait_dma2 semaphore(%arg13 : memref<!tpu.dma_semaphore, #tpu.memory_space<semaphore_mem>>) src(%dma_wait3A_292 : memref<16384xi32, #tpu.memory_space<hbm>>) dst(%arg7 : memref<16384xi32, #tpu.memory_space<vmem>>)
    %dma_start3A_293 = tpu.memref_slice %arg3[%add3A_272] : memref<1048576xi32, #tpu.memory_space<hbm>> -> memref<16384xi32, #tpu.memory_space<hbm>>
    %dma_start3A_294 = tpu.memref_slice %arg3[%add3A_272] : memref<1048576xi32, #tpu.memory_space<hbm>> -> memref<16384xi32, #tpu.memory_space<hbm>>
    tpu.enqueue_dma source(%dma_start3A_294 : memref<16384xi32, #tpu.memory_space<hbm>>) target(%arg8 : memref<16384xi32, #tpu.memory_space<vmem>>) target_semaphore(%arg14 : memref<!tpu.dma_semaphore, #tpu.memory_space<semaphore_mem>>)
    %parallel_loop3A_295 = arith.constant 0 : i32
    %parallel_loop3A_296 = arith.constant 1024 : i32
    %parallel_loop3A_297 = arith.constant 1 : i32
    scf.for %parallel_loop3A_326 = %parallel_loop3A_295 to %parallel_loop3A_296 step %parallel_loop3A_297  : i32 {
      %parallel_loop3A_327 = arith.constant 16 : i32
      %parallel_loop3A_328 = arith.muli %parallel_loop3A_326, %parallel_loop3A_327 : i32
      %parallel_loop3A_329 = arith.index_cast %parallel_loop3A_328 : i32 to index
      %parallel_loop3A_330 = tpu.vector_load %arg7[%parallel_loop3A_329] {strides = array<i32>} : memref<16384xi32, #tpu.memory_space<vmem>>, vector<16xi32>,
      %parallel_loop3A_331 = arith.constant 31 : i32
      %parallel_loop3A_332 = vector.broadcast %parallel_loop3A_331 : i32 to vector<16xi32>
      %parallel_loop3A_333 = arith.shrsi %parallel_loop3A_330, %parallel_loop3A_332 : vector<16xi32>
      %parallel_loop3A_334 = arith.constant 2147483647 : i32
      %parallel_loop3A_335 = vector.broadcast %parallel_loop3A_334 : i32 to vector<16xi32>
      %parallel_loop3A_336 = arith.andi %parallel_loop3A_333, %parallel_loop3A_335 : vector<16xi32>
      %parallel_loop3A_337 = arith.xori %parallel_loop3A_330, %parallel_loop3A_336 : vector<16xi32>
      %parallel_loop3A_338 = arith.constant 7 : i32
      %parallel_loop3A_339 = vector.broadcast %parallel_loop3A_338 : i32 to vector<16xi32>
      %parallel_loop3A_340 = arith.shrsi %parallel_loop3A_337, %parallel_loop3A_339 : vector<16xi32>
      %parallel_loop3A_341 = arith.constant 511 : i32
      %parallel_loop3A_342 = vector.broadcast %parallel_loop3A_341 : i32 to vector<16xi32>
      %parallel_loop3A_343 = arith.andi %parallel_loop3A_340, %parallel_loop3A_342 : vector<16xi32>
      %parallel_loop3A_344 = arith.constant 127 : i32
      %parallel_loop3A_345 = vector.broadcast %parallel_loop3A_344 : i32 to vector<16xi32>
      %parallel_loop3A_346 = arith.andi %parallel_loop3A_337, %parallel_loop3A_345 : vector<16xi32>
      %parallel_loop3A_347 = arith.constant 16 : i32
      %parallel_loop3A_348 = vector.broadcast %parallel_loop3A_347 : i32 to vector<16xi32>
      %parallel_loop3A_349 = arith.shrsi %parallel_loop3A_337, %parallel_loop3A_348 : vector<16xi32>
      %parallel_loop3A_350 = arith.cmpi eq, %parallel_loop3A_349, %sub3A_263 : vector<16xi32>
      tpu.vector_store_idx %arg9[%parallel_loop3A_343, %parallel_loop3A_346], %broadcast_in_dim3A_264 masked %parallel_loop3A_350 {add = true} : memref<512x128xi32, #tpu.memory_space<vmem>>[vector<16xi32>, vector<16xi32>], vector<16xi32>, vector<16xi1>
    } {sc.loop_unroll_factor = 8 : i64, sc.parallel_access}
    %dma_wait3A_298 = tpu.memref_slice %arg3[%add3A_272] : memref<1048576xi32, #tpu.memory_space<hbm>> -> memref<16384xi32, #tpu.memory_space<hbm>>
    %dma_wait3A_299 = tpu.memref_slice %arg3[%add3A_272] : memref<1048576xi32, #tpu.memory_space<hbm>> -> memref<16384xi32, #tpu.memory_space<hbm>>
    tpu.wait_dma2 semaphore(%arg14 : memref<!tpu.dma_semaphore, #tpu.memory_space<semaphore_mem>>) src(%dma_wait3A_299 : memref<16384xi32, #tpu.memory_space<hbm>>) dst(%arg8 : memref<16384xi32, #tpu.memory_space<vmem>>)
    %dma_start3A_300 = tpu.memref_slice %arg4[%add3A_274] : memref<1048576xi32, #tpu.memory_space<hbm>> -> memref<16384xi32, #tpu.memory_space<hbm>>
    %dma_start3A_301 = tpu.memref_slice %arg4[%add3A_274] : memref<1048576xi32, #tpu.memory_space<hbm>> -> memref<16384xi32, #tpu.memory_space<hbm>>
    tpu.enqueue_dma source(%dma_start3A_301 : memref<16384xi32, #tpu.memory_space<hbm>>) target(%arg7 : memref<16384xi32, #tpu.memory_space<vmem>>) target_semaphore(%arg13 : memref<!tpu.dma_semaphore, #tpu.memory_space<semaphore_mem>>)
    %parallel_loop3A_302 = arith.constant 0 : i32
    %parallel_loop3A_303 = arith.constant 1024 : i32
    %parallel_loop3A_304 = arith.constant 1 : i32
    scf.for %parallel_loop3A_326 = %parallel_loop3A_302 to %parallel_loop3A_303 step %parallel_loop3A_304  : i32 {
      %parallel_loop3A_327 = arith.constant 16 : i32
      %parallel_loop3A_328 = arith.muli %parallel_loop3A_326, %parallel_loop3A_327 : i32
      %parallel_loop3A_329 = arith.index_cast %parallel_loop3A_328 : i32 to index
      %parallel_loop3A_330 = tpu.vector_load %arg8[%parallel_loop3A_329] {strides = array<i32>} : memref<16384xi32, #tpu.memory_space<vmem>>, vector<16xi32>,
      %parallel_loop3A_331 = arith.constant 31 : i32
      %parallel_loop3A_332 = vector.broadcast %parallel_loop3A_331 : i32 to vector<16xi32>
      %parallel_loop3A_333 = arith.shrsi %parallel_loop3A_330, %parallel_loop3A_332 : vector<16xi32>
      %parallel_loop3A_334 = arith.constant 2147483647 : i32
      %parallel_loop3A_335 = vector.broadcast %parallel_loop3A_334 : i32 to vector<16xi32>
      %parallel_loop3A_336 = arith.andi %parallel_loop3A_333, %parallel_loop3A_335 : vector<16xi32>
      %parallel_loop3A_337 = arith.xori %parallel_loop3A_330, %parallel_loop3A_336 : vector<16xi32>
      %parallel_loop3A_338 = arith.constant 7 : i32
      %parallel_loop3A_339 = vector.broadcast %parallel_loop3A_338 : i32 to vector<16xi32>
      %parallel_loop3A_340 = arith.shrsi %parallel_loop3A_337, %parallel_loop3A_339 : vector<16xi32>
      %parallel_loop3A_341 = arith.constant 511 : i32
      %parallel_loop3A_342 = vector.broadcast %parallel_loop3A_341 : i32 to vector<16xi32>
      %parallel_loop3A_343 = arith.andi %parallel_loop3A_340, %parallel_loop3A_342 : vector<16xi32>
      %parallel_loop3A_344 = arith.constant 127 : i32
      %parallel_loop3A_345 = vector.broadcast %parallel_loop3A_344 : i32 to vector<16xi32>
      %parallel_loop3A_346 = arith.andi %parallel_loop3A_337, %parallel_loop3A_345 : vector<16xi32>
      %parallel_loop3A_347 = arith.constant 16 : i32
      %parallel_loop3A_348 = vector.broadcast %parallel_loop3A_347 : i32 to vector<16xi32>
      %parallel_loop3A_349 = arith.shrsi %parallel_loop3A_337, %parallel_loop3A_348 : vector<16xi32>
      %parallel_loop3A_350 = arith.cmpi eq, %parallel_loop3A_349, %sub3A_263 : vector<16xi32>
      tpu.vector_store_idx %arg9[%parallel_loop3A_343, %parallel_loop3A_346], %broadcast_in_dim3A_264 masked %parallel_loop3A_350 {add = true} : memref<512x128xi32, #tpu.memory_space<vmem>>[vector<16xi32>, vector<16xi32>], vector<16xi32>, vector<16xi1>
    } {sc.loop_unroll_factor = 8 : i64, sc.parallel_access}
    %dma_wait3A_305 = tpu.memref_slice %arg4[%add3A_274] : memref<1048576xi32, #tpu.memory_space<hbm>> -> memref<16384xi32, #tpu.memory_space<hbm>>
    %dma_wait3A_306 = tpu.memref_slice %arg4[%add3A_274] : memref<1048576xi32, #tpu.memory_space<hbm>> -> memref<16384xi32, #tpu.memory_space<hbm>>
    tpu.wait_dma2 semaphore(%arg13 : memref<!tpu.dma_semaphore, #tpu.memory_space<semaphore_mem>>) src(%dma_wait3A_306 : memref<16384xi32, #tpu.memory_space<hbm>>) dst(%arg7 : memref<16384xi32, #tpu.memory_space<vmem>>)
    %dma_start3A_307 = tpu.memref_slice %arg4[%add3A_276] : memref<1048576xi32, #tpu.memory_space<hbm>> -> memref<16384xi32, #tpu.memory_space<hbm>>
    %dma_start3A_308 = tpu.memref_slice %arg4[%add3A_276] : memref<1048576xi32, #tpu.memory_space<hbm>> -> memref<16384xi32, #tpu.memory_space<hbm>>
    tpu.enqueue_dma source(%dma_start3A_308 : memref<16384xi32, #tpu.memory_space<hbm>>) target(%arg8 : memref<16384xi32, #tpu.memory_space<vmem>>) target_semaphore(%arg14 : memref<!tpu.dma_semaphore, #tpu.memory_space<semaphore_mem>>)
    %parallel_loop3A_309 = arith.constant 0 : i32
    %parallel_loop3A_310 = arith.constant 1024 : i32
    %parallel_loop3A_311 = arith.constant 1 : i32
    scf.for %parallel_loop3A_326 = %parallel_loop3A_309 to %parallel_loop3A_310 step %parallel_loop3A_311  : i32 {
      %parallel_loop3A_327 = arith.constant 16 : i32
      %parallel_loop3A_328 = arith.muli %parallel_loop3A_326, %parallel_loop3A_327 : i32
      %parallel_loop3A_329 = arith.index_cast %parallel_loop3A_328 : i32 to index
      %parallel_loop3A_330 = tpu.vector_load %arg7[%parallel_loop3A_329] {strides = array<i32>} : memref<16384xi32, #tpu.memory_space<vmem>>, vector<16xi32>,
      %parallel_loop3A_331 = arith.constant 31 : i32
      %parallel_loop3A_332 = vector.broadcast %parallel_loop3A_331 : i32 to vector<16xi32>
      %parallel_loop3A_333 = arith.shrsi %parallel_loop3A_330, %parallel_loop3A_332 : vector<16xi32>
      %parallel_loop3A_334 = arith.constant 2147483647 : i32
      %parallel_loop3A_335 = vector.broadcast %parallel_loop3A_334 : i32 to vector<16xi32>
      %parallel_loop3A_336 = arith.andi %parallel_loop3A_333, %parallel_loop3A_335 : vector<16xi32>
      %parallel_loop3A_337 = arith.xori %parallel_loop3A_330, %parallel_loop3A_336 : vector<16xi32>
      %parallel_loop3A_338 = arith.constant 7 : i32
      %parallel_loop3A_339 = vector.broadcast %parallel_loop3A_338 : i32 to vector<16xi32>
      %parallel_loop3A_340 = arith.shrsi %parallel_loop3A_337, %parallel_loop3A_339 : vector<16xi32>
      %parallel_loop3A_341 = arith.constant 511 : i32
      %parallel_loop3A_342 = vector.broadcast %parallel_loop3A_341 : i32 to vector<16xi32>
      %parallel_loop3A_343 = arith.andi %parallel_loop3A_340, %parallel_loop3A_342 : vector<16xi32>
      %parallel_loop3A_344 = arith.constant 127 : i32
      %parallel_loop3A_345 = vector.broadcast %parallel_loop3A_344 : i32 to vector<16xi32>
      %parallel_loop3A_346 = arith.andi %parallel_loop3A_337, %parallel_loop3A_345 : vector<16xi32>
      %parallel_loop3A_347 = arith.constant 16 : i32
      %parallel_loop3A_348 = vector.broadcast %parallel_loop3A_347 : i32 to vector<16xi32>
      %parallel_loop3A_349 = arith.shrsi %parallel_loop3A_337, %parallel_loop3A_348 : vector<16xi32>
      %parallel_loop3A_350 = arith.cmpi eq, %parallel_loop3A_349, %sub3A_263 : vector<16xi32>
      tpu.vector_store_idx %arg9[%parallel_loop3A_343, %parallel_loop3A_346], %broadcast_in_dim3A_264 masked %parallel_loop3A_350 {add = true} : memref<512x128xi32, #tpu.memory_space<vmem>>[vector<16xi32>, vector<16xi32>], vector<16xi32>, vector<16xi1>
    } {sc.loop_unroll_factor = 8 : i64, sc.parallel_access}
    %dma_wait3A_312 = tpu.memref_slice %arg4[%add3A_276] : memref<1048576xi32, #tpu.memory_space<hbm>> -> memref<16384xi32, #tpu.memory_space<hbm>>
    %dma_wait3A_313 = tpu.memref_slice %arg4[%add3A_276] : memref<1048576xi32, #tpu.memory_space<hbm>> -> memref<16384xi32, #tpu.memory_space<hbm>>
    tpu.wait_dma2 semaphore(%arg14 : memref<!tpu.dma_semaphore, #tpu.memory_space<semaphore_mem>>) src(%dma_wait3A_313 : memref<16384xi32, #tpu.memory_space<hbm>>) dst(%arg8 : memref<16384xi32, #tpu.memory_space<vmem>>)
    %parallel_loop3A_314 = arith.constant 0 : i32
    %parallel_loop3A_315 = arith.constant 1024 : i32
    %parallel_loop3A_316 = arith.constant 1 : i32
    scf.for %parallel_loop3A_326 = %parallel_loop3A_314 to %parallel_loop3A_315 step %parallel_loop3A_316  : i32 {
      %parallel_loop3A_327 = arith.constant 16 : i32
      %parallel_loop3A_328 = arith.muli %parallel_loop3A_326, %parallel_loop3A_327 : i32
      %parallel_loop3A_329 = arith.index_cast %parallel_loop3A_328 : i32 to index
      %parallel_loop3A_330 = tpu.vector_load %arg8[%parallel_loop3A_329] {strides = array<i32>} : memref<16384xi32, #tpu.memory_space<vmem>>, vector<16xi32>,
      %parallel_loop3A_331 = arith.constant 31 : i32
      %parallel_loop3A_332 = vector.broadcast %parallel_loop3A_331 : i32 to vector<16xi32>
      %parallel_loop3A_333 = arith.shrsi %parallel_loop3A_330, %parallel_loop3A_332 : vector<16xi32>
      %parallel_loop3A_334 = arith.constant 2147483647 : i32
      %parallel_loop3A_335 = vector.broadcast %parallel_loop3A_334 : i32 to vector<16xi32>
      %parallel_loop3A_336 = arith.andi %parallel_loop3A_333, %parallel_loop3A_335 : vector<16xi32>
      %parallel_loop3A_337 = arith.xori %parallel_loop3A_330, %parallel_loop3A_336 : vector<16xi32>
      %parallel_loop3A_338 = arith.constant 7 : i32
      %parallel_loop3A_339 = vector.broadcast %parallel_loop3A_338 : i32 to vector<16xi32>
      %parallel_loop3A_340 = arith.shrsi %parallel_loop3A_337, %parallel_loop3A_339 : vector<16xi32>
      %parallel_loop3A_341 = arith.constant 511 : i32
      %parallel_loop3A_342 = vector.broadcast %parallel_loop3A_341 : i32 to vector<16xi32>
      %parallel_loop3A_343 = arith.andi %parallel_loop3A_340, %parallel_loop3A_342 : vector<16xi32>
      %parallel_loop3A_344 = arith.constant 127 : i32
      %parallel_loop3A_345 = vector.broadcast %parallel_loop3A_344 : i32 to vector<16xi32>
      %parallel_loop3A_346 = arith.andi %parallel_loop3A_337, %parallel_loop3A_345 : vector<16xi32>
      %parallel_loop3A_347 = arith.constant 16 : i32
      %parallel_loop3A_348 = vector.broadcast %parallel_loop3A_347 : i32 to vector<16xi32>
      %parallel_loop3A_349 = arith.shrsi %parallel_loop3A_337, %parallel_loop3A_348 : vector<16xi32>
      %parallel_loop3A_350 = arith.cmpi eq, %parallel_loop3A_349, %sub3A_263 : vector<16xi32>
      tpu.vector_store_idx %arg9[%parallel_loop3A_343, %parallel_loop3A_346], %broadcast_in_dim3A_264 masked %parallel_loop3A_350 {add = true} : memref<512x128xi32, #tpu.memory_space<vmem>>[vector<16xi32>, vector<16xi32>], vector<16xi32>, vector<16xi1>
    } {sc.loop_unroll_factor = 8 : i64, sc.parallel_access}
    %barrier3A = arith.constant 0 : index
    tpu.barrier barrier_id(%barrier3A)
    %run_scoped3A = arith.constant 0 : i32
    "tpu.region"() ({
      %run_scoped3A_326 = tpu.sem_alloc : memref<!tpu.dma_semaphore, #tpu.memory_space<semaphore_mem>>
      %dma_start3A_327 = arith.constant 0 : i32
      %dma_start3A_328 = arith.constant 0 : i32
      %dma_start3A_329 = tpu.memref_slice %arg9[%dma_start3A_327, %dma_start3A_328] : memref<512x128xi32, #tpu.memory_space<vmem>> -> memref<128x128xi32, #tpu.memory_space<vmem>>
      %dma_start3A_330 = arith.constant 0 : i32
      %dma_start3A_331 = tpu.memref_slice %arg11[%run_scoped3A, %dma_start3A_330] : memref<4x128xi32, #tpu.memory_space<vmem>> -> memref<1x128xi32, #tpu.memory_space<vmem>>
      %dma_start3A_332 = tpu.memref_squeeze %dma_start3A_331 : memref<1x128xi32, #tpu.memory_space<vmem>> -> memref<128xi32, #tpu.memory_space<vmem>>
      %dma_start3A_333 = arith.constant 0 : i32
      %dma_start3A_334 = arith.constant 0 : i32
      %dma_start3A_335 = tpu.memref_slice %arg12[%dma_start3A_333, %dma_start3A_334] : memref<512x128xi32, #tpu.memory_space<vmem_shared>> -> memref<512x128xi32, #tpu.memory_space<vmem_shared>>
      tpu.enqueue_indirect_dma source(%dma_start3A_329 : memref<128x128xi32, #tpu.memory_space<vmem>>) target(%dma_start3A_335 : memref<512x128xi32, #tpu.memory_space<vmem_shared>>) offsets(%dma_start3A_332 : memref<128xi32, #tpu.memory_space<vmem>>) semaphore(%run_scoped3A_326 : memref<!tpu.dma_semaphore, #tpu.memory_space<semaphore_mem>>) {add = true}
      %dma_wait3A_336 = arith.constant 0 : i32
      %dma_wait3A_337 = arith.constant 0 : i32
      %dma_wait3A_338 = tpu.memref_slice %arg9[%dma_wait3A_336, %dma_wait3A_337] : memref<512x128xi32, #tpu.memory_space<vmem>> -> memref<128x128xi32, #tpu.memory_space<vmem>>
      %dma_wait3A_339 = arith.constant 0 : i32
      %dma_wait3A_340 = tpu.memref_slice %arg11[%run_scoped3A, %dma_wait3A_339] : memref<4x128xi32, #tpu.memory_space<vmem>> -> memref<1x128xi32, #tpu.memory_space<vmem>>
      %dma_wait3A_341 = tpu.memref_squeeze %dma_wait3A_340 : memref<1x128xi32, #tpu.memory_space<vmem>> -> memref<128xi32, #tpu.memory_space<vmem>>
      %dma_wait3A_342 = arith.constant 0 : i32
      %dma_wait3A_343 = arith.constant 0 : i32
      %dma_wait3A_344 = tpu.memref_slice %arg12[%dma_wait3A_342, %dma_wait3A_343] : memref<512x128xi32, #tpu.memory_space<vmem_shared>> -> memref<512x128xi32, #tpu.memory_space<vmem_shared>>
      tpu.wait_indirect_dma semaphore(%run_scoped3A_326 : memref<!tpu.dma_semaphore, #tpu.memory_space<semaphore_mem>>) src(%dma_wait3A_338 : memref<128x128xi32, #tpu.memory_space<vmem>>) dst(%dma_wait3A_344 : memref<512x128xi32, #tpu.memory_space<vmem_shared>>)
      tpu.yield
    }) : () -> ()
    %run_scoped3A_317 = arith.constant 1 : i32
    "tpu.region"() ({
      %run_scoped3A_326 = tpu.sem_alloc : memref<!tpu.dma_semaphore, #tpu.memory_space<semaphore_mem>>
      %dma_start3A_327 = arith.constant 128 : i32
      %dma_start3A_328 = arith.constant 0 : i32
      %dma_start3A_329 = tpu.memref_slice %arg9[%dma_start3A_327, %dma_start3A_328] : memref<512x128xi32, #tpu.memory_space<vmem>> -> memref<128x128xi32, #tpu.memory_space<vmem>>
      %dma_start3A_330 = arith.constant 0 : i32
      %dma_start3A_331 = tpu.memref_slice %arg11[%run_scoped3A_317, %dma_start3A_330] : memref<4x128xi32, #tpu.memory_space<vmem>> -> memref<1x128xi32, #tpu.memory_space<vmem>>
      %dma_start3A_332 = tpu.memref_squeeze %dma_start3A_331 : memref<1x128xi32, #tpu.memory_space<vmem>> -> memref<128xi32, #tpu.memory_space<vmem>>
      %dma_start3A_333 = arith.constant 0 : i32
      %dma_start3A_334 = arith.constant 0 : i32
      %dma_start3A_335 = tpu.memref_slice %arg12[%dma_start3A_333, %dma_start3A_334] : memref<512x128xi32, #tpu.memory_space<vmem_shared>> -> memref<512x128xi32, #tpu.memory_space<vmem_shared>>
      tpu.enqueue_indirect_dma source(%dma_start3A_329 : memref<128x128xi32, #tpu.memory_space<vmem>>) target(%dma_start3A_335 : memref<512x128xi32, #tpu.memory_space<vmem_shared>>) offsets(%dma_start3A_332 : memref<128xi32, #tpu.memory_space<vmem>>) semaphore(%run_scoped3A_326 : memref<!tpu.dma_semaphore, #tpu.memory_space<semaphore_mem>>) {add = true}
      %dma_wait3A_336 = arith.constant 128 : i32
      %dma_wait3A_337 = arith.constant 0 : i32
      %dma_wait3A_338 = tpu.memref_slice %arg9[%dma_wait3A_336, %dma_wait3A_337] : memref<512x128xi32, #tpu.memory_space<vmem>> -> memref<128x128xi32, #tpu.memory_space<vmem>>
      %dma_wait3A_339 = arith.constant 0 : i32
      %dma_wait3A_340 = tpu.memref_slice %arg11[%run_scoped3A_317, %dma_wait3A_339] : memref<4x128xi32, #tpu.memory_space<vmem>> -> memref<1x128xi32, #tpu.memory_space<vmem>>
      %dma_wait3A_341 = tpu.memref_squeeze %dma_wait3A_340 : memref<1x128xi32, #tpu.memory_space<vmem>> -> memref<128xi32, #tpu.memory_space<vmem>>
      %dma_wait3A_342 = arith.constant 0 : i32
      %dma_wait3A_343 = arith.constant 0 : i32
      %dma_wait3A_344 = tpu.memref_slice %arg12[%dma_wait3A_342, %dma_wait3A_343] : memref<512x128xi32, #tpu.memory_space<vmem_shared>> -> memref<512x128xi32, #tpu.memory_space<vmem_shared>>
      tpu.wait_indirect_dma semaphore(%run_scoped3A_326 : memref<!tpu.dma_semaphore, #tpu.memory_space<semaphore_mem>>) src(%dma_wait3A_338 : memref<128x128xi32, #tpu.memory_space<vmem>>) dst(%dma_wait3A_344 : memref<512x128xi32, #tpu.memory_space<vmem_shared>>)
      tpu.yield
    }) : () -> ()
    %run_scoped3A_318 = arith.constant 2 : i32
    "tpu.region"() ({
      %run_scoped3A_326 = tpu.sem_alloc : memref<!tpu.dma_semaphore, #tpu.memory_space<semaphore_mem>>
      %dma_start3A_327 = arith.constant 256 : i32
      %dma_start3A_328 = arith.constant 0 : i32
      %dma_start3A_329 = tpu.memref_slice %arg9[%dma_start3A_327, %dma_start3A_328] : memref<512x128xi32, #tpu.memory_space<vmem>> -> memref<128x128xi32, #tpu.memory_space<vmem>>
      %dma_start3A_330 = arith.constant 0 : i32
      %dma_start3A_331 = tpu.memref_slice %arg11[%run_scoped3A_318, %dma_start3A_330] : memref<4x128xi32, #tpu.memory_space<vmem>> -> memref<1x128xi32, #tpu.memory_space<vmem>>
      %dma_start3A_332 = tpu.memref_squeeze %dma_start3A_331 : memref<1x128xi32, #tpu.memory_space<vmem>> -> memref<128xi32, #tpu.memory_space<vmem>>
      %dma_start3A_333 = arith.constant 0 : i32
      %dma_start3A_334 = arith.constant 0 : i32
      %dma_start3A_335 = tpu.memref_slice %arg12[%dma_start3A_333, %dma_start3A_334] : memref<512x128xi32, #tpu.memory_space<vmem_shared>> -> memref<512x128xi32, #tpu.memory_space<vmem_shared>>
      tpu.enqueue_indirect_dma source(%dma_start3A_329 : memref<128x128xi32, #tpu.memory_space<vmem>>) target(%dma_start3A_335 : memref<512x128xi32, #tpu.memory_space<vmem_shared>>) offsets(%dma_start3A_332 : memref<128xi32, #tpu.memory_space<vmem>>) semaphore(%run_scoped3A_326 : memref<!tpu.dma_semaphore, #tpu.memory_space<semaphore_mem>>) {add = true}
      %dma_wait3A_336 = arith.constant 256 : i32
      %dma_wait3A_337 = arith.constant 0 : i32
      %dma_wait3A_338 = tpu.memref_slice %arg9[%dma_wait3A_336, %dma_wait3A_337] : memref<512x128xi32, #tpu.memory_space<vmem>> -> memref<128x128xi32, #tpu.memory_space<vmem>>
      %dma_wait3A_339 = arith.constant 0 : i32
      %dma_wait3A_340 = tpu.memref_slice %arg11[%run_scoped3A_318, %dma_wait3A_339] : memref<4x128xi32, #tpu.memory_space<vmem>> -> memref<1x128xi32, #tpu.memory_space<vmem>>
      %dma_wait3A_341 = tpu.memref_squeeze %dma_wait3A_340 : memref<1x128xi32, #tpu.memory_space<vmem>> -> memref<128xi32, #tpu.memory_space<vmem>>
      %dma_wait3A_342 = arith.constant 0 : i32
      %dma_wait3A_343 = arith.constant 0 : i32
      %dma_wait3A_344 = tpu.memref_slice %arg12[%dma_wait3A_342, %dma_wait3A_343] : memref<512x128xi32, #tpu.memory_space<vmem_shared>> -> memref<512x128xi32, #tpu.memory_space<vmem_shared>>
      tpu.wait_indirect_dma semaphore(%run_scoped3A_326 : memref<!tpu.dma_semaphore, #tpu.memory_space<semaphore_mem>>) src(%dma_wait3A_338 : memref<128x128xi32, #tpu.memory_space<vmem>>) dst(%dma_wait3A_344 : memref<512x128xi32, #tpu.memory_space<vmem_shared>>)
      tpu.yield
    }) : () -> ()
    %run_scoped3A_319 = arith.constant 3 : i32
    "tpu.region"() ({
      %run_scoped3A_326 = tpu.sem_alloc : memref<!tpu.dma_semaphore, #tpu.memory_space<semaphore_mem>>
      %dma_start3A_327 = arith.constant 384 : i32
      %dma_start3A_328 = arith.constant 0 : i32
      %dma_start3A_329 = tpu.memref_slice %arg9[%dma_start3A_327, %dma_start3A_328] : memref<512x128xi32, #tpu.memory_space<vmem>> -> memref<128x128xi32, #tpu.memory_space<vmem>>
      %dma_start3A_330 = arith.constant 0 : i32
      %dma_start3A_331 = tpu.memref_slice %arg11[%run_scoped3A_319, %dma_start3A_330] : memref<4x128xi32, #tpu.memory_space<vmem>> -> memref<1x128xi32, #tpu.memory_space<vmem>>
      %dma_start3A_332 = tpu.memref_squeeze %dma_start3A_331 : memref<1x128xi32, #tpu.memory_space<vmem>> -> memref<128xi32, #tpu.memory_space<vmem>>
      %dma_start3A_333 = arith.constant 0 : i32
      %dma_start3A_334 = arith.constant 0 : i32
      %dma_start3A_335 = tpu.memref_slice %arg12[%dma_start3A_333, %dma_start3A_334] : memref<512x128xi32, #tpu.memory_space<vmem_shared>> -> memref<512x128xi32, #tpu.memory_space<vmem_shared>>
      tpu.enqueue_indirect_dma source(%dma_start3A_329 : memref<128x128xi32, #tpu.memory_space<vmem>>) target(%dma_start3A_335 : memref<512x128xi32, #tpu.memory_space<vmem_shared>>) offsets(%dma_start3A_332 : memref<128xi32, #tpu.memory_space<vmem>>) semaphore(%run_scoped3A_326 : memref<!tpu.dma_semaphore, #tpu.memory_space<semaphore_mem>>) {add = true}
      %dma_wait3A_336 = arith.constant 384 : i32
      %dma_wait3A_337 = arith.constant 0 : i32
      %dma_wait3A_338 = tpu.memref_slice %arg9[%dma_wait3A_336, %dma_wait3A_337] : memref<512x128xi32, #tpu.memory_space<vmem>> -> memref<128x128xi32, #tpu.memory_space<vmem>>
      %dma_wait3A_339 = arith.constant 0 : i32
      %dma_wait3A_340 = tpu.memref_slice %arg11[%run_scoped3A_319, %dma_wait3A_339] : memref<4x128xi32, #tpu.memory_space<vmem>> -> memref<1x128xi32, #tpu.memory_space<vmem>>
      %dma_wait3A_341 = tpu.memref_squeeze %dma_wait3A_340 : memref<1x128xi32, #tpu.memory_space<vmem>> -> memref<128xi32, #tpu.memory_space<vmem>>
      %dma_wait3A_342 = arith.constant 0 : i32
      %dma_wait3A_343 = arith.constant 0 : i32
      %dma_wait3A_344 = tpu.memref_slice %arg12[%dma_wait3A_342, %dma_wait3A_343] : memref<512x128xi32, #tpu.memory_space<vmem_shared>> -> memref<512x128xi32, #tpu.memory_space<vmem_shared>>
      tpu.wait_indirect_dma semaphore(%run_scoped3A_326 : memref<!tpu.dma_semaphore, #tpu.memory_space<semaphore_mem>>) src(%dma_wait3A_338 : memref<128x128xi32, #tpu.memory_space<vmem>>) dst(%dma_wait3A_344 : memref<512x128xi32, #tpu.memory_space<vmem_shared>>)
      tpu.yield
    }) : () -> ()
    %barrier3A_320 = arith.constant 0 : index
    tpu.barrier barrier_id(%barrier3A_320)
    %eq3A_321 = arith.constant 0 : i32
    %eq3A_322 = arith.cmpi eq, %arg1, %eq3A_321 : i32
    %convert_element_type3A_323 = arith.extui %eq3A_322 : i1 to i32
    %cond3A_324 = arith.constant 0 : i32
    %cond3A_325 = arith.cmpi ne, %convert_element_type3A_323, %cond3A_324 : i32
    scf.if %cond3A_325 {
      "tpu.region"() ({
        %run_scoped3A_326 = tpu.sem_alloc : memref<!tpu.dma_semaphore, #tpu.memory_space<semaphore_mem>>
        %dma_start3A_327 = arith.constant 0 : i32
        %dma_start3A_328 = arith.constant 0 : i32
        %dma_start3A_329 = tpu.memref_slice %arg6[%arg0, %dma_start3A_327, %dma_start3A_328] : memref<2x512x128xi32, #tpu.memory_space<hbm>> -> memref<1x512x128xi32, #tpu.memory_space<hbm>>
        %dma_start3A_330 = tpu.memref_squeeze %dma_start3A_329 : memref<1x512x128xi32, #tpu.memory_space<hbm>> -> memref<512x128xi32, #tpu.memory_space<hbm>>
        tpu.enqueue_dma source(%arg12 : memref<512x128xi32, #tpu.memory_space<vmem_shared>>) target(%dma_start3A_330 : memref<512x128xi32, #tpu.memory_space<hbm>>) target_semaphore(%run_scoped3A_326 : memref<!tpu.dma_semaphore, #tpu.memory_space<semaphore_mem>>)
        %dma_wait3A_331 = arith.constant 0 : i32
        %dma_wait3A_332 = arith.constant 0 : i32
        %dma_wait3A_333 = tpu.memref_slice %arg6[%arg0, %dma_wait3A_331, %dma_wait3A_332] : memref<2x512x128xi32, #tpu.memory_space<hbm>> -> memref<1x512x128xi32, #tpu.memory_space<hbm>>
        %dma_wait3A_334 = tpu.memref_squeeze %dma_wait3A_333 : memref<1x512x128xi32, #tpu.memory_space<hbm>> -> memref<512x128xi32, #tpu.memory_space<hbm>>
        tpu.wait_dma2 semaphore(%run_scoped3A_326 : memref<!tpu.dma_semaphore, #tpu.memory_space<semaphore_mem>>) src(%arg12 : memref<512x128xi32, #tpu.memory_space<vmem_shared>>) dst(%dma_wait3A_334 : memref<512x128xi32, #tpu.memory_space<hbm>>)
        tpu.yield
      }) : () -> ()
    } else {
    }
    return
  }
}

module attributes {stable_mosaic.version = 14 : i64} {
  func.func @_tc_find_bin_body(%arg0: memref<2x512x128xi32, #tpu.memory_space<vmem>>, %arg1: memref<8x128xi32, #tpu.memory_space<vmem>>) attributes {dimension_semantics = [], scalar_prefetch = 0 : i64, scratch_operands = 0 : i64, tpu.core_type = #tpu.core_type<tc>} {
    %get3A = arith.constant 0 : index
    %get3A_0 = arith.constant 0 : index
    %get3A_1 = arith.constant 0 : index
    %get3A_2 = vector.load %arg0[%get3A, %get3A_0, %get3A_1] : memref<2x512x128xi32, #tpu.memory_space<vmem>>, vector<2x512x128xi32>
    %convert_element_type3A = arith.sitofp %get3A_2 : vector<2x512x128xi32> to vector<2x512x128xf32>
    %reduce_sum3A = arith.constant dense<0.000000e+00> : vector<512x128xf32>
    %reduce_sum3A_3 = vector.multi_reduction <add>, %convert_element_type3A, %reduce_sum3A [0] : vector<2x512x128xf32> to vector<512x128xf32>
    %iota3A = tpu.iota {dimensions = array<i32: 0>} : vector<512x512xi32>
    %iota3A_4 = tpu.iota {dimensions = array<i32: 1>} : vector<512x512xi32>
    %gt3A = arith.cmpi sgt, %iota3A, %iota3A_4 : vector<512x512xi32>
    %convert_element_type3A_5 = arith.extui %gt3A : vector<512x512xi1> to vector<512x512xi32>
    %convert_element_type3A_6 = arith.sitofp %convert_element_type3A_5 : vector<512x512xi32> to vector<512x512xf32>
    %iota3A_7 = tpu.iota {dimensions = array<i32: 0>} : vector<128x128xi32>
    %iota3A_8 = tpu.iota {dimensions = array<i32: 1>} : vector<128x128xi32>
    %gt3A_9 = arith.cmpi sgt, %iota3A_7, %iota3A_8 : vector<128x128xi32>
    %convert_element_type3A_10 = arith.extui %gt3A_9 : vector<128x128xi1> to vector<128x128xi32>
    %convert_element_type3A_11 = arith.sitofp %convert_element_type3A_10 : vector<128x128xi32> to vector<128x128xf32>
    %reduce_sum3A_12 = arith.constant dense<0.000000e+00> : vector<512xf32>
    %reduce_sum3A_13 = vector.multi_reduction <add>, %reduce_sum3A_3, %reduce_sum3A_12 [1] : vector<512x128xf32> to vector<512xf32>
    %broadcast_in_dim3A = vector.shape_cast %reduce_sum3A_13 : vector<512xf32> to vector<1x512xf32>
    %dot_general3A = arith.constant dense<0.000000e+00> : vector<1x512xf32>
    %dot_general3A_14 = tpu.matmul %broadcast_in_dim3A, %convert_element_type3A_6, %dot_general3A {dimension_numbers = #tpu.dot_dimension_numbers<[1], [0], [0], [1], [0, 0, 1, 1], [], []>, precision = #tpu.contract_precision<fp32>, transpose_lhs_hint = false} : vector<1x512xf32>, vector<512x512xf32>, vector<1x512xf32> -> vector<1x512xf32>
    %le3A = arith.constant 1.000000e+05 : f32
    %le3A_15 = vector.broadcast %le3A : f32 to vector<1x512xf32>
    %le3A_16 = arith.cmpf ole, %dot_general3A_14, %le3A_15 : vector<1x512xf32>
    %add3A = arith.addf %dot_general3A_14, %broadcast_in_dim3A : vector<1x512xf32>
    %gt3A_17 = arith.constant 1.000000e+05 : f32
    %gt3A_18 = vector.broadcast %gt3A_17 : f32 to vector<1x512xf32>
    %gt3A_19 = arith.cmpf ogt, %add3A, %gt3A_18 : vector<1x512xf32>
    %and3A = arith.andi %le3A_16, %gt3A_19 : vector<1x512xi1>
    %convert_element_type3A_20 = arith.extui %and3A : vector<1x512xi1> to vector<1x512xi32>
    %convert_element_type3A_21 = arith.sitofp %convert_element_type3A_20 : vector<1x512xi32> to vector<1x512xf32>
    %iota3A_22 = tpu.iota {dimensions = array<i32: 1>} : vector<1x512xi32>
    %convert_element_type3A_23 = arith.sitofp %iota3A_22 : vector<1x512xi32> to vector<1x512xf32>
    %mul3A = arith.mulf %convert_element_type3A_21, %convert_element_type3A_23 : vector<1x512xf32>
    %reduce_sum3A_24 = vector.shape_cast %mul3A : vector<1x512xf32> to vector<1x1x512xf32>
    %reduce_sum3A_25 = arith.constant dense<0.000000e+00> : vector<1xf32>
    %reduce_sum3A_26 = vector.multi_reduction <add>, %reduce_sum3A_24, %reduce_sum3A_25 [1, 2] : vector<1x1x512xf32> to vector<1xf32>
    %reduce_sum3A_27 = vector.shape_cast %reduce_sum3A_26 : vector<1xf32> to vector<1x1x1xf32>
    %reduce_sum3A_28 = vector.extract %reduce_sum3A_27[0, 0, 0] : f32 from vector<1x1x1xf32>
    %mul3A_29 = arith.mulf %convert_element_type3A_21, %dot_general3A_14 : vector<1x512xf32>
    %reduce_sum3A_30 = vector.shape_cast %mul3A_29 : vector<1x512xf32> to vector<1x1x512xf32>
    %reduce_sum3A_31 = arith.constant dense<0.000000e+00> : vector<1xf32>
    %reduce_sum3A_32 = vector.multi_reduction <add>, %reduce_sum3A_30, %reduce_sum3A_31 [1, 2] : vector<1x1x512xf32> to vector<1xf32>
    %reduce_sum3A_33 = vector.shape_cast %reduce_sum3A_32 : vector<1xf32> to vector<1x1x1xf32>
    %reduce_sum3A_34 = vector.extract %reduce_sum3A_33[0, 0, 0] : f32 from vector<1x1x1xf32>
    %dot_general3A_35 = arith.constant dense<0.000000e+00> : vector<1x128xf32>
    %dot_general3A_36 = tpu.matmul %convert_element_type3A_21, %reduce_sum3A_3, %dot_general3A_35 {dimension_numbers = #tpu.dot_dimension_numbers<[1], [0], [0], [1], [0, 0, 1, 1], [], []>, precision = #tpu.contract_precision<fp32>, transpose_lhs_hint = false} : vector<1x512xf32>, vector<512x128xf32>, vector<1x128xf32> -> vector<1x128xf32>
    %dot_general3A_37 = arith.constant dense<0.000000e+00> : vector<1x128xf32>
    %dot_general3A_38 = tpu.matmul %dot_general3A_36, %convert_element_type3A_11, %dot_general3A_37 {dimension_numbers = #tpu.dot_dimension_numbers<[1], [0], [0], [1], [0, 0, 1, 1], [], []>, precision = #tpu.contract_precision<fp32>, transpose_lhs_hint = false} : vector<1x128xf32>, vector<128x128xf32>, vector<1x128xf32> -> vector<1x128xf32>
    %add3A_39 = vector.broadcast %reduce_sum3A_34 : f32 to vector<1x128xf32>
    %add3A_40 = arith.addf %add3A_39, %dot_general3A_38 : vector<1x128xf32>
    %le3A_41 = arith.constant 1.000000e+05 : f32
    %le3A_42 = vector.broadcast %le3A_41 : f32 to vector<1x128xf32>
    %le3A_43 = arith.cmpf ole, %add3A_40, %le3A_42 : vector<1x128xf32>
    %add3A_44 = arith.addf %add3A_40, %dot_general3A_36 : vector<1x128xf32>
    %gt3A_45 = arith.constant 1.000000e+05 : f32
    %gt3A_46 = vector.broadcast %gt3A_45 : f32 to vector<1x128xf32>
    %gt3A_47 = arith.cmpf ogt, %add3A_44, %gt3A_46 : vector<1x128xf32>
    %and3A_48 = arith.andi %le3A_43, %gt3A_47 : vector<1x128xi1>
    %convert_element_type3A_49 = arith.extui %and3A_48 : vector<1x128xi1> to vector<1x128xi32>
    %convert_element_type3A_50 = arith.sitofp %convert_element_type3A_49 : vector<1x128xi32> to vector<1x128xf32>
    %iota3A_51 = tpu.iota {dimensions = array<i32: 1>} : vector<1x128xi32>
    %convert_element_type3A_52 = arith.sitofp %iota3A_51 : vector<1x128xi32> to vector<1x128xf32>
    %mul3A_53 = arith.mulf %convert_element_type3A_50, %convert_element_type3A_52 : vector<1x128xf32>
    %reduce_sum3A_54 = vector.shape_cast %mul3A_53 : vector<1x128xf32> to vector<1x1x128xf32>
    %reduce_sum3A_55 = arith.constant dense<0.000000e+00> : vector<1xf32>
    %reduce_sum3A_56 = vector.multi_reduction <add>, %reduce_sum3A_54, %reduce_sum3A_55 [1, 2] : vector<1x1x128xf32> to vector<1xf32>
    %reduce_sum3A_57 = vector.shape_cast %reduce_sum3A_56 : vector<1xf32> to vector<1x1x1xf32>
    %reduce_sum3A_58 = vector.extract %reduce_sum3A_57[0, 0, 0] : f32 from vector<1x1x1xf32>
    %mul3A_59 = arith.mulf %convert_element_type3A_50, %dot_general3A_38 : vector<1x128xf32>
    %reduce_sum3A_60 = vector.shape_cast %mul3A_59 : vector<1x128xf32> to vector<1x1x128xf32>
    %reduce_sum3A_61 = arith.constant dense<0.000000e+00> : vector<1xf32>
    %reduce_sum3A_62 = vector.multi_reduction <add>, %reduce_sum3A_60, %reduce_sum3A_61 [1, 2] : vector<1x1x128xf32> to vector<1xf32>
    %reduce_sum3A_63 = vector.shape_cast %reduce_sum3A_62 : vector<1xf32> to vector<1x1x1xf32>
    %reduce_sum3A_64 = vector.extract %reduce_sum3A_63[0, 0, 0] : f32 from vector<1x1x1xf32>
    %add3A_65 = arith.addf %reduce_sum3A_34, %reduce_sum3A_64 : f32
    %mul3A_66 = arith.constant 1.280000e+02 : f32
    %mul3A_67 = arith.mulf %reduce_sum3A_28, %mul3A_66 : f32
    %add3A_68 = arith.addf %mul3A_67, %reduce_sum3A_58 : f32
    %sub3A = arith.constant 1.000000e+05 : f32
    %sub3A_69 = arith.subf %sub3A, %add3A_65 : f32
    %iota3A_70 = tpu.iota {dimensions = array<i32: 0>} : vector<8x128xi32>
    %eq3A = arith.constant 0 : i32
    %eq3A_71 = vector.broadcast %eq3A : i32 to vector<8x128xi32>
    %eq3A_72 = arith.cmpi eq, %iota3A_70, %eq3A_71 : vector<8x128xi32>
    %convert_element_type3A_73 = arith.fptosi %add3A_68 : f32 to i32
    %convert_element_type3A_74 = arith.fptosi %sub3A_69 : f32 to i32
    %broadcast_in_dim3A_75 = vector.broadcast %convert_element_type3A_73 : i32 to vector<8x128xi32>
    %broadcast_in_dim3A_76 = vector.broadcast %convert_element_type3A_74 : i32 to vector<8x128xi32>
    %select_n3A = arith.select %eq3A_72, %broadcast_in_dim3A_75, %broadcast_in_dim3A_76 : vector<8x128xi1>, vector<8x128xi32>
    %swap3A = arith.constant 0 : index
    %swap3A_77 = arith.constant 0 : index
    %swap3A_78 = vector.load %arg1[%swap3A, %swap3A_77] : memref<8x128xi32, #tpu.memory_space<vmem>>, vector<8x128xi32>
    tpu.vector_store %arg1[%swap3A, %swap3A_77], %select_n3A {strides = array<i32>} : memref<8x128xi32, #tpu.memory_space<vmem>>, vector<8x128xi32>,
    return
  }
}

module attributes {stable_mosaic.version = 14 : i64} {
  func.func @_tc_thresh_mask_body(%arg0: memref<2x512x128xi32, #tpu.memory_space<vmem>>, %arg1: memref<8x128xi32, #tpu.memory_space<vmem>>, %arg2: memref<1024x1024xf32, #tpu.memory_space<vmem>>, %arg3: memref<1024x1024xf32, #tpu.memory_space<vmem>>, %arg4: memref<1024x1024xf32, #tpu.memory_space<vmem>>, %arg5: memref<1024x1024xf32, #tpu.memory_space<vmem>>, %arg6: memref<1024x1024xf32, #tpu.memory_space<vmem>>, %arg7: memref<1024x1024xf32, #tpu.memory_space<vmem>>) attributes {dimension_semantics = [], scalar_prefetch = 0 : i64, scratch_operands = 0 : i64, tpu.core_type = #tpu.core_type<tc>} {
    %get3A = arith.constant 1 : index
    %get3A_0 = arith.constant 0 : index
    %get3A_1 = vector.load %arg1[%get3A, %get3A_0] : memref<8x128xi32, #tpu.memory_space<vmem>>, vector<1x1xi32>
    %get3A_2 = vector.extract %get3A_1[0, 0] : i32 from vector<1x1xi32>
    %convert_element_type3A = arith.sitofp %get3A_2 : i32 to f32
    %get3A_3 = arith.constant 0 : index
    %get3A_4 = arith.constant 0 : index
    %get3A_5 = vector.load %arg1[%get3A_3, %get3A_4] : memref<8x128xi32, #tpu.memory_space<vmem>>, vector<1x1xi32>
    %get3A_6 = vector.extract %get3A_5[0, 0] : i32 from vector<1x1xi32>
    %get3A_7 = arith.constant 0 : index
    %get3A_8 = arith.constant 0 : index
    %get3A_9 = arith.constant 0 : index
    %get3A_10 = vector.load %arg0[%get3A_7, %get3A_8, %get3A_9] : memref<2x512x128xi32, #tpu.memory_space<vmem>>, vector<2x512x128xi32>
    %convert_element_type3A_11 = arith.sitofp %get3A_10 : vector<2x512x128xi32> to vector<2x512x128xf32>
    %reduce_sum3A = arith.constant dense<0.000000e+00> : vector<512x128xf32>
    %reduce_sum3A_12 = vector.multi_reduction <add>, %convert_element_type3A_11, %reduce_sum3A [0] : vector<2x512x128xf32> to vector<512x128xf32>
    %iota3A = tpu.iota {dimensions = array<i32: 0>} : vector<512x512xi32>
    %iota3A_13 = tpu.iota {dimensions = array<i32: 1>} : vector<512x512xi32>
    %gt3A = arith.cmpi sgt, %iota3A, %iota3A_13 : vector<512x512xi32>
    %convert_element_type3A_14 = arith.extui %gt3A : vector<512x512xi1> to vector<512x512xi32>
    %convert_element_type3A_15 = arith.sitofp %convert_element_type3A_14 : vector<512x512xi32> to vector<512x512xf32>
    %iota3A_16 = tpu.iota {dimensions = array<i32: 0>} : vector<128x128xi32>
    %iota3A_17 = tpu.iota {dimensions = array<i32: 1>} : vector<128x128xi32>
    %gt3A_18 = arith.cmpi sgt, %iota3A_16, %iota3A_17 : vector<128x128xi32>
    %convert_element_type3A_19 = arith.extui %gt3A_18 : vector<128x128xi1> to vector<128x128xi32>
    %convert_element_type3A_20 = arith.sitofp %convert_element_type3A_19 : vector<128x128xi32> to vector<128x128xf32>
    %reduce_sum3A_21 = arith.constant dense<0.000000e+00> : vector<512xf32>
    %reduce_sum3A_22 = vector.multi_reduction <add>, %reduce_sum3A_12, %reduce_sum3A_21 [1] : vector<512x128xf32> to vector<512xf32>
    %broadcast_in_dim3A = vector.shape_cast %reduce_sum3A_22 : vector<512xf32> to vector<1x512xf32>
    %dot_general3A = arith.constant dense<0.000000e+00> : vector<1x512xf32>
    %dot_general3A_23 = tpu.matmul %broadcast_in_dim3A, %convert_element_type3A_15, %dot_general3A {dimension_numbers = #tpu.dot_dimension_numbers<[1], [0], [0], [1], [0, 0, 1, 1], [], []>, precision = #tpu.contract_precision<fp32>, transpose_lhs_hint = false} : vector<1x512xf32>, vector<512x512xf32>, vector<1x512xf32> -> vector<1x512xf32>
    %le3A = vector.broadcast %convert_element_type3A : f32 to vector<1x512xf32>
    %le3A_24 = arith.cmpf ole, %dot_general3A_23, %le3A : vector<1x512xf32>
    %add3A = arith.addf %dot_general3A_23, %broadcast_in_dim3A : vector<1x512xf32>
    %gt3A_25 = vector.broadcast %convert_element_type3A : f32 to vector<1x512xf32>
    %gt3A_26 = arith.cmpf ogt, %add3A, %gt3A_25 : vector<1x512xf32>
    %and3A = arith.andi %le3A_24, %gt3A_26 : vector<1x512xi1>
    %convert_element_type3A_27 = arith.extui %and3A : vector<1x512xi1> to vector<1x512xi32>
    %convert_element_type3A_28 = arith.sitofp %convert_element_type3A_27 : vector<1x512xi32> to vector<1x512xf32>
    %iota3A_29 = tpu.iota {dimensions = array<i32: 1>} : vector<1x512xi32>
    %convert_element_type3A_30 = arith.sitofp %iota3A_29 : vector<1x512xi32> to vector<1x512xf32>
    %mul3A = arith.mulf %convert_element_type3A_28, %convert_element_type3A_30 : vector<1x512xf32>
    %reduce_sum3A_31 = vector.shape_cast %mul3A : vector<1x512xf32> to vector<1x1x512xf32>
    %reduce_sum3A_32 = arith.constant dense<0.000000e+00> : vector<1xf32>
    %reduce_sum3A_33 = vector.multi_reduction <add>, %reduce_sum3A_31, %reduce_sum3A_32 [1, 2] : vector<1x1x512xf32> to vector<1xf32>
    %reduce_sum3A_34 = vector.shape_cast %reduce_sum3A_33 : vector<1xf32> to vector<1x1x1xf32>
    %reduce_sum3A_35 = vector.extract %reduce_sum3A_34[0, 0, 0] : f32 from vector<1x1x1xf32>
    %mul3A_36 = arith.mulf %convert_element_type3A_28, %dot_general3A_23 : vector<1x512xf32>
    %reduce_sum3A_37 = vector.shape_cast %mul3A_36 : vector<1x512xf32> to vector<1x1x512xf32>
    %reduce_sum3A_38 = arith.constant dense<0.000000e+00> : vector<1xf32>
    %reduce_sum3A_39 = vector.multi_reduction <add>, %reduce_sum3A_37, %reduce_sum3A_38 [1, 2] : vector<1x1x512xf32> to vector<1xf32>
    %reduce_sum3A_40 = vector.shape_cast %reduce_sum3A_39 : vector<1xf32> to vector<1x1x1xf32>
    %reduce_sum3A_41 = vector.extract %reduce_sum3A_40[0, 0, 0] : f32 from vector<1x1x1xf32>
    %dot_general3A_42 = arith.constant dense<0.000000e+00> : vector<1x128xf32>
    %dot_general3A_43 = tpu.matmul %convert_element_type3A_28, %reduce_sum3A_12, %dot_general3A_42 {dimension_numbers = #tpu.dot_dimension_numbers<[1], [0], [0], [1], [0, 0, 1, 1], [], []>, precision = #tpu.contract_precision<fp32>, transpose_lhs_hint = false} : vector<1x512xf32>, vector<512x128xf32>, vector<1x128xf32> -> vector<1x128xf32>
    %dot_general3A_44 = arith.constant dense<0.000000e+00> : vector<1x128xf32>
    %dot_general3A_45 = tpu.matmul %dot_general3A_43, %convert_element_type3A_20, %dot_general3A_44 {dimension_numbers = #tpu.dot_dimension_numbers<[1], [0], [0], [1], [0, 0, 1, 1], [], []>, precision = #tpu.contract_precision<fp32>, transpose_lhs_hint = false} : vector<1x128xf32>, vector<128x128xf32>, vector<1x128xf32> -> vector<1x128xf32>
    %add3A_46 = vector.broadcast %reduce_sum3A_41 : f32 to vector<1x128xf32>
    %add3A_47 = arith.addf %add3A_46, %dot_general3A_45 : vector<1x128xf32>
    %le3A_48 = vector.broadcast %convert_element_type3A : f32 to vector<1x128xf32>
    %le3A_49 = arith.cmpf ole, %add3A_47, %le3A_48 : vector<1x128xf32>
    %add3A_50 = arith.addf %add3A_47, %dot_general3A_43 : vector<1x128xf32>
    %gt3A_51 = vector.broadcast %convert_element_type3A : f32 to vector<1x128xf32>
    %gt3A_52 = arith.cmpf ogt, %add3A_50, %gt3A_51 : vector<1x128xf32>
    %and3A_53 = arith.andi %le3A_49, %gt3A_52 : vector<1x128xi1>
    %convert_element_type3A_54 = arith.extui %and3A_53 : vector<1x128xi1> to vector<1x128xi32>
    %convert_element_type3A_55 = arith.sitofp %convert_element_type3A_54 : vector<1x128xi32> to vector<1x128xf32>
    %iota3A_56 = tpu.iota {dimensions = array<i32: 1>} : vector<1x128xi32>
    %convert_element_type3A_57 = arith.sitofp %iota3A_56 : vector<1x128xi32> to vector<1x128xf32>
    %mul3A_58 = arith.mulf %convert_element_type3A_55, %convert_element_type3A_57 : vector<1x128xf32>
    %reduce_sum3A_59 = vector.shape_cast %mul3A_58 : vector<1x128xf32> to vector<1x1x128xf32>
    %reduce_sum3A_60 = arith.constant dense<0.000000e+00> : vector<1xf32>
    %reduce_sum3A_61 = vector.multi_reduction <add>, %reduce_sum3A_59, %reduce_sum3A_60 [1, 2] : vector<1x1x128xf32> to vector<1xf32>
    %reduce_sum3A_62 = vector.shape_cast %reduce_sum3A_61 : vector<1xf32> to vector<1x1x1xf32>
    %reduce_sum3A_63 = vector.extract %reduce_sum3A_62[0, 0, 0] : f32 from vector<1x1x1xf32>
    %mul3A_64 = arith.constant 1.280000e+02 : f32
    %mul3A_65 = arith.mulf %reduce_sum3A_35, %mul3A_64 : f32
    %add3A_66 = arith.addf %mul3A_65, %reduce_sum3A_63 : f32
    %sub3A = arith.constant 32768 : i32
    %sub3A_67 = arith.subi %get3A_6, %sub3A : i32
    %shift_left3A = arith.constant 16 : i32
    %shift_left3A_68 = arith.shli %sub3A_67, %shift_left3A : i32
    %convert_element_type3A_69 = arith.fptosi %add3A_66 : f32 to i32
    %or3A = arith.ori %shift_left3A_68, %convert_element_type3A_69 : i32
    %shift_right_arithmetic3A = arith.constant 31 : i32
    %shift_right_arithmetic3A_70 = arith.shrsi %or3A, %shift_right_arithmetic3A : i32
    %and3A_71 = arith.constant 2147483647 : i32
    %and3A_72 = arith.andi %shift_right_arithmetic3A_70, %and3A_71 : i32
    %xor3A = arith.xori %or3A, %and3A_72 : i32
    %bitcast_convert_type3A = arith.bitcast %xor3A : i32 to f32
    %get3A_73 = arith.constant 0 : index
    %get3A_74 = arith.constant 0 : index
    %get3A_75 = vector.load %arg2[%get3A_73, %get3A_74] : memref<1024x1024xf32, #tpu.memory_space<vmem>>, vector<1024x1024xf32>
    %lt3A = vector.broadcast %bitcast_convert_type3A : f32 to vector<1024x1024xf32>
    %lt3A_76 = arith.cmpf olt, %get3A_75, %lt3A : vector<1024x1024xf32>
    %jit3A = arith.constant 0.000000e+00 : f32
    %broadcast_in_dim3A_77 = vector.broadcast %jit3A : f32 to vector<1024x1024xf32>
    %select_n3A = arith.select %lt3A_76, %broadcast_in_dim3A_77, %get3A_75 : vector<1024x1024xi1>, vector<1024x1024xf32>
    %swap3A = arith.constant 0 : index
    %swap3A_78 = arith.constant 0 : index
    %swap3A_79 = vector.load %arg5[%swap3A, %swap3A_78] : memref<1024x1024xf32, #tpu.memory_space<vmem>>, vector<1024x1024xf32>
    tpu.vector_store %arg5[%swap3A, %swap3A_78], %select_n3A {strides = array<i32>} : memref<1024x1024xf32, #tpu.memory_space<vmem>>, vector<1024x1024xf32>,
    %get3A_80 = arith.constant 0 : index
    %get3A_81 = arith.constant 0 : index
    %get3A_82 = vector.load %arg3[%get3A_80, %get3A_81] : memref<1024x1024xf32, #tpu.memory_space<vmem>>, vector<1024x1024xf32>
    %lt3A_83 = vector.broadcast %bitcast_convert_type3A : f32 to vector<1024x1024xf32>
    %lt3A_84 = arith.cmpf olt, %get3A_82, %lt3A_83 : vector<1024x1024xf32>
    %jit3A_85 = arith.constant 0.000000e+00 : f32
    %broadcast_in_dim3A_86 = vector.broadcast %jit3A_85 : f32 to vector<1024x1024xf32>
    %select_n3A_87 = arith.select %lt3A_84, %broadcast_in_dim3A_86, %get3A_82 : vector<1024x1024xi1>, vector<1024x1024xf32>
    %swap3A_88 = arith.constant 0 : index
    %swap3A_89 = arith.constant 0 : index
    %swap3A_90 = vector.load %arg6[%swap3A_88, %swap3A_89] : memref<1024x1024xf32, #tpu.memory_space<vmem>>, vector<1024x1024xf32>
    tpu.vector_store %arg6[%swap3A_88, %swap3A_89], %select_n3A_87 {strides = array<i32>} : memref<1024x1024xf32, #tpu.memory_space<vmem>>, vector<1024x1024xf32>,
    %get3A_91 = arith.constant 0 : index
    %get3A_92 = arith.constant 0 : index
    %get3A_93 = vector.load %arg4[%get3A_91, %get3A_92] : memref<1024x1024xf32, #tpu.memory_space<vmem>>, vector<1024x1024xf32>
    %lt3A_94 = vector.broadcast %bitcast_convert_type3A : f32 to vector<1024x1024xf32>
    %lt3A_95 = arith.cmpf olt, %get3A_93, %lt3A_94 : vector<1024x1024xf32>
    %jit3A_96 = arith.constant 0.000000e+00 : f32
    %broadcast_in_dim3A_97 = vector.broadcast %jit3A_96 : f32 to vector<1024x1024xf32>
    %select_n3A_98 = arith.select %lt3A_95, %broadcast_in_dim3A_97, %get3A_93 : vector<1024x1024xi1>, vector<1024x1024xf32>
    %swap3A_99 = arith.constant 0 : index
    %swap3A_100 = arith.constant 0 : index
    %swap3A_101 = vector.load %arg7[%swap3A_99, %swap3A_100] : memref<1024x1024xf32, #tpu.memory_space<vmem>>, vector<1024x1024xf32>
    tpu.vector_store %arg7[%swap3A_99, %swap3A_100], %select_n3A_98 {strides = array<i32>} : memref<1024x1024xf32, #tpu.memory_space<vmem>>, vector<1024x1024xf32>,
    return
  }
}

</mosaic_0001>

<sc_bundles>
// kernel: kernel.6.cloned.1.call-start
scs
__scs_entry_jumppad:
0x0: {  	(pc) =	sbr.rel $0x88, $3  }
0x1: {  	(tag) =	ssettag $0x0;
	lr =	simm.s32 $0x1  }
0x2: {  	[smem:$0x3F9E] =	sst lr;
	_ =	strace $0xD0000000  }
0x3: {  	_ = 	snop  }
0x4: {  	_ = 	snop  }
0x5: {  	_ = 	snop  }
0x6: {  	_ = 	snop  }
0x7: {  	_ = 	snop  }
__scs_overlays_trampoline_lowered:
0x8: {  	[smem:$0x3FAD] =	sst s0  }
0x9: {  	[smem:$0x3FAE] =	sst s1  }
0xa: {  	[smem:$0x3FAF] =	sst s2  }
0xb: {  	[smem:$0x3FB0] =	sst s3  }
0xc: {  	[smem:$0x3FB1] =	sst s4  }
0xd: {  	[smem:$0x3FB2] =	sst s5  }
0xe: {  	[smem:$0x3FB3] =	sst s6  }
0xf: {  	[smem:$0x3FB4] =	sst s7  }
0x10: {  	[smem:$0x3FB5] =	sst s8  }
0x11: {  	[smem:$0x3FB6] =	sst s9;
	s0 =	simm.s32 @!p0 $0x0  }
0x12: {  	s1 =	sld [smem:$0x3F9C];
	s0 =	simm.s32 @p0 $0x1  }
0x13: {  	[smem:$0x3FB7] =	sst s0;
	s0 =	simm.s32 @!p1 $0x0  }
0x14: {  	s2 =	sld [smem:$0x3F9B];
	s0 =	simm.s32 @p1 $0x1  }
0x15: {  	[smem:$0x3FB8] =	sst s0;
	s0 =	simm.s32 @!p2 $0x0  }
0x16: {  	s3 =	sld [smem:$0x3FDB];
	s0 =	simm.s32 @p2 $0x1  }
0x17: {  	s4 =	simm.s32 $0x1BF5;
	[smem:$0x3FBA] =	sst s0  }
0x18: {  	s0 =	sld [smem:$0x3F9D];
	_ =	swait.ge [sflag:s4], $0x0  }
0x19: {  	s7 =	sld [smem:$0x3F9E]  }
0x1a: {  	s8 =	sadd.s32 $0xFFFFE003, lr  }
0x1b: {  	s9 =	sadd.s32 $0xFFFFFEF7, lr;
	s5 =	simm.s32 $0xFFFFFFFF;
	p2 =	slt.u32 s8, $0xFFFFF086  }
0x1c: {  	p1 =	slt.u32 s9, $0xF7A;
	s5 =	simm.s32 @!p2 $0x0  }
0x1d: {  	s5 =	simm.s32 @p1 $0x1;
	p0 =	seq.s32 s7, s2  }
0x1e: {  	s7 =	smul.u32 @!p0 $0xF7A, s2;
	p2 =	seq.s32 @!p0 s5, $0x0  }
0x1f: {  	s9 =	smul.u32 $0xF7A, s1;
	s8 =	simm.s32 @!p0 $0x1BF5;
	p2 =	por !p2, p0  }
0x20: {  	[sflag:s8] =	ssyncset.s32 @!p0 $0xFFFFF086;
	s6 =	sadd.s32 @!p0 s3, s7;
	s7 =	simm.s32 @!p0 $0x108  }
0x21: {  	s3 =	sadd.s32 s3, s9;
	s6 =	sadd.s32 @!p0 $0x88, s6;
	s7 =	simm.s32 @p2 $0x1082  }
0x22: {  	[simem:s7], [sflag:s8] =	dma.local @!p0 [hbm:s6], $0xF7A  }
0x23: {  	s9 =	sor.u32 $0xD0000000, s2;
	s6 =	simm.s32 $0x108;
	_ =	swait.ge @!p0 [sflag:s8], $0x0  }
0x24: {  	s3 =	sadd.s32 $0x88, s3;
	s6 =	simm.s32 @!p1 $0x1082;
	[sflag:s4] =	ssyncset.s32 $0xFFFFF086  }
0x25: {  	[simem:s6], [sflag:s4] =	dma.local [hbm:s3], $0xF7A  }
0x26: {  	[smem:$0x3F9E] =	sst s1;
	(tag) =	ssettag s2;
	_ =	strace s9  }
0x27: {  	s1 =	sld [smem:$0x3FAE]  }
0x28: {  	s2 =	sld [smem:$0x3FAF]  }
0x29: {  	s4 =	sld [smem:$0x3FB1]  }
0x2a: {  	p0 =	seq.s32 s5, $0x0;
	s5 =	sld [smem:$0x3FB2]  }
0x2b: {  	s6 =	sld [smem:$0x3FB3]  }
0x2c: {  	s7 =	sld [smem:$0x3FB4]  }
0x2d: {  	s3 =	simm.s32 $0x108;
	s8 =	sld [smem:$0x3FB5]  }
0x2e: {  	s3 =	simm.s32 @!p0 $0x1082;
	s9 =	sld [smem:$0x3FB6]  }
0x2f: {  	lr =	sadd.s32 s0, s3;
	s0 =	sld [smem:$0x3FAD]  }
0x30: {  	s3 =	sld [smem:$0x3FB0]  }
0x31: {  	[smem:$0x3FB9] =	sst s10  }
0x32: {  	s10 =	sld [smem:$0x3FB7];
	_ =	sdelay $0x3  }
0x33: {  	p0 =	seq.s32 s10, $0x1;
	s10 =	sld [smem:$0x3FB9];
	_ =	sdelay $0x3  }
0x34: {  	[smem:$0x3FB9] =	sst s10  }
0x35: {  	s10 =	sld [smem:$0x3FB8];
	_ =	sdelay $0x3  }
0x36: {  	p1 =	seq.s32 s10, $0x1;
	s10 =	sld [smem:$0x3FB9];
	_ =	sdelay $0x3  }
0x37: {  	[smem:$0x3FB9] =	sst s10  }
0x38: {  	s10 =	sld [smem:$0x3FBA]  }
0x39: {  	_ = 	snop;
	(pc) =	sbr.ind lr, $3  }
0x3a: {  	_ = 	snop  }
0x3b: {  	_ = 	snop  }
0x3c: {  	p2 =	seq.s32 s10, $0x1;
	s10 =	sld [smem:$0x3FB9]  }
0x3d: {  	_ =	shalt  }
0x3e: {  	_ =	shalt  }
0x3f: {  	_ =	shalt  }
0x40: {  	_ =	shalt  }
0x41: {  	_ =	shalt  }
0x42: {  	_ =	shalt  }
0x43: {  	_ =	shalt  }
0x44: {  	_ =	shalt  }
0x45: {  	_ =	shalt  }
0x46: {  	_ =	shalt  }
0x47: {  	_ =	shalt  }
0x48: {  	_ =	shalt  }
0x49: {  	_ =	shalt  }
0x4a: {  	_ =	shalt  }
0x4b: {  	_ =	shalt  }
0x4c: {  	_ =	shalt  }
0x4d: {  	_ =	shalt  }
0x4e: {  	_ =	shalt  }
0x4f: {  	_ =	shalt  }
0x50: {  	_ =	shalt  }
0x51: {  	_ =	shalt  }
0x52: {  	_ =	shalt  }
0x53: {  	_ =	shalt  }
0x54: {  	_ =	shalt  }
0x55: {  	_ =	shalt  }
0x56: {  	_ =	shalt  }
0x57: {  	_ =	shalt  }
0x58: {  	_ =	shalt  }
0x59: {  	_ =	shalt  }
0x5a: {  	_ =	shalt  }
0x5b: {  	_ =	shalt  }
0x5c: {  	_ =	shalt  }
0x5d: {  	_ =	shalt  }
0x5e: {  	_ =	shalt  }
0x5f: {  	_ =	shalt  }
0x60: {  	_ =	shalt  }
0x61: {  	_ =	shalt  }
0x62: {  	_ =	shalt  }
0x63: {  	_ =	shalt  }
0x64: {  	_ =	shalt  }
0x65: {  	_ =	shalt  }
0x66: {  	_ =	shalt  }
0x67: {  	_ =	shalt  }
0x68: {  	_ =	shalt  }
0x69: {  	_ =	shalt  }
0x6a: {  	_ =	shalt  }
0x6b: {  	_ =	shalt  }
0x6c: {  	_ =	shalt  }
0x6d: {  	_ =	shalt  }
0x6e: {  	_ =	shalt  }
0x6f: {  	_ =	shalt  }
0x70: {  	_ =	shalt  }
0x71: {  	_ =	shalt  }
0x72: {  	_ =	shalt  }
0x73: {  	_ =	shalt  }
0x74: {  	_ =	shalt  }
0x75: {  	_ =	shalt  }
0x76: {  	_ =	shalt  }
0x77: {  	_ =	shalt  }
0x78: {  	_ =	shalt  }
0x79: {  	_ =	shalt  }
0x7a: {  	_ =	shalt  }
0x7b: {  	_ =	shalt  }
0x7c: {  	_ =	shalt  }
0x7d: {  	_ =	shalt  }
0x7e: {  	_ =	shalt  }
0x7f: {  	_ =	shalt  }
0x80: {  	_ =	shalt  }
0x81: {  	_ =	shalt  }
0x82: {  	_ =	shalt  }
0x83: {  	_ =	shalt  }
0x84: {  	_ =	shalt  }
0x85: {  	_ =	shalt  }
0x86: {  	_ =	shalt  }
0x87: {  	_ =	shalt  }
.Lfunc_end0:
.L_simem_size_0:
called_computation_lowered:
.L_overlay_start_0:
0x88: {  	s2 =	sld [smem:$0x3FD9]  }
0x89: {  	s3 =	sld [smem:$0x3FFE];
	_ =	sdelay $0x1  }
0x8a: {  	s1 =	srdreg.scid  }
0x8b: {  	s0 =	sand.u32 $0x1, s1  }
0x8c: {  	s14 =	sshll.u32 s0, $0xA;
	s2 =	sadd.s32 s3, s2  }
0x8d: {  	s2 =	sadd.s32 s2, s14  }
0x8e: {  	[smem:$0x3FC5] =	sst s2  }
0x8f: {  	_ = 	snop  }
0x90: {  	s2 =	sld [smem:$0x3FD0];
	_ =	sdelay $0x2  }
0x91: {  	s15 =	simm.s32 $0xA;
	s4 =	simm.s32 $0x10  }
0x92: {  	[smem:s4], [sflag:s15] =	dma.local [hbm:s2], $0x1  }
0x93: {  	_ =	swait.eq [sflag:s15], $0x1  }
0x94: {  	s16 =	sld [smem:$0x10];
	[sflag:s15] =	ssyncset.done $0x0  }
0x95: {  	s17 =	sld [smem:$0x11];
	[sflag:s15] =	ssyncadd.s32 $0xFFFFFFFF  }
0x96: {  	s18 =	sld [smem:$0x12];
	(tm) =	ssettm $0x1  }
0x97: {  	s5 =	sld [smem:$0x3FFB];
	_ =	sdelay $0x3  }
0x98: {  	_ =	strace s5  }
0x99: {  	s5 =	sld [smem:$0x3FFC];
	_ =	sdelay $0x3  }
0x9a: {  	_ =	strace s5  }
0x9b: {  	s5 =	sld [smem:$0x3FFD];
	_ =	sdelay $0x3  }
0x9c: {  	_ =	strace s5  }
0x9d: {  	_ =	strace $0x8FFFFFFF  }
0x9e: {  	s19 =	sld [smem:$0x3FDB];
	_ =	sdelay $0x1  }
0x9f: {  	s6 =	simm.s32 $_scs_section_size  }
0xa0: {  	s7 =	simm.s32 $_size__tile_overlayer_lowered;
	s8 =	simm.s32 $_tile_overlayer_lowered  }
0xa1: {  	s22 =	simm.s32 $0x1BFF;
	s21 =	sshll.u32 s8, $0x1;
	s5 =	sadd.s32 s6, s19  }
0xa2: {  	s9 =	simm.s32 $0x0;
	s20 =	sshll.u32 s7, $0x1;
	s7 =	sadd.s32 s21, s5  }
0xa3: {  	[timem:s9], [sflag:s22] =	dma.local [hbm:s7], s20  }
0xa4: {  	_ =	swait.ge [sflag:s22], s20  }
0xa5: {  	s6 =	ssub.s32 $0x0, s20;
	[sflag:s22] =	ssyncset.done $0x0  }
0xa6: {  	[sflag:s22] =	ssyncadd.s32 s6;
	_ =	sdelay $0x1  }
0xa7: {  	s23 =	simm.s32 $0x1B8B  }
0xa8: {  	_ =	swait.ge [sflag:s23], $0x1  }
0xa9: {  	[sflag:s23] =	ssyncset.done $0x0  }
0xaa: {  	s25 =	simm.s32 $0x1B8E;
	s24 =	sld [smem:$0x3FFE];
	[sflag:s23] =	ssyncadd.s32 $0xFFFFFFFF  }
0xab: {  	s26 =	simm.s32 $execute0_lowered;
	[smem:$0x3FD2] =	sst s25  }
0xac: {  	s7 =	sshll.u32 s26, $0x1;
	_ =	strace $0x80000046;
	[dreg:$0x1] =	wrdreg $0xFFFFFFFF  }
0xad: {  	s28 =	simm.s32 $_size_execute0_lowered;
	s5 =	sadd.s32 s5, s7;
	[dreg:$0x0] =	wrdreg $0x0  }
0xae: {  	s7 =	sshll.u32 s28, $0x1;
	[dreg:$0x2] =	wrdreg s5  }
0xaf: {  	[dreg:$0x3] =	wrdreg s7  }
0xb0: {  	[dreg:$0x4] =	wrdreg $0xC0  }
0xb1: {  	_ =	task [dreg:s9], $0x5FFFF  }
0xb2: {  	[dreg:$0x1] =	wrdreg $0xFFFFFFFF  }
0xb3: {  	[dreg:$0x0] =	wrdreg $0x60  }
0xb4: {  	[dreg:$0x2] =	wrdreg s18  }
0xb5: {  	[dreg:$0x3] =	wrdreg s17  }
0xb6: {  	[dreg:$0x4] =	wrdreg s16  }
0xb7: {  	[dreg:$0x5] =	wrdreg s24  }
0xb8: {  	[dreg:$0x6] =	wrdreg $0x182000  }
0xb9: {  	[dreg:$0x7] =	wrdreg $0x9  }
0xba: {  	_ =	task.clear_ibuf [dreg:s9], $0x8FFFF;
	_ =	strace $0x90000046  }
0xbb: {  	s29 =	simm.s32 $0x9;
	_ =	strace $0x80000048  }
0xbc: {  	_ =	swait.ge [sflag:s29], $0x1  }
0xbd: {  	[sflag:s29] =	ssyncadd.s32 $0xFFFFFFFF  }
0xbe: {  	_ =	strace $0x90000048  }
0xbf: {  	_ =	sfence  }
0xc0: {  	s30 =	sld [smem:$0x0];
	_ =	sdelay $0x2  }
0xc1: {  	s31 =	sshll.u32 s1, $0xD;
	s1 =	sshrl.u32 s1, $0x2  }
0xc2: {  	s3 =	sand.u32 $0x4000, s31;
	s1 =	sadd.s32 s1, s30  }
0xc3: {  	s0 =	sor.u32 s3, s0;
	s1 =	sshll.u32 s1, $0x11  }
0xc4: {  	s0 =	sor.u32 s1, s0  }
0xc5: {  	s0 =	sadd.s32 $0x8F2B, s0  }
0xc6: {  	[sflag:s0] =	ssyncadd.remote.s32 $0x1  }
0xc7: {  	_ =	sfence.sel $0xFFFF  }
0xc8: {  	[dreg:$0x0] =	wrdreg $0xFFFFFFFF;
	(pc) =	sbr.abs _section_cstart, $3  }
0xc9: {  	[dreg:$0x1] =	wrdreg $0xFFFFFFFF  }
0xca: {  	_ =	task.clear_ibuf [dreg:s9], $0x2FFFF;
	_ =	strace $0x9FFFFFFF  }
0xcb: {  	(tm) =	ssettm $0x7FFFFFFF  }
tec
execute0_lowered:
.L_overlay_start_1:
0x0: {  	(tag) =	ssettag $0x1  }
0x1: {  	s4 =	rddreg [dreg:$0x0]  }
0x2: {  	s6 =	rddreg [dreg:$0x1]  }
0x3: {  	s8 =	rddreg [dreg:$0x2]  }
0x4: {  	s3 =	rddreg [dreg:$0x3]  }
0x5: {  	s1 =	rddreg [dreg:$0x4]  }
0x6: {  	s0 =	rddreg [dreg:$0x5];
	s2 =	simm.s32 $0x0;
	s5 =	srdreg.scid  }
0x7: {  	s11 =	stileid.u32;
	v0 =	vlaneseq.u32;
	s13 =	simm.s32 $0x8000;
	s14 =	simm.s32 $0x2  }
0x8: {  	v1 =	vimm.s32 $0x0;
	s15 =	simm.s32 $0x80;
	s16 =	simm.s32 $0x18000;
	s17 =	simm.s32 $0x3;
	v33 =	vimm.s32 $0x1;
	v2 =	vor.u32 $0x10, v0  }
0x9: {  	s18 =	simm.s32 $0x18080;
	s19 =	simm.s32 $0xC000;
	s20 =	simm.s32 $0x18100;
	v3 =	vor.u32 $0x20, v0;
	v4 =	vor.u32 $0x30, v0;
	v5 =	vor.u32 $0x40, v0  }
0xa: {  	s21 =	simm.s32 $0x10000;
	s22 =	simm.s32 $0x18180;
	s23 =	simm.s32 $0x14000;
	v6 =	vor.u32 $0x50, v0;
	v7 =	vor.u32 $0x60, v0;
	v8 =	vor.u32 $0x70, v0  }
0xb: {  	s24 =	simm.s32 $0x0;
	[smem:$0x7FF] =	sst s2;
	s5 =	sand.u32 $0x1, s5;
	v9 =	vor.u32 $0x80, v0;
	v10 =	vor.u32 $0x90, v0;
	v11 =	vor.u32 $0xA0, v0  }
0xc: {  	s7 =	sshll.u32 s11, $0xD;
	v12 =	vor.u32 $0xB0, v0;
	v13 =	vor.u32 $0xC0, v0;
	v14 =	vor.u32 $0xD0, v0;
	p0 =	sne.s32 s11, $0x0;
	s11 =	simm.s32 $0x1  }
0xd: {  	v15 =	vor.u32 $0xE0, v0;
	v16 =	vor.u32 $0xF0, v0;
	v17 =	vor.u32 $0x100, v0;
	s9 =	sshll.u32 s5, $0xC;
	s10 =	sshll.u32 s5, $0xD;
	s5 =	ssub.s32 $0x2, s5  }
0xe: {  	v18 =	vor.u32 $0x110, v0;
	v19 =	vor.u32 $0x120, v0;
	v20 =	vor.u32 $0x130, v0;
	_ =	strace $0x80000047;
	s7 =	sor.u32 s9, s7;
	s30 =	sshrl.u32 s5, $0x1  }
0xf: {  	v21 =	vor.u32 $0x140, v0;
	v22 =	vor.u32 $0x150, v0;
	v23 =	vor.u32 $0x160, v0;
	s29 =	sadd.s32 s10, s3;
	s31 =	sor.u32 $0x800, s7;
	s12 =	ssub.s32 s5, s30  }
0x10: {  	v24 =	vor.u32 $0x170, v0;
	v25 =	vor.u32 $0x180, v0;
	v26 =	vor.u32 $0x190, v0;
	s3 =	sadd.s32 s4, s7;
	s5 =	sadd.s32 s6, s7;
	s7 =	sadd.s32 s8, s7  }
0x11: {  	v27 =	vor.u32 $0x1A0, v0;
	v28 =	vor.u32 $0x1B0, v0;
	v29 =	vor.u32 $0x1C0, v0;
	s9 =	sadd.s32 $0x1A00, s29;
	s4 =	sadd.s32 s4, s31;
	s6 =	sadd.s32 s6, s31  }
0x12: {  	v30 =	vor.u32 $0x1D0, v0;
	v31 =	vor.u32 $0x1E0, v0;
	v32 =	vor.u32 $0x1F0, v0;
	s8 =	sadd.s32 s8, s31;
	s10 =	smax.u32 s12, $0x1;
	s12 =	simm.s32 $0x4000  }
.LBB2_1:
0x13: {  	s25 =	simm.s32 $0x8200  }
0x14: {  	[tilespmem:s25+$0xFFFFFE00] =	vst v1  }
0x15: {  	[tilespmem:s25+$0x1F0] =	vst v1  }
0x16: {  	[tilespmem:s25+$0x1E0] =	vst v1  }
0x17: {  	[tilespmem:s25+$0x1D0] =	vst v1  }
0x18: {  	[tilespmem:s25+$0x1C0] =	vst v1  }
0x19: {  	[tilespmem:s25+$0x1B0] =	vst v1  }
0x1a: {  	[tilespmem:s25+$0x1A0] =	vst v1  }
0x1b: {  	[tilespmem:s25+$0x190] =	vst v1  }
0x1c: {  	[tilespmem:s25+$0x180] =	vst v1  }
0x1d: {  	[tilespmem:s25+$0x170] =	vst v1  }
0x1e: {  	[tilespmem:s25+$0x160] =	vst v1  }
0x1f: {  	[tilespmem:s25+$0x150] =	vst v1  }
0x20: {  	[tilespmem:s25+$0x140] =	vst v1  }
0x21: {  	[tilespmem:s25+$0x130] =	vst v1  }
0x22: {  	[tilespmem:s25+$0x120] =	vst v1  }
0x23: {  	[tilespmem:s25+$0x110] =	vst v1  }
0x24: {  	[tilespmem:s25+$0x100] =	vst v1  }
0x25: {  	[tilespmem:s25+$0xF0] =	vst v1  }
0x26: {  	[tilespmem:s25+$0xE0] =	vst v1  }
0x27: {  	[tilespmem:s25+$0xD0] =	vst v1  }
0x28: {  	[tilespmem:s25+$0xC0] =	vst v1  }
0x29: {  	[tilespmem:s25+$0xB0] =	vst v1  }
0x2a: {  	[tilespmem:s25+$0xA0] =	vst v1  }
0x2b: {  	[tilespmem:s25+$0x90] =	vst v1  }
0x2c: {  	[tilespmem:s25+$0x80] =	vst v1  }
0x2d: {  	[tilespmem:s25+$0x70] =	vst v1  }
0x2e: {  	[tilespmem:s25+$0x60] =	vst v1  }
0x2f: {  	[tilespmem:s25+$0x50] =	vst v1  }
0x30: {  	[tilespmem:s25+$0x40] =	vst v1  }
0x31: {  	[tilespmem:s25+$0x30] =	vst v1  }
0x32: {  	[tilespmem:s25+$0x20] =	vst v1  }
0x33: {  	[tilespmem:s25+$0x10] =	vst v1  }
0x34: {  	[tilespmem:s25+$0x0] =	vst v1  }
0x35: {  	[tilespmem:s25+$0xFFFFFFF0] =	vst v1  }
0x36: {  	[tilespmem:s25+$0xFFFFFFE0] =	vst v1  }
0x37: {  	[tilespmem:s25+$0xFFFFFFD0] =	vst v1  }
0x38: {  	[tilespmem:s25+$0xFFFFFFC0] =	vst v1  }
0x39: {  	[tilespmem:s25+$0xFFFFFFB0] =	vst v1  }
0x3a: {  	[tilespmem:s25+$0xFFFFFFA0] =	vst v1  }
0x3b: {  	[tilespmem:s25+$0xFFFFFF90] =	vst v1  }
0x3c: {  	[tilespmem:s25+$0xFFFFFF80] =	vst v1  }
0x3d: {  	[tilespmem:s25+$0xFFFFFF70] =	vst v1  }
0x3e: {  	[tilespmem:s25+$0xFFFFFF60] =	vst v1  }
0x3f: {  	[tilespmem:s25+$0xFFFFFF50] =	vst v1  }
0x40: {  	[tilespmem:s25+$0xFFFFFF40] =	vst v1  }
0x41: {  	[tilespmem:s25+$0xFFFFFF30] =	vst v1  }
0x42: {  	[tilespmem:s25+$0xFFFFFF20] =	vst v1  }
0x43: {  	[tilespmem:s25+$0xFFFFFF10] =	vst v1  }
0x44: {  	[tilespmem:s25+$0xFFFFFF00] =	vst v1  }
0x45: {  	[tilespmem:s25+$0xFFFFFEF0] =	vst v1  }
0x46: {  	[tilespmem:s25+$0xFFFFFEE0] =	vst v1  }
0x47: {  	[tilespmem:s25+$0xFFFFFED0] =	vst v1  }
0x48: {  	[tilespmem:s25+$0xFFFFFEC0] =	vst v1  }
0x49: {  	[tilespmem:s25+$0xFFFFFEB0] =	vst v1  }
0x4a: {  	[tilespmem:s25+$0xFFFFFEA0] =	vst v1  }
0x4b: {  	[tilespmem:s25+$0xFFFFFE90] =	vst v1  }
0x4c: {  	[tilespmem:s25+$0xFFFFFE80] =	vst v1  }
0x4d: {  	[tilespmem:s25+$0xFFFFFE70] =	vst v1  }
0x4e: {  	[tilespmem:s25+$0xFFFFFE60] =	vst v1  }
0x4f: {  	[tilespmem:s25+$0xFFFFFE50] =	vst v1  }
0x50: {  	[tilespmem:s25+$0xFFFFFE40] =	vst v1  }
0x51: {  	[tilespmem:s25+$0xFFFFFE30] =	vst v1  }
0x52: {  	s26 =	simm.s32 $0x0;
	[tilespmem:s25+$0xFFFFFE20] =	vst v1  }
.LBB2_2:
0x53: {  	s26 =	sadd.s32 $0x8, s26;
	[tilespmem:s25+$0xFFFFFE10] =	vst v1;
	s25 =	sadd.s32 $0x400, s25  }
0x54: {  	[tilespmem:s25+$0xFFFFFE00] =	vst v1;
	p1 =	slt.u32 s26, $0x1F8  }
0x55: {  	[tilespmem:s25+$0x1F0] =	vst v1  }
0x56: {  	[tilespmem:s25+$0x1E0] =	vst v1  }
0x57: {  	[tilespmem:s25+$0x1D0] =	vst v1  }
0x58: {  	[tilespmem:s25+$0x1C0] =	vst v1  }
0x59: {  	[tilespmem:s25+$0x1B0] =	vst v1  }
0x5a: {  	[tilespmem:s25+$0x1A0] =	vst v1  }
0x5b: {  	[tilespmem:s25+$0x190] =	vst v1  }
0x5c: {  	[tilespmem:s25+$0x180] =	vst v1  }
0x5d: {  	[tilespmem:s25+$0x170] =	vst v1  }
0x5e: {  	[tilespmem:s25+$0x160] =	vst v1  }
0x5f: {  	[tilespmem:s25+$0x150] =	vst v1  }
0x60: {  	[tilespmem:s25+$0x140] =	vst v1  }
0x61: {  	[tilespmem:s25+$0x130] =	vst v1  }
0x62: {  	[tilespmem:s25+$0x120] =	vst v1  }
0x63: {  	[tilespmem:s25+$0x110] =	vst v1  }
0x64: {  	[tilespmem:s25+$0x100] =	vst v1  }
0x65: {  	[tilespmem:s25+$0xF0] =	vst v1  }
0x66: {  	[tilespmem:s25+$0xE0] =	vst v1  }
0x67: {  	[tilespmem:s25+$0xD0] =	vst v1  }
0x68: {  	[tilespmem:s25+$0xC0] =	vst v1  }
0x69: {  	[tilespmem:s25+$0xB0] =	vst v1  }
0x6a: {  	[tilespmem:s25+$0xA0] =	vst v1  }
0x6b: {  	[tilespmem:s25+$0x90] =	vst v1  }
0x6c: {  	[tilespmem:s25+$0x80] =	vst v1  }
0x6d: {  	[tilespmem:s25+$0x70] =	vst v1  }
0x6e: {  	[tilespmem:s25+$0x60] =	vst v1  }
0x6f: {  	[tilespmem:s25+$0x50] =	vst v1  }
0x70: {  	[tilespmem:s25+$0x40] =	vst v1  }
0x71: {  	[tilespmem:s25+$0x30] =	vst v1  }
0x72: {  	[tilespmem:s25+$0x20] =	vst v1  }
0x73: {  	[tilespmem:s25+$0x10] =	vst v1  }
0x74: {  	[tilespmem:s25+$0x0] =	vst v1  }
0x75: {  	[tilespmem:s25+$0xFFFFFFF0] =	vst v1  }
0x76: {  	[tilespmem:s25+$0xFFFFFFE0] =	vst v1  }
0x77: {  	[tilespmem:s25+$0xFFFFFFD0] =	vst v1  }
0x78: {  	[tilespmem:s25+$0xFFFFFFC0] =	vst v1  }
0x79: {  	[tilespmem:s25+$0xFFFFFFB0] =	vst v1  }
0x7a: {  	[tilespmem:s25+$0xFFFFFFA0] =	vst v1  }
0x7b: {  	[tilespmem:s25+$0xFFFFFF90] =	vst v1  }
0x7c: {  	[tilespmem:s25+$0xFFFFFF80] =	vst v1  }
0x7d: {  	[tilespmem:s25+$0xFFFFFF70] =	vst v1  }
0x7e: {  	[tilespmem:s25+$0xFFFFFF60] =	vst v1  }
0x7f: {  	[tilespmem:s25+$0xFFFFFF50] =	vst v1  }
0x80: {  	[tilespmem:s25+$0xFFFFFF40] =	vst v1  }
0x81: {  	[tilespmem:s25+$0xFFFFFF30] =	vst v1  }
0x82: {  	[tilespmem:s25+$0xFFFFFF20] =	vst v1  }
0x83: {  	[tilespmem:s25+$0xFFFFFF10] =	vst v1  }
0x84: {  	[tilespmem:s25+$0xFFFFFF00] =	vst v1  }
0x85: {  	[tilespmem:s25+$0xFFFFFEF0] =	vst v1  }
0x86: {  	[tilespmem:s25+$0xFFFFFEE0] =	vst v1  }
0x87: {  	[tilespmem:s25+$0xFFFFFED0] =	vst v1  }
0x88: {  	[tilespmem:s25+$0xFFFFFEC0] =	vst v1  }
0x89: {  	[tilespmem:s25+$0xFFFFFEB0] =	vst v1  }
0x8a: {  	[tilespmem:s25+$0xFFFFFEA0] =	vst v1  }
0x8b: {  	[tilespmem:s25+$0xFFFFFE90] =	vst v1  }
0x8c: {  	[tilespmem:s25+$0xFFFFFE80] =	vst v1  }
0x8d: {  	[tilespmem:s25+$0xFFFFFE70] =	vst v1  }
.Ltmp0:
0x8e: {  	[tilespmem:s25+$0xFFFFFE60] =	vst v1;
	(pc) =	sbr.rel @p1 .LBB2_2-.Ltmp0, $4  }
0x8f: {  	[tilespmem:s25+$0xFFFFFE50] =	vst v1  }
0x90: {  	[tilespmem:s25+$0xFFFFFE40] =	vst v1  }
0x91: {  	[tilespmem:s25+$0xFFFFFE30] =	vst v1  }
0x92: {  	[tilespmem:s25+$0xFFFFFE20] =	vst v1  }
0x93: {  	[tilespmem:s25+$0xFFFFFE10] =	vst v1  }
0x94: {  	[tilespmem:$0x18000] =	vst v0  }
0x95: {  	[tilespmem:$0x18010] =	vst v2  }
0x96: {  	[tilespmem:$0x18020] =	vst v3  }
0x97: {  	[tilespmem:$0x18030] =	vst v4  }
0x98: {  	[tilespmem:$0x18040] =	vst v5  }
0x99: {  	[tilespmem:$0x18050] =	vst v6  }
0x9a: {  	[tilespmem:$0x18060] =	vst v7  }
0x9b: {  	[tilespmem:$0x18070] =	vst v8  }
0x9c: {  	[tilespmem:$0x18080] =	vst v9  }
0x9d: {  	[tilespmem:$0x18090] =	vst v10  }
0x9e: {  	[tilespmem:$0x180A0] =	vst v11  }
0x9f: {  	[tilespmem:$0x180B0] =	vst v12  }
0xa0: {  	[tilespmem:$0x180C0] =	vst v13  }
0xa1: {  	[tilespmem:$0x180D0] =	vst v14  }
0xa2: {  	[tilespmem:$0x180E0] =	vst v15  }
0xa3: {  	[tilespmem:$0x180F0] =	vst v16  }
0xa4: {  	[tilespmem:$0x18100] =	vst v17  }
0xa5: {  	[tilespmem:$0x18110] =	vst v18  }
0xa6: {  	[tilespmem:$0x18120] =	vst v19  }
0xa7: {  	[tilespmem:$0x18130] =	vst v20  }
0xa8: {  	[tilespmem:$0x18140] =	vst v21  }
0xa9: {  	[tilespmem:$0x18150] =	vst v22  }
0xaa: {  	[tilespmem:$0x18160] =	vst v23  }
0xab: {  	[tilespmem:$0x18170] =	vst v24  }
0xac: {  	[tilespmem:$0x18180] =	vst v25  }
0xad: {  	[tilespmem:$0x18190] =	vst v26  }
0xae: {  	[tilespmem:$0x181A0] =	vst v27  }
0xaf: {  	[tilespmem:$0x181B0] =	vst v28  }
0xb0: {  	[tilespmem:$0x181C0] =	vst v29  }
0xb1: {  	[tilespmem:$0x181D0] =	vst v30  }
0xb2: {  	[tilespmem:$0x181E0] =	vst v31  }
0xb3: {  	s25 =	simm.s32 @!p0 $0x8000;
	[tilespmem:$0x181F0] =	vst v32  }
0xb4: {  	[spmem:s1] =	stream.linear.scatter @!p0 [tilespmem:s25], [sflag:$0x3], $0x10000, $0x38;
	[tilespmem:$0x19200] =	vst v63  }
0xb5: {  	s25 =	simm.s32 @!p0 $0x3  }
0xb6: {  	_ =	swait.ge @!p0 [sflag:s25], $0x10000  }
0xb7: {  	[sflag:s25] =	ssyncset.done @!p0 $0x0  }
0xb8: {  	[sflag:s25] =	ssyncadd.s32 @!p0 $0xFFFF0000  }
0xb9: {  	[tilespmem:s2], [sflag:$0x1] =	stream.linear.gather [hbm4b:s3+s2], $0x4000, $0x38;
	[tilespmem:$0x19200] =	vst v63  }
0xba: {  	_ =	swait.ge [sflag:s11], $0x4000  }
0xbb: {  	[sflag:s11] =	ssyncset.done $0x0  }
0xbc: {  	s31 =	simm.s32 $0x40;
	[sflag:s11] =	ssyncadd.s32 $0xFFFFC000  }
0xbd: {  	[tilespmem:s12], [sflag:$0x2] =	stream.linear.gather [hbm4b:s4+s2], $0x4000, $0x38;
	[tilespmem:$0x19200] =	vst v63  }
0xbe: {  	v34 =	vld [tilespmem:s31+$0x30]  }
0xbf: {  	v35 =	vld [tilespmem:s31+$0xFFFFFFD0]  }
0xc0: {  	v36 =	vld [tilespmem:s31+$0xFFFFFFE0]  }
0xc1: {  	v37 =	vld [tilespmem:s31+$0xFFFFFFF0]  }
0xc2: {  	v38 =	vld [tilespmem:s31+$0x0]  }
0xc3: {  	v39 =	vld [tilespmem:s31+$0x10]  }
0xc4: {  	v42 =	vld [tilespmem:s31+$0x20]  }
0xc5: {  	v43 =	vld [tilespmem:s31+$0xFFFFFFC0];
	_ =	sdelay $0x2  }
0xc6: {  	v40 =	vshra.s32 v34, $0x1F;
	v41 =	vshra.s32 v35, $0x1F;
	v44 =	vshra.s32 v36, $0x1F  }
0xc7: {  	v53 =	vshra.s32 v37, $0x1F;
	v46 =	vshra.s32 v38, $0x1F;
	v47 =	vshra.s32 v39, $0x1F  }
0xc8: {  	v54 =	vshra.s32 v42, $0x1F;
	v55 =	vshra.s32 v43, $0x1F;
	v40 =	vand.u32 $0x7FFFFFFF, v40  }
0xc9: {  	v41 =	vand.u32 $0x7FFFFFFF, v41;
	v44 =	vand.u32 $0x7FFFFFFF, v44;
	v46 =	vand.u32 $0x7FFFFFFF, v46  }
0xca: {  	v47 =	vand.u32 $0x7FFFFFFF, v47;
	v56 =	vand.u32 $0x7FFFFFFF, v54;
	v34 =	vxor.u32 v34, v40  }
0xcb: {  	v40 =	vand.u32 $0x7FFFFFFF, v53;
	v35 =	vxor.u32 v35, v41;
	v36 =	vxor.u32 v36, v44  }
0xcc: {  	v38 =	vxor.u32 v38, v46;
	v39 =	vxor.u32 v39, v47;
	v57 =	vxor.u32 v42, v56  }
0xcd: {  	v45 =	vshrl.u32 v34, $0x10;
	v34 =	vshra.s32 v34, $0x10;
	v37 =	vxor.u32 v37, v40  }
0xce: {  	v60 =	vshrl.u32 v35, $0x10;
	v61 =	vshra.s32 v35, $0x10;
	v62 =	vshrl.u32 v36, $0x10  }
0xcf: {  	v63 =	vshra.s32 v36, $0x10;
	v51 =	vshrl.u32 v38, $0x10;
	v52 =	vshra.s32 v38, $0x10  }
0xd0: {  	v35 =	vshra.s32 v39, $0x10;
	v45 =	vand.u32 $0x7F, v45;
	v34 =	vand.u32 $0xFFFFFF80, v34  }
0xd1: {  	v36 =	vshrl.u32 v57, $0x10;
	v49 =	vshrl.u32 v37, $0x10;
	v34 =	vor.u32 v45, v34  }
0xd2: {  	v50 =	vshra.s32 v37, $0x10;
	v37 =	vshrl.u32 v39, $0x10;
	v48 =	vadd.s32 $0x8000, v34  }
0xd3: {  	v42 =	vand.u32 $0x7F, v60;
	v39 =	vand.u32 $0x7F, v62;
	v44 =	vand.u32 $0x7F, v51  }
0xd4: {  	v47 =	vand.u32 $0xFFFFFF80, v52;
	v45 =	vand.u32 $0xFFFFFF80, v61;
	v34 =	vand.u32 $0x7FFFFFFF, v55  }
0xd5: {  	v40 =	vand.u32 $0x7F, v49;
	v46 =	vand.u32 $0xFFFFFF80, v50;
	v34 =	vxor.u32 v43, v34  }
0xd6: {  	v43 =	vand.u32 $0xFFFFFF80, v63;
	v58 =	vshrl.u32 v34, $0x10;
	v59 =	vshra.s32 v34, $0x10  }
0xd7: {  	s26 =	simm.s32 $0xC0;
	s25 =	simm.s32 $0x0;
	v34 =	vshra.s32 v57, $0x10;
	v38 =	vand.u32 $0x7F, v58;
	v41 =	vand.u32 $0xFFFFFF80, v59;
	[tilespmem:v48+s13+$0x0] =	vst.idx.add.s32.msk $0xffff, v33  }
.LBB2_4:
0xd8: {  	v48 =	vld [tilespmem:s26+$0x30];
	s25 =	sadd.s32 $0x8, s25;
	v37 =	vand.u32 $0x7F, v37;
	v35 =	vand.u32 $0xFFFFFF80, v35;
	v36 =	vand.u32 $0x7F, v36  }
0xd9: {  	v38 =	vor.u32 v38, v41;
	v41 =	vor.u32 v42, v45;
	v34 =	vand.u32 $0xFFFFFF80, v34;
	v49 =	vld [tilespmem:s26+$0xFFFFFFD0];
	p1 =	slt.u32 s25, $0x3F8  }
0xda: {  	v39 =	vor.u32 v39, v43;
	v40 =	vor.u32 v40, v46;
	v43 =	vor.u32 v44, v47;
	v42 =	vld [tilespmem:s26+$0xFFFFFFE0]  }
0xdb: {  	v38 =	vadd.s32 $0x8000, v38;
	v35 =	vor.u32 v37, v35;
	v34 =	vor.u32 v36, v34;
	v44 =	vld [tilespmem:s26+$0xFFFFFFF0]  }
0xdc: {  	v37 =	vadd.s32 $0x8000, v41;
	v39 =	vadd.s32 $0x8000, v39;
	v40 =	vadd.s32 $0x8000, v40;
	v36 =	vld [tilespmem:s26+$0x0]  }
0xdd: {  	v43 =	vadd.s32 $0x8000, v43;
	v35 =	vadd.s32 $0x8000, v35;
	v41 =	vld [tilespmem:s26+$0x10];
	v45 =	vshra.s32 v48, $0x1F  }
0xde: {  	v34 =	vadd.s32 $0x8000, v34;
	v46 =	vshra.s32 v49, $0x1F;
	v47 =	vld [tilespmem:s26+$0x20];
	v45 =	vand.u32 $0x7FFFFFFF, v45  }
0xdf: {  	v50 =	vld [tilespmem:s26+$0xFFFFFFC0];
	v46 =	vand.u32 $0x7FFFFFFF, v46;
	v51 =	vshra.s32 v42, $0x1F;
	v45 =	vxor.u32 v48, v45  }
0xe0: {  	v48 =	vshra.s32 v44, $0x1F;
	v52 =	vshrl.u32 v45, $0x10;
	v45 =	vshra.s32 v45, $0x10;
	[tilespmem:v38+s13+$0x0] =	vst.idx.add.s32.msk $0xffff, v33  }
0xe1: {  	v38 =	vshra.s32 v36, $0x1F;
	v52 =	vand.u32 $0x7F, v52;
	v45 =	vand.u32 $0xFFFFFF80, v45;
	[tilespmem:v37+s13+$0x0] =	vst.idx.add.s32.msk $0xffff, v33  }
0xe2: {  	v37 =	vand.u32 $0x7FFFFFFF, v51;
	v51 =	vshra.s32 v41, $0x1F;
	v45 =	vor.u32 v52, v45;
	[tilespmem:v39+s13+$0x0] =	vst.idx.add.s32.msk $0xffff, v33  }
0xe3: {  	v39 =	vand.u32 $0x7FFFFFFF, v48;
	v48 =	vshra.s32 v47, $0x1F;
	v45 =	vadd.s32 $0x8000, v45;
	[tilespmem:v40+s13+$0x0] =	vst.idx.add.s32.msk $0xffff, v33  }
0xe4: {  	v38 =	vand.u32 $0x7FFFFFFF, v38;
	v51 =	vand.u32 $0x7FFFFFFF, v51;
	v40 =	vshra.s32 v50, $0x1F;
	[tilespmem:v43+s13+$0x0] =	vst.idx.add.s32.msk $0xffff, v33  }
0xe5: {  	v43 =	vxor.u32 v49, v46;
	v46 =	vand.u32 $0x7FFFFFFF, v48;
	v40 =	vand.u32 $0x7FFFFFFF, v40;
	[tilespmem:v35+s13+$0x0] =	vst.idx.add.s32.msk $0xffff, v33  }
0xe6: {  	v37 =	vxor.u32 v42, v37;
	v39 =	vxor.u32 v44, v39;
	v35 =	vxor.u32 v50, v40  }
0xe7: {  	v36 =	vxor.u32 v36, v38;
	v38 =	vxor.u32 v41, v51;
	v40 =	vxor.u32 v47, v46  }
0xe8: {  	v44 =	vshrl.u32 v43, $0x10;
	v41 =	vshrl.u32 v35, $0x10;
	v42 =	vshra.s32 v35, $0x10;
	[tilespmem:v45+s13+$0x0] =	vst.idx.add.s32.msk $0xffff, v33  }
0xe9: {  	v43 =	vshra.s32 v43, $0x10;
	v46 =	vshrl.u32 v37, $0x10;
	v47 =	vshra.s32 v37, $0x10;
	[tilespmem:v34+s13+$0x0] =	vst.idx.add.s32.msk $0xffff, v33  }
0xea: {  	v48 =	vshrl.u32 v39, $0x10;
	v49 =	vshra.s32 v39, $0x10;
	v50 =	vshrl.u32 v36, $0x10  }
.Ltmp1:
0xeb: {  	v51 =	vshra.s32 v36, $0x10;
	v37 =	vshrl.u32 v38, $0x10;
	v35 =	vshra.s32 v38, $0x10;
	(pc) =	sbr.rel @p1 .LBB2_4-.Ltmp1, $4  }
0xec: {  	v36 =	vshrl.u32 v40, $0x10;
	v38 =	vand.u32 $0x7F, v41;
	v34 =	vshra.s32 v40, $0x10  }
0xed: {  	v41 =	vand.u32 $0xFFFFFF80, v42;
	v42 =	vand.u32 $0x7F, v44;
	v45 =	vand.u32 $0xFFFFFF80, v43  }
0xee: {  	v39 =	vand.u32 $0x7F, v46;
	v43 =	vand.u32 $0xFFFFFF80, v47;
	v40 =	vand.u32 $0x7F, v48  }
0xef: {  	s26 =	sadd.s32 $0x80, s26;
	v46 =	vand.u32 $0xFFFFFF80, v49;
	v44 =	vand.u32 $0x7F, v50;
	v47 =	vand.u32 $0xFFFFFF80, v51  }
0xf0: {  	v38 =	vor.u32 v38, v41  }
0xf1: {  	v52 =	vor.u32 v42, v45;
	v38 =	vadd.s32 $0x8000, v38  }
0xf2: {  	v37 =	vand.u32 $0x7F, v37;
	v39 =	vor.u32 v39, v43;
	v41 =	vadd.s32 $0x8000, v52  }
0xf3: {  	v35 =	vand.u32 $0xFFFFFF80, v35;
	v40 =	vor.u32 v40, v46;
	v39 =	vadd.s32 $0x8000, v39  }
0xf4: {  	v36 =	vand.u32 $0x7F, v36;
	v53 =	vor.u32 v44, v47;
	v40 =	vadd.s32 $0x8000, v40  }
0xf5: {  	v34 =	vand.u32 $0xFFFFFF80, v34;
	v35 =	vor.u32 v37, v35;
	v54 =	vadd.s32 $0x8000, v53  }
0xf6: {  	v34 =	vor.u32 v36, v34;
	v35 =	vadd.s32 $0x8000, v35;
	[tilespmem:v38+s13+$0x0] =	vst.idx.add.s32.msk $0xffff, v33  }
0xf7: {  	v34 =	vadd.s32 $0x8000, v34;
	[tilespmem:v41+s13+$0x0] =	vst.idx.add.s32.msk $0xffff, v33  }
0xf8: {  	[tilespmem:v39+s13+$0x0] =	vst.idx.add.s32.msk $0xffff, v33  }
0xf9: {  	[tilespmem:v40+s13+$0x0] =	vst.idx.add.s32.msk $0xffff, v33  }
0xfa: {  	[tilespmem:v54+s13+$0x0] =	vst.idx.add.s32.msk $0xffff, v33  }
0xfb: {  	[tilespmem:v35+s13+$0x0] =	vst.idx.add.s32.msk $0xffff, v33  }
0xfc: {  	[tilespmem:v34+s13+$0x0] =	vst.idx.add.s32.msk $0xffff, v33  }
0xfd: {  	_ =	swait.ge [sflag:s14], $0x4000  }
0xfe: {  	[sflag:s14] =	ssyncset.done $0x0  }
0xff: {  	s25 =	simm.s32 $0x4040;
	[sflag:s14] =	ssyncadd.s32 $0xFFFFC000  }
0x100: {  	[tilespmem:s2], [sflag:$0x1] =	stream.linear.gather [hbm4b:s5+s2], $0x4000, $0x38;
	[tilespmem:$0x19200] =	vst v63  }
0x101: {  	v55 =	vld [tilespmem:s25+$0x30]  }
0x102: {  	v56 =	vld [tilespmem:s25+$0xFFFFFFD0]  }
0x103: {  	v36 =	vld [tilespmem:s25+$0xFFFFFFE0]  }
0x104: {  	v57 =	vld [tilespmem:s25+$0xFFFFFFF0]  }
0x105: {  	v58 =	vld [tilespmem:s25+$0x0]  }
0x106: {  	v59 =	vld [tilespmem:s25+$0x10]  }
0x107: {  	v62 =	vld [tilespmem:s25+$0x20];
	_ =	sdelay $0x1  }
0x108: {  	v63 =	vld [tilespmem:s25+$0xFFFFFFC0]  }
0x109: {  	v60 =	vshra.s32 v55, $0x1F;
	v61 =	vshra.s32 v56, $0x1F;
	v49 =	vshra.s32 v36, $0x1F  }
0x10a: {  	v50 =	vshra.s32 v57, $0x1F;
	v52 =	vshra.s32 v58, $0x1F;
	v53 =	vshra.s32 v59, $0x1F  }
0x10b: {  	v54 =	vshra.s32 v62, $0x1F;
	v40 =	vand.u32 $0x7FFFFFFF, v60;
	v41 =	vand.u32 $0x7FFFFFFF, v61  }
0x10c: {  	v44 =	vand.u32 $0x7FFFFFFF, v49;
	v46 =	vand.u32 $0x7FFFFFFF, v52;
	v47 =	vand.u32 $0x7FFFFFFF, v53  }
0x10d: {  	v34 =	vxor.u32 v55, v40;
	v40 =	vand.u32 $0x7FFFFFFF, v50;
	v55 =	vshra.s32 v63, $0x1F  }
0x10e: {  	v35 =	vxor.u32 v56, v41;
	v56 =	vand.u32 $0x7FFFFFFF, v54;
	v36 =	vxor.u32 v36, v44  }
0x10f: {  	v38 =	vxor.u32 v58, v46;
	v39 =	vxor.u32 v59, v47;
	v51 =	vshrl.u32 v34, $0x10  }
0x110: {  	v34 =	vshra.s32 v34, $0x10;
	v37 =	vxor.u32 v57, v40;
	v57 =	vxor.u32 v62, v56  }
0x111: {  	v60 =	vshrl.u32 v35, $0x10;
	v61 =	vshra.s32 v35, $0x10;
	v62 =	vshrl.u32 v36, $0x10  }
0x112: {  	v52 =	vshra.s32 v38, $0x10;
	v35 =	vshra.s32 v39, $0x10;
	v45 =	vand.u32 $0x7F, v51  }
0x113: {  	v34 =	vand.u32 $0xFFFFFF80, v34;
	v49 =	vshrl.u32 v37, $0x10;
	v50 =	vshra.s32 v37, $0x10  }
0x114: {  	v51 =	vshrl.u32 v38, $0x10;
	v37 =	vshrl.u32 v39, $0x10;
	v34 =	vor.u32 v45, v34  }
0x115: {  	v42 =	vand.u32 $0x7F, v60;
	v39 =	vand.u32 $0x7F, v62;
	v48 =	vadd.s32 $0x8000, v34  }
0x116: {  	v47 =	vand.u32 $0xFFFFFF80, v52;
	v45 =	vand.u32 $0xFFFFFF80, v61;
	v40 =	vand.u32 $0x7F, v49  }
0x117: {  	v46 =	vand.u32 $0xFFFFFF80, v50;
	v44 =	vand.u32 $0x7F, v51;
	v34 =	vand.u32 $0x7FFFFFFF, v55  }
0x118: {  	v34 =	vxor.u32 v63, v34;
	v63 =	vshra.s32 v36, $0x10;
	v36 =	vshrl.u32 v57, $0x10  }
0x119: {  	v58 =	vshrl.u32 v34, $0x10;
	v59 =	vshra.s32 v34, $0x10;
	v34 =	vshra.s32 v57, $0x10  }
0x11a: {  	s26 =	simm.s32 $0x40C0;
	s25 =	simm.s32 $0x0;
	v43 =	vand.u32 $0xFFFFFF80, v63;
	v38 =	vand.u32 $0x7F, v58;
	v41 =	vand.u32 $0xFFFFFF80, v59;
	[tilespmem:v48+s13+$0x0] =	vst.idx.add.s32.msk $0xffff, v33  }
.LBB2_6:
0x11b: {  	v48 =	vld [tilespmem:s26+$0x30];
	s25 =	sadd.s32 $0x8, s25;
	v37 =	vand.u32 $0x7F, v37;
	v35 =	vand.u32 $0xFFFFFF80, v35;
	v36 =	vand.u32 $0x7F, v36  }
0x11c: {  	v38 =	vor.u32 v38, v41;
	v41 =	vor.u32 v42, v45;
	v34 =	vand.u32 $0xFFFFFF80, v34;
	v49 =	vld [tilespmem:s26+$0xFFFFFFD0];
	p1 =	slt.u32 s25, $0x3F8  }
0x11d: {  	v39 =	vor.u32 v39, v43;
	v40 =	vor.u32 v40, v46;
	v43 =	vor.u32 v44, v47;
	v42 =	vld [tilespmem:s26+$0xFFFFFFE0]  }
0x11e: {  	v38 =	vadd.s32 $0x8000, v38;
	v35 =	vor.u32 v37, v35;
	v34 =	vor.u32 v36, v34;
	v44 =	vld [tilespmem:s26+$0xFFFFFFF0]  }
0x11f: {  	v37 =	vadd.s32 $0x8000, v41;
	v39 =	vadd.s32 $0x8000, v39;
	v40 =	vadd.s32 $0x8000, v40;
	v36 =	vld [tilespmem:s26+$0x0]  }
0x120: {  	v43 =	vadd.s32 $0x8000, v43;
	v35 =	vadd.s32 $0x8000, v35;
	v41 =	vld [tilespmem:s26+$0x10];
	v45 =	vshra.s32 v48, $0x1F  }
0x121: {  	v34 =	vadd.s32 $0x8000, v34;
	v46 =	vshra.s32 v49, $0x1F;
	v47 =	vld [tilespmem:s26+$0x20];
	v45 =	vand.u32 $0x7FFFFFFF, v45  }
0x122: {  	v50 =	vld [tilespmem:s26+$0xFFFFFFC0];
	v46 =	vand.u32 $0x7FFFFFFF, v46;
	v51 =	vshra.s32 v42, $0x1F;
	v45 =	vxor.u32 v48, v45  }
0x123: {  	v48 =	vshra.s32 v44, $0x1F;
	v52 =	vshrl.u32 v45, $0x10;
	v45 =	vshra.s32 v45, $0x10;
	[tilespmem:v38+s13+$0x0] =	vst.idx.add.s32.msk $0xffff, v33  }
0x124: {  	v38 =	vshra.s32 v36, $0x1F;
	v52 =	vand.u32 $0x7F, v52;
	v45 =	vand.u32 $0xFFFFFF80, v45;
	[tilespmem:v37+s13+$0x0] =	vst.idx.add.s32.msk $0xffff, v33  }
0x125: {  	v37 =	vand.u32 $0x7FFFFFFF, v51;
	v51 =	vshra.s32 v41, $0x1F;
	v45 =	vor.u32 v52, v45;
	[tilespmem:v39+s13+$0x0] =	vst.idx.add.s32.msk $0xffff, v33  }
0x126: {  	v39 =	vand.u32 $0x7FFFFFFF, v48;
	v48 =	vshra.s32 v47, $0x1F;
	v45 =	vadd.s32 $0x8000, v45;
	[tilespmem:v40+s13+$0x0] =	vst.idx.add.s32.msk $0xffff, v33  }
0x127: {  	v38 =	vand.u32 $0x7FFFFFFF, v38;
	v51 =	vand.u32 $0x7FFFFFFF, v51;
	v40 =	vshra.s32 v50, $0x1F;
	[tilespmem:v43+s13+$0x0] =	vst.idx.add.s32.msk $0xffff, v33  }
0x128: {  	v43 =	vxor.u32 v49, v46;
	v46 =	vand.u32 $0x7FFFFFFF, v48;
	v40 =	vand.u32 $0x7FFFFFFF, v40;
	[tilespmem:v35+s13+$0x0] =	vst.idx.add.s32.msk $0xffff, v33  }
0x129: {  	v37 =	vxor.u32 v42, v37;
	v39 =	vxor.u32 v44, v39;
	v35 =	vxor.u32 v50, v40  }
0x12a: {  	v36 =	vxor.u32 v36, v38;
	v38 =	vxor.u32 v41, v51;
	v40 =	vxor.u32 v47, v46  }
0x12b: {  	v44 =	vshrl.u32 v43, $0x10;
	v41 =	vshrl.u32 v35, $0x10;
	v42 =	vshra.s32 v35, $0x10;
	[tilespmem:v45+s13+$0x0] =	vst.idx.add.s32.msk $0xffff, v33  }
0x12c: {  	v43 =	vshra.s32 v43, $0x10;
	v46 =	vshrl.u32 v37, $0x10;
	v47 =	vshra.s32 v37, $0x10;
	[tilespmem:v34+s13+$0x0] =	vst.idx.add.s32.msk $0xffff, v33  }
0x12d: {  	v48 =	vshrl.u32 v39, $0x10;
	v49 =	vshra.s32 v39, $0x10;
	v50 =	vshrl.u32 v36, $0x10  }
.Ltmp2:
0x12e: {  	v51 =	vshra.s32 v36, $0x10;
	v37 =	vshrl.u32 v38, $0x10;
	v35 =	vshra.s32 v38, $0x10;
	(pc) =	sbr.rel @p1 .LBB2_6-.Ltmp2, $4  }
0x12f: {  	v36 =	vshrl.u32 v40, $0x10;
	v38 =	vand.u32 $0x7F, v41;
	v34 =	vshra.s32 v40, $0x10  }
0x130: {  	v41 =	vand.u32 $0xFFFFFF80, v42;
	v42 =	vand.u32 $0x7F, v44;
	v45 =	vand.u32 $0xFFFFFF80, v43  }
0x131: {  	v39 =	vand.u32 $0x7F, v46;
	v43 =	vand.u32 $0xFFFFFF80, v47;
	v40 =	vand.u32 $0x7F, v48  }
0x132: {  	s26 =	sadd.s32 $0x80, s26;
	v46 =	vand.u32 $0xFFFFFF80, v49;
	v44 =	vand.u32 $0x7F, v50;
	v47 =	vand.u32 $0xFFFFFF80, v51  }
0x133: {  	v38 =	vor.u32 v38, v41  }
0x134: {  	v52 =	vor.u32 v42, v45;
	v38 =	vadd.s32 $0x8000, v38  }
0x135: {  	v37 =	vand.u32 $0x7F, v37;
	v39 =	vor.u32 v39, v43;
	v41 =	vadd.s32 $0x8000, v52  }
0x136: {  	v35 =	vand.u32 $0xFFFFFF80, v35;
	v40 =	vor.u32 v40, v46;
	v39 =	vadd.s32 $0x8000, v39  }
0x137: {  	v36 =	vand.u32 $0x7F, v36;
	v53 =	vor.u32 v44, v47;
	v40 =	vadd.s32 $0x8000, v40  }
0x138: {  	v34 =	vand.u32 $0xFFFFFF80, v34;
	v35 =	vor.u32 v37, v35;
	v54 =	vadd.s32 $0x8000, v53  }
0x139: {  	v34 =	vor.u32 v36, v34;
	v35 =	vadd.s32 $0x8000, v35;
	[tilespmem:v38+s13+$0x0] =	vst.idx.add.s32.msk $0xffff, v33  }
0x13a: {  	v34 =	vadd.s32 $0x8000, v34;
	[tilespmem:v41+s13+$0x0] =	vst.idx.add.s32.msk $0xffff, v33  }
0x13b: {  	[tilespmem:v39+s13+$0x0] =	vst.idx.add.s32.msk $0xffff, v33  }
0x13c: {  	[tilespmem:v40+s13+$0x0] =	vst.idx.add.s32.msk $0xffff, v33  }
0x13d: {  	[tilespmem:v54+s13+$0x0] =	vst.idx.add.s32.msk $0xffff, v33  }
0x13e: {  	[tilespmem:v35+s13+$0x0] =	vst.idx.add.s32.msk $0xffff, v33  }
0x13f: {  	[tilespmem:v34+s13+$0x0] =	vst.idx.add.s32.msk $0xffff, v33  }
0x140: {  	_ =	swait.ge [sflag:s11], $0x4000  }
0x141: {  	[sflag:s11] =	ssyncset.done $0x0  }
0x142: {  	s25 =	simm.s32 $0x40;
	[sflag:s11] =	ssyncadd.s32 $0xFFFFC000  }
0x143: {  	[tilespmem:s12], [sflag:$0x2] =	stream.linear.gather [hbm4b:s6+s2], $0x4000, $0x38;
	[tilespmem:$0x19200] =	vst v63  }
0x144: {  	v55 =	vld [tilespmem:s25+$0x30]  }
0x145: {  	v56 =	vld [tilespmem:s25+$0xFFFFFFD0]  }
0x146: {  	v36 =	vld [tilespmem:s25+$0xFFFFFFE0]  }
0x147: {  	v57 =	vld [tilespmem:s25+$0xFFFFFFF0]  }
0x148: {  	v58 =	vld [tilespmem:s25+$0x0]  }
0x149: {  	v59 =	vld [tilespmem:s25+$0x10]  }
0x14a: {  	v62 =	vld [tilespmem:s25+$0x20];
	_ =	sdelay $0x1  }
0x14b: {  	v63 =	vld [tilespmem:s25+$0xFFFFFFC0]  }
0x14c: {  	v60 =	vshra.s32 v55, $0x1F;
	v61 =	vshra.s32 v56, $0x1F;
	v49 =	vshra.s32 v36, $0x1F  }
0x14d: {  	v50 =	vshra.s32 v57, $0x1F;
	v52 =	vshra.s32 v58, $0x1F;
	v53 =	vshra.s32 v59, $0x1F  }
0x14e: {  	v54 =	vshra.s32 v62, $0x1F;
	v40 =	vand.u32 $0x7FFFFFFF, v60;
	v41 =	vand.u32 $0x7FFFFFFF, v61  }
0x14f: {  	v44 =	vand.u32 $0x7FFFFFFF, v49;
	v46 =	vand.u32 $0x7FFFFFFF, v52;
	v47 =	vand.u32 $0x7FFFFFFF, v53  }
0x150: {  	v34 =	vxor.u32 v55, v40;
	v40 =	vand.u32 $0x7FFFFFFF, v50;
	v55 =	vshra.s32 v63, $0x1F  }
0x151: {  	v35 =	vxor.u32 v56, v41;
	v56 =	vand.u32 $0x7FFFFFFF, v54;
	v36 =	vxor.u32 v36, v44  }
0x152: {  	v38 =	vxor.u32 v58, v46;
	v39 =	vxor.u32 v59, v47;
	v51 =	vshrl.u32 v34, $0x10  }
0x153: {  	v34 =	vshra.s32 v34, $0x10;
	v37 =	vxor.u32 v57, v40;
	v57 =	vxor.u32 v62, v56  }
0x154: {  	v60 =	vshrl.u32 v35, $0x10;
	v61 =	vshra.s32 v35, $0x10;
	v62 =	vshrl.u32 v36, $0x10  }
0x155: {  	v52 =	vshra.s32 v38, $0x10;
	v35 =	vshra.s32 v39, $0x10;
	v45 =	vand.u32 $0x7F, v51  }
0x156: {  	v34 =	vand.u32 $0xFFFFFF80, v34;
	v49 =	vshrl.u32 v37, $0x10;
	v50 =	vshra.s32 v37, $0x10  }
0x157: {  	v51 =	vshrl.u32 v38, $0x10;
	v37 =	vshrl.u32 v39, $0x10;
	v34 =	vor.u32 v45, v34  }
0x158: {  	v42 =	vand.u32 $0x7F, v60;
	v39 =	vand.u32 $0x7F, v62;
	v48 =	vadd.s32 $0x8000, v34  }
0x159: {  	v47 =	vand.u32 $0xFFFFFF80, v52;
	v45 =	vand.u32 $0xFFFFFF80, v61;
	v40 =	vand.u32 $0x7F, v49  }
0x15a: {  	v46 =	vand.u32 $0xFFFFFF80, v50;
	v44 =	vand.u32 $0x7F, v51;
	v34 =	vand.u32 $0x7FFFFFFF, v55  }
0x15b: {  	v34 =	vxor.u32 v63, v34;
	v63 =	vshra.s32 v36, $0x10;
	v36 =	vshrl.u32 v57, $0x10  }
0x15c: {  	v58 =	vshrl.u32 v34, $0x10;
	v59 =	vshra.s32 v34, $0x10;
	v34 =	vshra.s32 v57, $0x10  }
0x15d: {  	s26 =	simm.s32 $0xC0;
	s25 =	simm.s32 $0x0;
	v43 =	vand.u32 $0xFFFFFF80, v63;
	v38 =	vand.u32 $0x7F, v58;
	v41 =	vand.u32 $0xFFFFFF80, v59;
	[tilespmem:v48+s13+$0x0] =	vst.idx.add.s32.msk $0xffff, v33  }
.LBB2_8:
0x15e: {  	v48 =	vld [tilespmem:s26+$0x30];
	s25 =	sadd.s32 $0x8, s25;
	v37 =	vand.u32 $0x7F, v37;
	v35 =	vand.u32 $0xFFFFFF80, v35;
	v36 =	vand.u32 $0x7F, v36  }
0x15f: {  	v38 =	vor.u32 v38, v41;
	v41 =	vor.u32 v42, v45;
	v34 =	vand.u32 $0xFFFFFF80, v34;
	v49 =	vld [tilespmem:s26+$0xFFFFFFD0];
	p1 =	slt.u32 s25, $0x3F8  }
0x160: {  	v39 =	vor.u32 v39, v43;
	v40 =	vor.u32 v40, v46;
	v43 =	vor.u32 v44, v47;
	v42 =	vld [tilespmem:s26+$0xFFFFFFE0]  }
0x161: {  	v38 =	vadd.s32 $0x8000, v38;
	v35 =	vor.u32 v37, v35;
	v34 =	vor.u32 v36, v34;
	v44 =	vld [tilespmem:s26+$0xFFFFFFF0]  }
0x162: {  	v37 =	vadd.s32 $0x8000, v41;
	v39 =	vadd.s32 $0x8000, v39;
	v40 =	vadd.s32 $0x8000, v40;
	v36 =	vld [tilespmem:s26+$0x0]  }
0x163: {  	v43 =	vadd.s32 $0x8000, v43;
	v35 =	vadd.s32 $0x8000, v35;
	v41 =	vld [tilespmem:s26+$0x10];
	v45 =	vshra.s32 v48, $0x1F  }
0x164: {  	v34 =	vadd.s32 $0x8000, v34;
	v46 =	vshra.s32 v49, $0x1F;
	v47 =	vld [tilespmem:s26+$0x20];
	v45 =	vand.u32 $0x7FFFFFFF, v45  }
0x165: {  	v50 =	vld [tilespmem:s26+$0xFFFFFFC0];
	v46 =	vand.u32 $0x7FFFFFFF, v46;
	v51 =	vshra.s32 v42, $0x1F;
	v45 =	vxor.u32 v48, v45  }
0x166: {  	v48 =	vshra.s32 v44, $0x1F;
	v52 =	vshrl.u32 v45, $0x10;
	v45 =	vshra.s32 v45, $0x10;
	[tilespmem:v38+s13+$0x0] =	vst.idx.add.s32.msk $0xffff, v33  }
0x167: {  	v38 =	vshra.s32 v36, $0x1F;
	v52 =	vand.u32 $0x7F, v52;
	v45 =	vand.u32 $0xFFFFFF80, v45;
	[tilespmem:v37+s13+$0x0] =	vst.idx.add.s32.msk $0xffff, v33  }
0x168: {  	v37 =	vand.u32 $0x7FFFFFFF, v51;
	v51 =	vshra.s32 v41, $0x1F;
	v45 =	vor.u32 v52, v45;
	[tilespmem:v39+s13+$0x0] =	vst.idx.add.s32.msk $0xffff, v33  }
0x169: {  	v39 =	vand.u32 $0x7FFFFFFF, v48;
	v48 =	vshra.s32 v47, $0x1F;
	v45 =	vadd.s32 $0x8000, v45;
	[tilespmem:v40+s13+$0x0] =	vst.idx.add.s32.msk $0xffff, v33  }
0x16a: {  	v38 =	vand.u32 $0x7FFFFFFF, v38;
	v51 =	vand.u32 $0x7FFFFFFF, v51;
	v40 =	vshra.s32 v50, $0x1F;
	[tilespmem:v43+s13+$0x0] =	vst.idx.add.s32.msk $0xffff, v33  }
0x16b: {  	v43 =	vxor.u32 v49, v46;
	v46 =	vand.u32 $0x7FFFFFFF, v48;
	v40 =	vand.u32 $0x7FFFFFFF, v40;
	[tilespmem:v35+s13+$0x0] =	vst.idx.add.s32.msk $0xffff, v33  }
0x16c: {  	v37 =	vxor.u32 v42, v37;
	v39 =	vxor.u32 v44, v39;
	v35 =	vxor.u32 v50, v40  }
0x16d: {  	v36 =	vxor.u32 v36, v38;
	v38 =	vxor.u32 v41, v51;
	v40 =	vxor.u32 v47, v46  }
0x16e: {  	v44 =	vshrl.u32 v43, $0x10;
	v41 =	vshrl.u32 v35, $0x10;
	v42 =	vshra.s32 v35, $0x10;
	[tilespmem:v45+s13+$0x0] =	vst.idx.add.s32.msk $0xffff, v33  }
0x16f: {  	v43 =	vshra.s32 v43, $0x10;
	v46 =	vshrl.u32 v37, $0x10;
	v47 =	vshra.s32 v37, $0x10;
	[tilespmem:v34+s13+$0x0] =	vst.idx.add.s32.msk $0xffff, v33  }
0x170: {  	v48 =	vshrl.u32 v39, $0x10;
	v49 =	vshra.s32 v39, $0x10;
	v50 =	vshrl.u32 v36, $0x10  }
.Ltmp3:
0x171: {  	v51 =	vshra.s32 v36, $0x10;
	v37 =	vshrl.u32 v38, $0x10;
	v35 =	vshra.s32 v38, $0x10;
	(pc) =	sbr.rel @p1 .LBB2_8-.Ltmp3, $4  }
0x172: {  	v36 =	vshrl.u32 v40, $0x10;
	v38 =	vand.u32 $0x7F, v41;
	v34 =	vshra.s32 v40, $0x10  }
0x173: {  	v41 =	vand.u32 $0xFFFFFF80, v42;
	v42 =	vand.u32 $0x7F, v44;
	v45 =	vand.u32 $0xFFFFFF80, v43  }
0x174: {  	v39 =	vand.u32 $0x7F, v46;
	v43 =	vand.u32 $0xFFFFFF80, v47;
	v40 =	vand.u32 $0x7F, v48  }
0x175: {  	s26 =	sadd.s32 $0x80, s26;
	v46 =	vand.u32 $0xFFFFFF80, v49;
	v44 =	vand.u32 $0x7F, v50;
	v47 =	vand.u32 $0xFFFFFF80, v51  }
0x176: {  	v38 =	vor.u32 v38, v41  }
0x177: {  	v52 =	vor.u32 v42, v45;
	v38 =	vadd.s32 $0x8000, v38  }
0x178: {  	v37 =	vand.u32 $0x7F, v37;
	v39 =	vor.u32 v39, v43;
	v41 =	vadd.s32 $0x8000, v52  }
0x179: {  	v35 =	vand.u32 $0xFFFFFF80, v35;
	v40 =	vor.u32 v40, v46;
	v39 =	vadd.s32 $0x8000, v39  }
0x17a: {  	v36 =	vand.u32 $0x7F, v36;
	v53 =	vor.u32 v44, v47;
	v40 =	vadd.s32 $0x8000, v40  }
0x17b: {  	v34 =	vand.u32 $0xFFFFFF80, v34;
	v35 =	vor.u32 v37, v35;
	v54 =	vadd.s32 $0x8000, v53  }
0x17c: {  	v34 =	vor.u32 v36, v34;
	v35 =	vadd.s32 $0x8000, v35;
	[tilespmem:v38+s13+$0x0] =	vst.idx.add.s32.msk $0xffff, v33  }
0x17d: {  	v34 =	vadd.s32 $0x8000, v34;
	[tilespmem:v41+s13+$0x0] =	vst.idx.add.s32.msk $0xffff, v33  }
0x17e: {  	[tilespmem:v39+s13+$0x0] =	vst.idx.add.s32.msk $0xffff, v33  }
0x17f: {  	[tilespmem:v40+s13+$0x0] =	vst.idx.add.s32.msk $0xffff, v33  }
0x180: {  	[tilespmem:v54+s13+$0x0] =	vst.idx.add.s32.msk $0xffff, v33  }
0x181: {  	[tilespmem:v35+s13+$0x0] =	vst.idx.add.s32.msk $0xffff, v33  }
0x182: {  	[tilespmem:v34+s13+$0x0] =	vst.idx.add.s32.msk $0xffff, v33  }
0x183: {  	_ =	swait.ge [sflag:s14], $0x4000  }
0x184: {  	[sflag:s14] =	ssyncset.done $0x0  }
0x185: {  	s25 =	simm.s32 $0x4040;
	[sflag:s14] =	ssyncadd.s32 $0xFFFFC000  }
0x186: {  	[tilespmem:s2], [sflag:$0x1] =	stream.linear.gather [hbm4b:s7+s2], $0x4000, $0x38;
	[tilespmem:$0x19200] =	vst v63  }
0x187: {  	v55 =	vld [tilespmem:s25+$0x30]  }
0x188: {  	v56 =	vld [tilespmem:s25+$0xFFFFFFD0]  }
0x189: {  	v36 =	vld [tilespmem:s25+$0xFFFFFFE0]  }
0x18a: {  	v57 =	vld [tilespmem:s25+$0xFFFFFFF0]  }
0x18b: {  	v58 =	vld [tilespmem:s25+$0x0]  }
0x18c: {  	v59 =	vld [tilespmem:s25+$0x10]  }
0x18d: {  	v62 =	vld [tilespmem:s25+$0x20];
	_ =	sdelay $0x1  }
0x18e: {  	v63 =	vld [tilespmem:s25+$0xFFFFFFC0]  }
0x18f: {  	v60 =	vshra.s32 v55, $0x1F;
	v61 =	vshra.s32 v56, $0x1F;
	v49 =	vshra.s32 v36, $0x1F  }
0x190: {  	v50 =	vshra.s32 v57, $0x1F;
	v52 =	vshra.s32 v58, $0x1F;
	v53 =	vshra.s32 v59, $0x1F  }
0x191: {  	v54 =	vshra.s32 v62, $0x1F;
	v40 =	vand.u32 $0x7FFFFFFF, v60;
	v41 =	vand.u32 $0x7FFFFFFF, v61  }
0x192: {  	v44 =	vand.u32 $0x7FFFFFFF, v49;
	v46 =	vand.u32 $0x7FFFFFFF, v52;
	v47 =	vand.u32 $0x7FFFFFFF, v53  }
0x193: {  	v34 =	vxor.u32 v55, v40;
	v40 =	vand.u32 $0x7FFFFFFF, v50;
	v55 =	vshra.s32 v63, $0x1F  }
0x194: {  	v35 =	vxor.u32 v56, v41;
	v56 =	vand.u32 $0x7FFFFFFF, v54;
	v36 =	vxor.u32 v36, v44  }
0x195: {  	v38 =	vxor.u32 v58, v46;
	v39 =	vxor.u32 v59, v47;
	v51 =	vshrl.u32 v34, $0x10  }
0x196: {  	v34 =	vshra.s32 v34, $0x10;
	v37 =	vxor.u32 v57, v40;
	v57 =	vxor.u32 v62, v56  }
0x197: {  	v60 =	vshrl.u32 v35, $0x10;
	v61 =	vshra.s32 v35, $0x10;
	v62 =	vshrl.u32 v36, $0x10  }
0x198: {  	v52 =	vshra.s32 v38, $0x10;
	v35 =	vshra.s32 v39, $0x10;
	v45 =	vand.u32 $0x7F, v51  }
0x199: {  	v34 =	vand.u32 $0xFFFFFF80, v34;
	v49 =	vshrl.u32 v37, $0x10;
	v50 =	vshra.s32 v37, $0x10  }
0x19a: {  	v51 =	vshrl.u32 v38, $0x10;
	v37 =	vshrl.u32 v39, $0x10;
	v34 =	vor.u32 v45, v34  }
0x19b: {  	v42 =	vand.u32 $0x7F, v60;
	v39 =	vand.u32 $0x7F, v62;
	v48 =	vadd.s32 $0x8000, v34  }
0x19c: {  	v47 =	vand.u32 $0xFFFFFF80, v52;
	v45 =	vand.u32 $0xFFFFFF80, v61;
	v40 =	vand.u32 $0x7F, v49  }
0x19d: {  	v46 =	vand.u32 $0xFFFFFF80, v50;
	v44 =	vand.u32 $0x7F, v51;
	v34 =	vand.u32 $0x7FFFFFFF, v55  }
0x19e: {  	v34 =	vxor.u32 v63, v34;
	v63 =	vshra.s32 v36, $0x10;
	v36 =	vshrl.u32 v57, $0x10  }
0x19f: {  	v58 =	vshrl.u32 v34, $0x10;
	v59 =	vshra.s32 v34, $0x10;
	v34 =	vshra.s32 v57, $0x10  }
0x1a0: {  	s26 =	simm.s32 $0x40C0;
	s25 =	simm.s32 $0x0;
	v43 =	vand.u32 $0xFFFFFF80, v63;
	v38 =	vand.u32 $0x7F, v58;
	v41 =	vand.u32 $0xFFFFFF80, v59;
	[tilespmem:v48+s13+$0x0] =	vst.idx.add.s32.msk $0xffff, v33  }
.LBB2_10:
0x1a1: {  	v48 =	vld [tilespmem:s26+$0x30];
	s25 =	sadd.s32 $0x8, s25;
	v37 =	vand.u32 $0x7F, v37;
	v35 =	vand.u32 $0xFFFFFF80, v35;
	v36 =	vand.u32 $0x7F, v36  }
0x1a2: {  	v38 =	vor.u32 v38, v41;
	v41 =	vor.u32 v42, v45;
	v34 =	vand.u32 $0xFFFFFF80, v34;
	v49 =	vld [tilespmem:s26+$0xFFFFFFD0];
	p1 =	slt.u32 s25, $0x3F8  }
0x1a3: {  	v39 =	vor.u32 v39, v43;
	v40 =	vor.u32 v40, v46;
	v43 =	vor.u32 v44, v47;
	v42 =	vld [tilespmem:s26+$0xFFFFFFE0]  }
0x1a4: {  	v38 =	vadd.s32 $0x8000, v38;
	v35 =	vor.u32 v37, v35;
	v34 =	vor.u32 v36, v34;
	v44 =	vld [tilespmem:s26+$0xFFFFFFF0]  }
0x1a5: {  	v37 =	vadd.s32 $0x8000, v41;
	v39 =	vadd.s32 $0x8000, v39;
	v40 =	vadd.s32 $0x8000, v40;
	v36 =	vld [tilespmem:s26+$0x0]  }
0x1a6: {  	v43 =	vadd.s32 $0x8000, v43;
	v35 =	vadd.s32 $0x8000, v35;
	v41 =	vld [tilespmem:s26+$0x10];
	v45 =	vshra.s32 v48, $0x1F  }
0x1a7: {  	v34 =	vadd.s32 $0x8000, v34;
	v46 =	vshra.s32 v49, $0x1F;
	v47 =	vld [tilespmem:s26+$0x20];
	v45 =	vand.u32 $0x7FFFFFFF, v45  }
0x1a8: {  	v50 =	vld [tilespmem:s26+$0xFFFFFFC0];
	v46 =	vand.u32 $0x7FFFFFFF, v46;
	v51 =	vshra.s32 v42, $0x1F;
	v45 =	vxor.u32 v48, v45  }
0x1a9: {  	v48 =	vshra.s32 v44, $0x1F;
	v52 =	vshrl.u32 v45, $0x10;
	v45 =	vshra.s32 v45, $0x10;
	[tilespmem:v38+s13+$0x0] =	vst.idx.add.s32.msk $0xffff, v33  }
0x1aa: {  	v38 =	vshra.s32 v36, $0x1F;
	v52 =	vand.u32 $0x7F, v52;
	v45 =	vand.u32 $0xFFFFFF80, v45;
	[tilespmem:v37+s13+$0x0] =	vst.idx.add.s32.msk $0xffff, v33  }
0x1ab: {  	v37 =	vand.u32 $0x7FFFFFFF, v51;
	v51 =	vshra.s32 v41, $0x1F;
	v45 =	vor.u32 v52, v45;
	[tilespmem:v39+s13+$0x0] =	vst.idx.add.s32.msk $0xffff, v33  }
0x1ac: {  	v39 =	vand.u32 $0x7FFFFFFF, v48;
	v48 =	vshra.s32 v47, $0x1F;
	v45 =	vadd.s32 $0x8000, v45;
	[tilespmem:v40+s13+$0x0] =	vst.idx.add.s32.msk $0xffff, v33  }
0x1ad: {  	v38 =	vand.u32 $0x7FFFFFFF, v38;
	v51 =	vand.u32 $0x7FFFFFFF, v51;
	v40 =	vshra.s32 v50, $0x1F;
	[tilespmem:v43+s13+$0x0] =	vst.idx.add.s32.msk $0xffff, v33  }
0x1ae: {  	v43 =	vxor.u32 v49, v46;
	v46 =	vand.u32 $0x7FFFFFFF, v48;
	v40 =	vand.u32 $0x7FFFFFFF, v40;
	[tilespmem:v35+s13+$0x0] =	vst.idx.add.s32.msk $0xffff, v33  }
0x1af: {  	v37 =	vxor.u32 v42, v37;
	v39 =	vxor.u32 v44, v39;
	v35 =	vxor.u32 v50, v40  }
0x1b0: {  	v36 =	vxor.u32 v36, v38;
	v38 =	vxor.u32 v41, v51;
	v40 =	vxor.u32 v47, v46  }
0x1b1: {  	v44 =	vshrl.u32 v43, $0x10;
	v41 =	vshrl.u32 v35, $0x10;
	v42 =	vshra.s32 v35, $0x10;
	[tilespmem:v45+s13+$0x0] =	vst.idx.add.s32.msk $0xffff, v33  }
0x1b2: {  	v43 =	vshra.s32 v43, $0x10;
	v46 =	vshrl.u32 v37, $0x10;
	v47 =	vshra.s32 v37, $0x10;
	[tilespmem:v34+s13+$0x0] =	vst.idx.add.s32.msk $0xffff, v33  }
0x1b3: {  	v48 =	vshrl.u32 v39, $0x10;
	v49 =	vshra.s32 v39, $0x10;
	v50 =	vshrl.u32 v36, $0x10  }
.Ltmp4:
0x1b4: {  	v51 =	vshra.s32 v36, $0x10;
	v37 =	vshrl.u32 v38, $0x10;
	v35 =	vshra.s32 v38, $0x10;
	(pc) =	sbr.rel @p1 .LBB2_10-.Ltmp4, $4  }
0x1b5: {  	v36 =	vshrl.u32 v40, $0x10;
	v38 =	vand.u32 $0x7F, v41;
	v34 =	vshra.s32 v40, $0x10  }
0x1b6: {  	v41 =	vand.u32 $0xFFFFFF80, v42;
	v42 =	vand.u32 $0x7F, v44;
	v45 =	vand.u32 $0xFFFFFF80, v43  }
0x1b7: {  	v39 =	vand.u32 $0x7F, v46;
	v43 =	vand.u32 $0xFFFFFF80, v47;
	v40 =	vand.u32 $0x7F, v48  }
0x1b8: {  	s26 =	sadd.s32 $0x80, s26;
	v46 =	vand.u32 $0xFFFFFF80, v49;
	v44 =	vand.u32 $0x7F, v50;
	v47 =	vand.u32 $0xFFFFFF80, v51  }
0x1b9: {  	v38 =	vor.u32 v38, v41  }
0x1ba: {  	v52 =	vor.u32 v42, v45;
	v38 =	vadd.s32 $0x8000, v38  }
0x1bb: {  	v37 =	vand.u32 $0x7F, v37;
	v39 =	vor.u32 v39, v43;
	v41 =	vadd.s32 $0x8000, v52  }
0x1bc: {  	v35 =	vand.u32 $0xFFFFFF80, v35;
	v40 =	vor.u32 v40, v46;
	v39 =	vadd.s32 $0x8000, v39  }
0x1bd: {  	v36 =	vand.u32 $0x7F, v36;
	v53 =	vor.u32 v44, v47;
	v40 =	vadd.s32 $0x8000, v40  }
0x1be: {  	v34 =	vand.u32 $0xFFFFFF80, v34;
	v35 =	vor.u32 v37, v35;
	v54 =	vadd.s32 $0x8000, v53  }
0x1bf: {  	v34 =	vor.u32 v36, v34;
	v35 =	vadd.s32 $0x8000, v35;
	[tilespmem:v38+s13+$0x0] =	vst.idx.add.s32.msk $0xffff, v33  }
0x1c0: {  	v34 =	vadd.s32 $0x8000, v34;
	[tilespmem:v41+s13+$0x0] =	vst.idx.add.s32.msk $0xffff, v33  }
0x1c1: {  	[tilespmem:v39+s13+$0x0] =	vst.idx.add.s32.msk $0xffff, v33  }
0x1c2: {  	[tilespmem:v40+s13+$0x0] =	vst.idx.add.s32.msk $0xffff, v33  }
0x1c3: {  	[tilespmem:v54+s13+$0x0] =	vst.idx.add.s32.msk $0xffff, v33  }
0x1c4: {  	[tilespmem:v35+s13+$0x0] =	vst.idx.add.s32.msk $0xffff, v33  }
0x1c5: {  	[tilespmem:v34+s13+$0x0] =	vst.idx.add.s32.msk $0xffff, v33  }
0x1c6: {  	_ =	swait.ge [sflag:s11], $0x4000  }
0x1c7: {  	[sflag:s11] =	ssyncset.done $0x0  }
0x1c8: {  	s25 =	simm.s32 $0x40;
	[sflag:s11] =	ssyncadd.s32 $0xFFFFC000  }
0x1c9: {  	[tilespmem:s12], [sflag:$0x2] =	stream.linear.gather [hbm4b:s8+s2], $0x4000, $0x38;
	[tilespmem:$0x19200] =	vst v63  }
0x1ca: {  	v55 =	vld [tilespmem:s25+$0x30]  }
0x1cb: {  	v56 =	vld [tilespmem:s25+$0xFFFFFFD0]  }
0x1cc: {  	v36 =	vld [tilespmem:s25+$0xFFFFFFE0]  }
0x1cd: {  	v57 =	vld [tilespmem:s25+$0xFFFFFFF0]  }
0x1ce: {  	v58 =	vld [tilespmem:s25+$0x0]  }
0x1cf: {  	v59 =	vld [tilespmem:s25+$0x10]  }
0x1d0: {  	v62 =	vld [tilespmem:s25+$0x20];
	_ =	sdelay $0x1  }
0x1d1: {  	v63 =	vld [tilespmem:s25+$0xFFFFFFC0]  }
0x1d2: {  	v60 =	vshra.s32 v55, $0x1F;
	v61 =	vshra.s32 v56, $0x1F;
	v49 =	vshra.s32 v36, $0x1F  }
0x1d3: {  	v50 =	vshra.s32 v57, $0x1F;
	v52 =	vshra.s32 v58, $0x1F;
	v53 =	vshra.s32 v59, $0x1F  }
0x1d4: {  	v54 =	vshra.s32 v62, $0x1F;
	v40 =	vand.u32 $0x7FFFFFFF, v60;
	v41 =	vand.u32 $0x7FFFFFFF, v61  }
0x1d5: {  	v44 =	vand.u32 $0x7FFFFFFF, v49;
	v46 =	vand.u32 $0x7FFFFFFF, v52;
	v47 =	vand.u32 $0x7FFFFFFF, v53  }
0x1d6: {  	v34 =	vxor.u32 v55, v40;
	v40 =	vand.u32 $0x7FFFFFFF, v50;
	v55 =	vshra.s32 v63, $0x1F  }
0x1d7: {  	v35 =	vxor.u32 v56, v41;
	v56 =	vand.u32 $0x7FFFFFFF, v54;
	v36 =	vxor.u32 v36, v44  }
0x1d8: {  	v38 =	vxor.u32 v58, v46;
	v39 =	vxor.u32 v59, v47;
	v51 =	vshrl.u32 v34, $0x10  }
0x1d9: {  	v34 =	vshra.s32 v34, $0x10;
	v37 =	vxor.u32 v57, v40;
	v57 =	vxor.u32 v62, v56  }
0x1da: {  	v60 =	vshrl.u32 v35, $0x10;
	v61 =	vshra.s32 v35, $0x10;
	v62 =	vshrl.u32 v36, $0x10  }
0x1db: {  	v52 =	vshra.s32 v38, $0x10;
	v35 =	vshra.s32 v39, $0x10;
	v45 =	vand.u32 $0x7F, v51  }
0x1dc: {  	v34 =	vand.u32 $0xFFFFFF80, v34;
	v49 =	vshrl.u32 v37, $0x10;
	v50 =	vshra.s32 v37, $0x10  }
0x1dd: {  	v51 =	vshrl.u32 v38, $0x10;
	v37 =	vshrl.u32 v39, $0x10;
	v34 =	vor.u32 v45, v34  }
0x1de: {  	v42 =	vand.u32 $0x7F, v60;
	v39 =	vand.u32 $0x7F, v62;
	v48 =	vadd.s32 $0x8000, v34  }
0x1df: {  	v47 =	vand.u32 $0xFFFFFF80, v52;
	v45 =	vand.u32 $0xFFFFFF80, v61;
	v40 =	vand.u32 $0x7F, v49  }
0x1e0: {  	v46 =	vand.u32 $0xFFFFFF80, v50;
	v44 =	vand.u32 $0x7F, v51;
	v34 =	vand.u32 $0x7FFFFFFF, v55  }
0x1e1: {  	v34 =	vxor.u32 v63, v34;
	v63 =	vshra.s32 v36, $0x10;
	v36 =	vshrl.u32 v57, $0x10  }
0x1e2: {  	v58 =	vshrl.u32 v34, $0x10;
	v59 =	vshra.s32 v34, $0x10;
	v34 =	vshra.s32 v57, $0x10  }
0x1e3: {  	s26 =	simm.s32 $0xC0;
	s25 =	simm.s32 $0x0;
	v43 =	vand.u32 $0xFFFFFF80, v63;
	v38 =	vand.u32 $0x7F, v58;
	v41 =	vand.u32 $0xFFFFFF80, v59;
	[tilespmem:v48+s13+$0x0] =	vst.idx.add.s32.msk $0xffff, v33  }
.LBB2_12:
0x1e4: {  	v48 =	vld [tilespmem:s26+$0x30];
	s25 =	sadd.s32 $0x8, s25;
	v37 =	vand.u32 $0x7F, v37;
	v35 =	vand.u32 $0xFFFFFF80, v35;
	v36 =	vand.u32 $0x7F, v36  }
0x1e5: {  	v38 =	vor.u32 v38, v41;
	v41 =	vor.u32 v42, v45;
	v34 =	vand.u32 $0xFFFFFF80, v34;
	v49 =	vld [tilespmem:s26+$0xFFFFFFD0];
	p1 =	slt.u32 s25, $0x3F8  }
0x1e6: {  	v39 =	vor.u32 v39, v43;
	v40 =	vor.u32 v40, v46;
	v43 =	vor.u32 v44, v47;
	v42 =	vld [tilespmem:s26+$0xFFFFFFE0]  }
0x1e7: {  	v38 =	vadd.s32 $0x8000, v38;
	v35 =	vor.u32 v37, v35;
	v34 =	vor.u32 v36, v34;
	v44 =	vld [tilespmem:s26+$0xFFFFFFF0]  }
0x1e8: {  	v37 =	vadd.s32 $0x8000, v41;
	v39 =	vadd.s32 $0x8000, v39;
	v40 =	vadd.s32 $0x8000, v40;
	v36 =	vld [tilespmem:s26+$0x0]  }
0x1e9: {  	v43 =	vadd.s32 $0x8000, v43;
	v35 =	vadd.s32 $0x8000, v35;
	v41 =	vld [tilespmem:s26+$0x10];
	v45 =	vshra.s32 v48, $0x1F  }
0x1ea: {  	v34 =	vadd.s32 $0x8000, v34;
	v46 =	vshra.s32 v49, $0x1F;
	v47 =	vld [tilespmem:s26+$0x20];
	v45 =	vand.u32 $0x7FFFFFFF, v45  }
0x1eb: {  	v50 =	vld [tilespmem:s26+$0xFFFFFFC0];
	v46 =	vand.u32 $0x7FFFFFFF, v46;
	v51 =	vshra.s32 v42, $0x1F;
	v45 =	vxor.u32 v48, v45  }
0x1ec: {  	v48 =	vshra.s32 v44, $0x1F;
	v52 =	vshrl.u32 v45, $0x10;
	v45 =	vshra.s32 v45, $0x10;
	[tilespmem:v38+s13+$0x0] =	vst.idx.add.s32.msk $0xffff, v33  }
0x1ed: {  	v38 =	vshra.s32 v36, $0x1F;
	v52 =	vand.u32 $0x7F, v52;
	v45 =	vand.u32 $0xFFFFFF80, v45;
	[tilespmem:v37+s13+$0x0] =	vst.idx.add.s32.msk $0xffff, v33  }
0x1ee: {  	v37 =	vand.u32 $0x7FFFFFFF, v51;
	v51 =	vshra.s32 v41, $0x1F;
	v45 =	vor.u32 v52, v45;
	[tilespmem:v39+s13+$0x0] =	vst.idx.add.s32.msk $0xffff, v33  }
0x1ef: {  	v39 =	vand.u32 $0x7FFFFFFF, v48;
	v48 =	vshra.s32 v47, $0x1F;
	v45 =	vadd.s32 $0x8000, v45;
	[tilespmem:v40+s13+$0x0] =	vst.idx.add.s32.msk $0xffff, v33  }
0x1f0: {  	v38 =	vand.u32 $0x7FFFFFFF, v38;
	v51 =	vand.u32 $0x7FFFFFFF, v51;
	v40 =	vshra.s32 v50, $0x1F;
	[tilespmem:v43+s13+$0x0] =	vst.idx.add.s32.msk $0xffff, v33  }
0x1f1: {  	v43 =	vxor.u32 v49, v46;
	v46 =	vand.u32 $0x7FFFFFFF, v48;
	v40 =	vand.u32 $0x7FFFFFFF, v40;
	[tilespmem:v35+s13+$0x0] =	vst.idx.add.s32.msk $0xffff, v33  }
0x1f2: {  	v37 =	vxor.u32 v42, v37;
	v39 =	vxor.u32 v44, v39;
	v35 =	vxor.u32 v50, v40  }
0x1f3: {  	v36 =	vxor.u32 v36, v38;
	v38 =	vxor.u32 v41, v51;
	v40 =	vxor.u32 v47, v46  }
0x1f4: {  	v44 =	vshrl.u32 v43, $0x10;
	v41 =	vshrl.u32 v35, $0x10;
	v42 =	vshra.s32 v35, $0x10;
	[tilespmem:v45+s13+$0x0] =	vst.idx.add.s32.msk $0xffff, v33  }
0x1f5: {  	v43 =	vshra.s32 v43, $0x10;
	v46 =	vshrl.u32 v37, $0x10;
	v47 =	vshra.s32 v37, $0x10;
	[tilespmem:v34+s13+$0x0] =	vst.idx.add.s32.msk $0xffff, v33  }
0x1f6: {  	v48 =	vshrl.u32 v39, $0x10;
	v49 =	vshra.s32 v39, $0x10;
	v50 =	vshrl.u32 v36, $0x10  }
.Ltmp5:
0x1f7: {  	v51 =	vshra.s32 v36, $0x10;
	v37 =	vshrl.u32 v38, $0x10;
	v35 =	vshra.s32 v38, $0x10;
	(pc) =	sbr.rel @p1 .LBB2_12-.Ltmp5, $4  }
0x1f8: {  	v36 =	vshrl.u32 v40, $0x10;
	v38 =	vand.u32 $0x7F, v41;
	v34 =	vshra.s32 v40, $0x10  }
0x1f9: {  	v41 =	vand.u32 $0xFFFFFF80, v42;
	v42 =	vand.u32 $0x7F, v44;
	v45 =	vand.u32 $0xFFFFFF80, v43  }
0x1fa: {  	v39 =	vand.u32 $0x7F, v46;
	v43 =	vand.u32 $0xFFFFFF80, v47;
	v40 =	vand.u32 $0x7F, v48  }
0x1fb: {  	s26 =	sadd.s32 $0x80, s26;
	v46 =	vand.u32 $0xFFFFFF80, v49;
	v44 =	vand.u32 $0x7F, v50;
	v47 =	vand.u32 $0xFFFFFF80, v51  }
0x1fc: {  	v38 =	vor.u32 v38, v41  }
0x1fd: {  	v52 =	vor.u32 v42, v45;
	v38 =	vadd.s32 $0x8000, v38  }
0x1fe: {  	v37 =	vand.u32 $0x7F, v37;
	v39 =	vor.u32 v39, v43;
	v41 =	vadd.s32 $0x8000, v52  }
0x1ff: {  	v35 =	vand.u32 $0xFFFFFF80, v35;
	v40 =	vor.u32 v40, v46;
	v39 =	vadd.s32 $0x8000, v39  }
0x200: {  	v36 =	vand.u32 $0x7F, v36;
	v53 =	vor.u32 v44, v47;
	v40 =	vadd.s32 $0x8000, v40  }
0x201: {  	v34 =	vand.u32 $0xFFFFFF80, v34;
	v35 =	vor.u32 v37, v35;
	v54 =	vadd.s32 $0x8000, v53  }
0x202: {  	v34 =	vor.u32 v36, v34;
	v35 =	vadd.s32 $0x8000, v35;
	[tilespmem:v38+s13+$0x0] =	vst.idx.add.s32.msk $0xffff, v33  }
0x203: {  	v34 =	vadd.s32 $0x8000, v34;
	[tilespmem:v41+s13+$0x0] =	vst.idx.add.s32.msk $0xffff, v33  }
0x204: {  	[tilespmem:v39+s13+$0x0] =	vst.idx.add.s32.msk $0xffff, v33  }
0x205: {  	[tilespmem:v40+s13+$0x0] =	vst.idx.add.s32.msk $0xffff, v33  }
0x206: {  	[tilespmem:v54+s13+$0x0] =	vst.idx.add.s32.msk $0xffff, v33  }
0x207: {  	[tilespmem:v35+s13+$0x0] =	vst.idx.add.s32.msk $0xffff, v33  }
0x208: {  	[tilespmem:v34+s13+$0x0] =	vst.idx.add.s32.msk $0xffff, v33  }
0x209: {  	_ =	swait.ge [sflag:s14], $0x4000  }
0x20a: {  	[sflag:s14] =	ssyncset.done $0x0  }
0x20b: {  	s25 =	simm.s32 $0x4040;
	[sflag:s14] =	ssyncadd.s32 $0xFFFFC000  }
0x20c: {  	v55 =	vld [tilespmem:s25+$0x30]  }
0x20d: {  	v56 =	vld [tilespmem:s25+$0xFFFFFFD0]  }
0x20e: {  	v36 =	vld [tilespmem:s25+$0xFFFFFFE0]  }
0x20f: {  	v57 =	vld [tilespmem:s25+$0xFFFFFFF0]  }
0x210: {  	v58 =	vld [tilespmem:s25+$0x0]  }
0x211: {  	v59 =	vld [tilespmem:s25+$0x10]  }
0x212: {  	v62 =	vld [tilespmem:s25+$0x20];
	_ =	sdelay $0x1  }
0x213: {  	v63 =	vld [tilespmem:s25+$0xFFFFFFC0]  }
0x214: {  	v60 =	vshra.s32 v55, $0x1F;
	v61 =	vshra.s32 v56, $0x1F;
	v49 =	vshra.s32 v36, $0x1F  }
0x215: {  	v50 =	vshra.s32 v57, $0x1F;
	v52 =	vshra.s32 v58, $0x1F;
	v53 =	vshra.s32 v59, $0x1F  }
0x216: {  	v54 =	vshra.s32 v62, $0x1F;
	v40 =	vand.u32 $0x7FFFFFFF, v60;
	v41 =	vand.u32 $0x7FFFFFFF, v61  }
0x217: {  	v44 =	vand.u32 $0x7FFFFFFF, v49;
	v46 =	vand.u32 $0x7FFFFFFF, v52;
	v47 =	vand.u32 $0x7FFFFFFF, v53  }
0x218: {  	v34 =	vxor.u32 v55, v40;
	v40 =	vand.u32 $0x7FFFFFFF, v50;
	v55 =	vshra.s32 v63, $0x1F  }
0x219: {  	v35 =	vxor.u32 v56, v41;
	v56 =	vand.u32 $0x7FFFFFFF, v54;
	v36 =	vxor.u32 v36, v44  }
0x21a: {  	v38 =	vxor.u32 v58, v46;
	v39 =	vxor.u32 v59, v47;
	v51 =	vshrl.u32 v34, $0x10  }
0x21b: {  	v34 =	vshra.s32 v34, $0x10;
	v37 =	vxor.u32 v57, v40;
	v57 =	vxor.u32 v62, v56  }
0x21c: {  	v60 =	vshrl.u32 v35, $0x10;
	v61 =	vshra.s32 v35, $0x10;
	v62 =	vshrl.u32 v36, $0x10  }
0x21d: {  	v52 =	vshra.s32 v38, $0x10;
	v35 =	vshra.s32 v39, $0x10;
	v45 =	vand.u32 $0x7F, v51  }
0x21e: {  	v34 =	vand.u32 $0xFFFFFF80, v34;
	v49 =	vshrl.u32 v37, $0x10;
	v50 =	vshra.s32 v37, $0x10  }
0x21f: {  	v51 =	vshrl.u32 v38, $0x10;
	v37 =	vshrl.u32 v39, $0x10;
	v34 =	vor.u32 v45, v34  }
0x220: {  	v42 =	vand.u32 $0x7F, v60;
	v39 =	vand.u32 $0x7F, v62;
	v48 =	vadd.s32 $0x8000, v34  }
0x221: {  	v47 =	vand.u32 $0xFFFFFF80, v52;
	v45 =	vand.u32 $0xFFFFFF80, v61;
	v40 =	vand.u32 $0x7F, v49  }
0x222: {  	v46 =	vand.u32 $0xFFFFFF80, v50;
	v44 =	vand.u32 $0x7F, v51;
	v34 =	vand.u32 $0x7FFFFFFF, v55  }
0x223: {  	v34 =	vxor.u32 v63, v34;
	v63 =	vshra.s32 v36, $0x10;
	v36 =	vshrl.u32 v57, $0x10  }
0x224: {  	v58 =	vshrl.u32 v34, $0x10;
	v59 =	vshra.s32 v34, $0x10;
	v34 =	vshra.s32 v57, $0x10  }
0x225: {  	s26 =	simm.s32 $0x40C0;
	s25 =	simm.s32 $0x0;
	v43 =	vand.u32 $0xFFFFFF80, v63;
	v38 =	vand.u32 $0x7F, v58;
	v41 =	vand.u32 $0xFFFFFF80, v59;
	[tilespmem:v48+s13+$0x0] =	vst.idx.add.s32.msk $0xffff, v33  }
.LBB2_14:
0x226: {  	v48 =	vld [tilespmem:s26+$0x30];
	s25 =	sadd.s32 $0x8, s25;
	v37 =	vand.u32 $0x7F, v37;
	v35 =	vand.u32 $0xFFFFFF80, v35;
	v36 =	vand.u32 $0x7F, v36  }
0x227: {  	v38 =	vor.u32 v38, v41;
	v41 =	vor.u32 v42, v45;
	v34 =	vand.u32 $0xFFFFFF80, v34;
	v49 =	vld [tilespmem:s26+$0xFFFFFFD0];
	p1 =	slt.u32 s25, $0x3F8  }
0x228: {  	v39 =	vor.u32 v39, v43;
	v40 =	vor.u32 v40, v46;
	v43 =	vor.u32 v44, v47;
	v42 =	vld [tilespmem:s26+$0xFFFFFFE0]  }
0x229: {  	v38 =	vadd.s32 $0x8000, v38;
	v35 =	vor.u32 v37, v35;
	v34 =	vor.u32 v36, v34;
	v44 =	vld [tilespmem:s26+$0xFFFFFFF0]  }
0x22a: {  	v37 =	vadd.s32 $0x8000, v41;
	v39 =	vadd.s32 $0x8000, v39;
	v40 =	vadd.s32 $0x8000, v40;
	v36 =	vld [tilespmem:s26+$0x0]  }
0x22b: {  	v43 =	vadd.s32 $0x8000, v43;
	v35 =	vadd.s32 $0x8000, v35;
	v41 =	vld [tilespmem:s26+$0x10];
	v45 =	vshra.s32 v48, $0x1F  }
0x22c: {  	v34 =	vadd.s32 $0x8000, v34;
	v46 =	vshra.s32 v49, $0x1F;
	v47 =	vld [tilespmem:s26+$0x20];
	v45 =	vand.u32 $0x7FFFFFFF, v45  }
0x22d: {  	v50 =	vld [tilespmem:s26+$0xFFFFFFC0];
	v46 =	vand.u32 $0x7FFFFFFF, v46;
	v51 =	vshra.s32 v42, $0x1F;
	v45 =	vxor.u32 v48, v45  }
0x22e: {  	v48 =	vshra.s32 v44, $0x1F;
	v52 =	vshrl.u32 v45, $0x10;
	v45 =	vshra.s32 v45, $0x10;
	[tilespmem:v38+s13+$0x0] =	vst.idx.add.s32.msk $0xffff, v33  }
0x22f: {  	v38 =	vshra.s32 v36, $0x1F;
	v52 =	vand.u32 $0x7F, v52;
	v45 =	vand.u32 $0xFFFFFF80, v45;
	[tilespmem:v37+s13+$0x0] =	vst.idx.add.s32.msk $0xffff, v33  }
0x230: {  	v37 =	vand.u32 $0x7FFFFFFF, v51;
	v51 =	vshra.s32 v41, $0x1F;
	v45 =	vor.u32 v52, v45;
	[tilespmem:v39+s13+$0x0] =	vst.idx.add.s32.msk $0xffff, v33  }
0x231: {  	v39 =	vand.u32 $0x7FFFFFFF, v48;
	v48 =	vshra.s32 v47, $0x1F;
	v45 =	vadd.s32 $0x8000, v45;
	[tilespmem:v40+s13+$0x0] =	vst.idx.add.s32.msk $0xffff, v33  }
0x232: {  	v38 =	vand.u32 $0x7FFFFFFF, v38;
	v51 =	vand.u32 $0x7FFFFFFF, v51;
	v40 =	vshra.s32 v50, $0x1F;
	[tilespmem:v43+s13+$0x0] =	vst.idx.add.s32.msk $0xffff, v33  }
0x233: {  	v43 =	vxor.u32 v49, v46;
	v46 =	vand.u32 $0x7FFFFFFF, v48;
	v40 =	vand.u32 $0x7FFFFFFF, v40;
	[tilespmem:v35+s13+$0x0] =	vst.idx.add.s32.msk $0xffff, v33  }
0x234: {  	v37 =	vxor.u32 v42, v37;
	v39 =	vxor.u32 v44, v39;
	v35 =	vxor.u32 v50, v40  }
0x235: {  	v36 =	vxor.u32 v36, v38;
	v38 =	vxor.u32 v41, v51;
	v40 =	vxor.u32 v47, v46  }
0x236: {  	v44 =	vshrl.u32 v43, $0x10;
	v41 =	vshrl.u32 v35, $0x10;
	v42 =	vshra.s32 v35, $0x10;
	[tilespmem:v45+s13+$0x0] =	vst.idx.add.s32.msk $0xffff, v33  }
0x237: {  	v43 =	vshra.s32 v43, $0x10;
	v46 =	vshrl.u32 v37, $0x10;
	v47 =	vshra.s32 v37, $0x10;
	[tilespmem:v34+s13+$0x0] =	vst.idx.add.s32.msk $0xffff, v33  }
0x238: {  	v48 =	vshrl.u32 v39, $0x10;
	v49 =	vshra.s32 v39, $0x10;
	v50 =	vshrl.u32 v36, $0x10  }
.Ltmp6:
0x239: {  	v51 =	vshra.s32 v36, $0x10;
	v37 =	vshrl.u32 v38, $0x10;
	v35 =	vshra.s32 v38, $0x10;
	(pc) =	sbr.rel @p1 .LBB2_14-.Ltmp6, $4  }
0x23a: {  	v36 =	vshrl.u32 v40, $0x10;
	v38 =	vand.u32 $0x7F, v41;
	v34 =	vshra.s32 v40, $0x10  }
0x23b: {  	v41 =	vand.u32 $0xFFFFFF80, v42;
	v42 =	vand.u32 $0x7F, v44;
	v45 =	vand.u32 $0xFFFFFF80, v43  }
0x23c: {  	v39 =	vand.u32 $0x7F, v46;
	v43 =	vand.u32 $0xFFFFFF80, v47;
	v40 =	vand.u32 $0x7F, v48  }
0x23d: {  	s26 =	sadd.s32 $0x80, s26;
	v46 =	vand.u32 $0xFFFFFF80, v49;
	v44 =	vand.u32 $0x7F, v50;
	v47 =	vand.u32 $0xFFFFFF80, v51  }
0x23e: {  	v38 =	vor.u32 v38, v41  }
0x23f: {  	v61 =	vor.u32 v42, v45;
	v38 =	vadd.s32 $0x8000, v38  }
0x240: {  	v37 =	vand.u32 $0x7F, v37;
	v39 =	vor.u32 v39, v43;
	v41 =	vadd.s32 $0x8000, v61  }
0x241: {  	v35 =	vand.u32 $0xFFFFFF80, v35;
	v40 =	vor.u32 v40, v46;
	v39 =	vadd.s32 $0x8000, v39  }
0x242: {  	v36 =	vand.u32 $0x7F, v36;
	v62 =	vor.u32 v44, v47;
	v40 =	vadd.s32 $0x8000, v40  }
0x243: {  	v34 =	vand.u32 $0xFFFFFF80, v34;
	v35 =	vor.u32 v37, v35;
	v63 =	vadd.s32 $0x8000, v62  }
0x244: {  	v34 =	vor.u32 v36, v34;
	v35 =	vadd.s32 $0x8000, v35;
	[tilespmem:v38+s13+$0x0] =	vst.idx.add.s32.msk $0xffff, v33  }
0x245: {  	v34 =	vadd.s32 $0x8000, v34;
	[tilespmem:v41+s13+$0x0] =	vst.idx.add.s32.msk $0xffff, v33  }
0x246: {  	[tilespmem:v39+s13+$0x0] =	vst.idx.add.s32.msk $0xffff, v33  }
0x247: {  	[tilespmem:v40+s13+$0x0] =	vst.idx.add.s32.msk $0xffff, v33  }
0x248: {  	[tilespmem:v63+s13+$0x0] =	vst.idx.add.s32.msk $0xffff, v33  }
0x249: {  	[tilespmem:v35+s13+$0x0] =	vst.idx.add.s32.msk $0xffff, v33  }
0x24a: {  	[tilespmem:v34+s13+$0x0] =	vst.idx.add.s32.msk $0xffff, v33  }
0x24b: {  	[bflag:$0x0] =	sbarrier.arrive $0xFFFF  }
0x24c: {  	[spmem:s1] =	stream.indirect.scatter.add.s32 [tilespmem:s13], [sflag:$0x3], $0x80, s16, s15, $0xb8;
	[tilespmem:$0x19200] =	vst v63  }
0x24d: {  	_ =	swait.ge [sflag:s17], $0x4000  }
0x24e: {  	[sflag:s17] =	ssyncset.done $0x0  }
0x24f: {  	[sflag:s17] =	ssyncadd.s32 $0xFFFFC000  }
0x250: {  	[spmem:s1] =	stream.indirect.scatter.add.s32 [tilespmem:s19], [sflag:$0x3], $0x80, s18, s15, $0xb8;
	[tilespmem:$0x19200] =	vst v63  }
0x251: {  	_ =	swait.ge [sflag:s17], $0x4000  }
0x252: {  	[sflag:s17] =	ssyncset.done $0x0  }
0x253: {  	[sflag:s17] =	ssyncadd.s32 $0xFFFFC000  }
0x254: {  	[spmem:s1] =	stream.indirect.scatter.add.s32 [tilespmem:s21], [sflag:$0x3], $0x80, s20, s15, $0xb8;
	[tilespmem:$0x19200] =	vst v63  }
0x255: {  	_ =	swait.ge [sflag:s17], $0x4000  }
0x256: {  	[sflag:s17] =	ssyncset.done $0x0  }
0x257: {  	[sflag:s17] =	ssyncadd.s32 $0xFFFFC000  }
0x258: {  	[spmem:s1] =	stream.indirect.scatter.add.s32 [tilespmem:s23], [sflag:$0x3], $0x80, s22, s15, $0xb8;
	[tilespmem:$0x19200] =	vst v63  }
0x259: {  	_ =	swait.ge [sflag:s17], $0x4000  }
0x25a: {  	[sflag:s17] =	ssyncset.done $0x0  }
0x25b: {  	s25 =	sshrl.u32 @!p0 s1, $0x3;
	s24 =	sadd.s32 $0x1, s24;
	[sflag:s17] =	ssyncadd.s32 $0xFFFFC000  }
0x25c: {  	s26 =	simm.s32 @!p0 $0x1C03;
	p1 =	sne.s32 s24, s10;
	[bflag:$0x0] =	sbarrier.arrive $0xFFFF  }
0x25d: {  	[hbm:s9], [sflag:s26] =	dma.local @!p0 [spmem:s25], $0x2000  }
.Ltmp7:
0x25e: {  	_ = 	snop;
	(pc) =	sbr.rel @p1 .LBB2_1-.Ltmp7, $4  }
0x25f: {  	s25 =	simm.s32 @!p0 $0x3  }
0x260: {  	_ =	swait.ge @!p0 [sflag:s25], $0x2000  }
0x261: {  	[sflag:s25] =	ssyncset.done @!p0 $0x0  }
0x262: {  	[sflag:s25] =	ssyncadd.s32 @!p0 $0xFFFFE000  }
0x263: {  	_ =	sfence.sel $0x180000  }
0x264: {  	[bflag:$0x0] =	sbarrier.arrive $0xFFFF  }
0x265: {  	_ =	strace $0x90000047  }
0x266: {  	s0 =	sadd.s32 @!p0 $0x100000, s0;
	[bflag:$0x2] =	sbarrier.arrive $0xFFFF  }
0x267: {  	[sflag:s0] =	ssyncadd.tile.s32 @!p0 $0x1;
	_ =	shalt  }
.Lfunc_end2:
_tile_overlayer_lowered:
.L_overlay_start_2:
0x268: {  	(tag) =	ssettag $0x2  }
0x269: {  	s0 =	rddreg [dreg:$0x0];
	s2 =	stileid.u32  }
0x26a: {  	s1 =	rddreg [dreg:$0x1];
	p0 =	sne.s32 s2, $0x0  }
0x26b: {  	s3 =	rddreg [dreg:$0x2];
	[bflag:$0x3] =	sbarrier.arrive $0xFFFF;
	s2 =	simm.s32 @!p0 $0x1C03  }
0x26c: {  	[timem:s3], [sflag:s2] =	dma.local @!p0 [hbm:s0], s1  }
0x26d: {  	s0 =	simm.s32 @!p0 $0x3  }
0x26e: {  	_ =	swait.ge @!p0 [sflag:s0], s1  }
0x26f: {  	s1 =	ssub.s32 @!p0 $0x0, s1;
	[sflag:s0] =	ssyncset.done @!p0 $0x0  }
0x270: {  	[sflag:s0] =	ssyncadd.s32 @!p0 s1  }
0x271: {  	[bflag:$0x3] =	sbarrier.arrive $0xFFFF  }
0x272: {  	_ =	shalt  }

// kernel: kernel.9.cloned.1.call-start
scs
__scs_entry_jumppad:
0x0: {  	(pc) =	sbr.rel $0x88, $3  }
0x1: {  	(tag) =	ssettag $0x0;
	lr =	simm.s32 $0x1  }
0x2: {  	[smem:$0x3F9E] =	sst lr;
	_ =	strace $0xD0000000  }
0x3: {  	_ = 	snop  }
0x4: {  	_ = 	snop  }
0x5: {  	_ = 	snop  }
0x6: {  	_ = 	snop  }
0x7: {  	_ = 	snop  }
__scs_overlays_trampoline_lowered:
0x8: {  	[smem:$0x3FAD] =	sst s0  }
0x9: {  	[smem:$0x3FAE] =	sst s1  }
0xa: {  	[smem:$0x3FAF] =	sst s2  }
0xb: {  	[smem:$0x3FB0] =	sst s3  }
0xc: {  	[smem:$0x3FB1] =	sst s4  }
0xd: {  	[smem:$0x3FB2] =	sst s5  }
0xe: {  	[smem:$0x3FB3] =	sst s6  }
0xf: {  	[smem:$0x3FB4] =	sst s7  }
0x10: {  	[smem:$0x3FB5] =	sst s8  }
0x11: {  	[smem:$0x3FB6] =	sst s9;
	s0 =	simm.s32 @!p0 $0x0  }
0x12: {  	s1 =	sld [smem:$0x3F9C];
	s0 =	simm.s32 @p0 $0x1  }
0x13: {  	[smem:$0x3FB7] =	sst s0;
	s0 =	simm.s32 @!p1 $0x0  }
0x14: {  	s2 =	sld [smem:$0x3F9B];
	s0 =	simm.s32 @p1 $0x1  }
0x15: {  	[smem:$0x3FB8] =	sst s0;
	s0 =	simm.s32 @!p2 $0x0  }
0x16: {  	s3 =	sld [smem:$0x3FDB];
	s0 =	simm.s32 @p2 $0x1  }
0x17: {  	s4 =	simm.s32 $0x1BF5;
	[smem:$0x3FBA] =	sst s0  }
0x18: {  	s0 =	sld [smem:$0x3F9D];
	_ =	swait.ge [sflag:s4], $0x0  }
0x19: {  	s7 =	sld [smem:$0x3F9E]  }
0x1a: {  	s8 =	sadd.s32 $0xFFFFE003, lr  }
0x1b: {  	s9 =	sadd.s32 $0xFFFFFEF7, lr;
	s5 =	simm.s32 $0xFFFFFFFF;
	p2 =	slt.u32 s8, $0xFFFFF086  }
0x1c: {  	p1 =	slt.u32 s9, $0xF7A;
	s5 =	simm.s32 @!p2 $0x0  }
0x1d: {  	s5 =	simm.s32 @p1 $0x1;
	p0 =	seq.s32 s7, s2  }
0x1e: {  	s7 =	smul.u32 @!p0 $0xF7A, s2;
	p2 =	seq.s32 @!p0 s5, $0x0  }
0x1f: {  	s9 =	smul.u32 $0xF7A, s1;
	s8 =	simm.s32 @!p0 $0x1BF5;
	p2 =	por !p2, p0  }
0x20: {  	[sflag:s8] =	ssyncset.s32 @!p0 $0xFFFFF086;
	s6 =	sadd.s32 @!p0 s3, s7;
	s7 =	simm.s32 @!p0 $0x108  }
0x21: {  	s3 =	sadd.s32 s3, s9;
	s6 =	sadd.s32 @!p0 $0x88, s6;
	s7 =	simm.s32 @p2 $0x1082  }
0x22: {  	[simem:s7], [sflag:s8] =	dma.local @!p0 [hbm:s6], $0xF7A  }
0x23: {  	s9 =	sor.u32 $0xD0000000, s2;
	s6 =	simm.s32 $0x108;
	_ =	swait.ge @!p0 [sflag:s8], $0x0  }
0x24: {  	s3 =	sadd.s32 $0x88, s3;
	s6 =	simm.s32 @!p1 $0x1082;
	[sflag:s4] =	ssyncset.s32 $0xFFFFF086  }
0x25: {  	[simem:s6], [sflag:s4] =	dma.local [hbm:s3], $0xF7A  }
0x26: {  	[smem:$0x3F9E] =	sst s1;
	(tag) =	ssettag s2;
	_ =	strace s9  }
0x27: {  	s1 =	sld [smem:$0x3FAE]  }
0x28: {  	s2 =	sld [smem:$0x3FAF]  }
0x29: {  	s4 =	sld [smem:$0x3FB1]  }
0x2a: {  	p0 =	seq.s32 s5, $0x0;
	s5 =	sld [smem:$0x3FB2]  }
0x2b: {  	s6 =	sld [smem:$0x3FB3]  }
0x2c: {  	s7 =	sld [smem:$0x3FB4]  }
0x2d: {  	s3 =	simm.s32 $0x108;
	s8 =	sld [smem:$0x3FB5]  }
0x2e: {  	s3 =	simm.s32 @!p0 $0x1082;
	s9 =	sld [smem:$0x3FB6]  }
0x2f: {  	lr =	sadd.s32 s0, s3;
	s0 =	sld [smem:$0x3FAD]  }
0x30: {  	s3 =	sld [smem:$0x3FB0]  }
0x31: {  	[smem:$0x3FB9] =	sst s10  }
0x32: {  	s10 =	sld [smem:$0x3FB7];
	_ =	sdelay $0x3  }
0x33: {  	p0 =	seq.s32 s10, $0x1;
	s10 =	sld [smem:$0x3FB9];
	_ =	sdelay $0x3  }
0x34: {  	[smem:$0x3FB9] =	sst s10  }
0x35: {  	s10 =	sld [smem:$0x3FB8];
	_ =	sdelay $0x3  }
0x36: {  	p1 =	seq.s32 s10, $0x1;
	s10 =	sld [smem:$0x3FB9];
	_ =	sdelay $0x3  }
0x37: {  	[smem:$0x3FB9] =	sst s10  }
0x38: {  	s10 =	sld [smem:$0x3FBA]  }
0x39: {  	_ = 	snop;
	(pc) =	sbr.ind lr, $3  }
0x3a: {  	_ = 	snop  }
0x3b: {  	_ = 	snop  }
0x3c: {  	p2 =	seq.s32 s10, $0x1;
	s10 =	sld [smem:$0x3FB9]  }
0x3d: {  	_ =	shalt  }
0x3e: {  	_ =	shalt  }
0x3f: {  	_ =	shalt  }
0x40: {  	_ =	shalt  }
0x41: {  	_ =	shalt  }
0x42: {  	_ =	shalt  }
0x43: {  	_ =	shalt  }
0x44: {  	_ =	shalt  }
0x45: {  	_ =	shalt  }
0x46: {  	_ =	shalt  }
0x47: {  	_ =	shalt  }
0x48: {  	_ =	shalt  }
0x49: {  	_ =	shalt  }
0x4a: {  	_ =	shalt  }
0x4b: {  	_ =	shalt  }
0x4c: {  	_ =	shalt  }
0x4d: {  	_ =	shalt  }
0x4e: {  	_ =	shalt  }
0x4f: {  	_ =	shalt  }
0x50: {  	_ =	shalt  }
0x51: {  	_ =	shalt  }
0x52: {  	_ =	shalt  }
0x53: {  	_ =	shalt  }
0x54: {  	_ =	shalt  }
0x55: {  	_ =	shalt  }
0x56: {  	_ =	shalt  }
0x57: {  	_ =	shalt  }
0x58: {  	_ =	shalt  }
0x59: {  	_ =	shalt  }
0x5a: {  	_ =	shalt  }
0x5b: {  	_ =	shalt  }
0x5c: {  	_ =	shalt  }
0x5d: {  	_ =	shalt  }
0x5e: {  	_ =	shalt  }
0x5f: {  	_ =	shalt  }
0x60: {  	_ =	shalt  }
0x61: {  	_ =	shalt  }
0x62: {  	_ =	shalt  }
0x63: {  	_ =	shalt  }
0x64: {  	_ =	shalt  }
0x65: {  	_ =	shalt  }
0x66: {  	_ =	shalt  }
0x67: {  	_ =	shalt  }
0x68: {  	_ =	shalt  }
0x69: {  	_ =	shalt  }
0x6a: {  	_ =	shalt  }
0x6b: {  	_ =	shalt  }
0x6c: {  	_ =	shalt  }
0x6d: {  	_ =	shalt  }
0x6e: {  	_ =	shalt  }
0x6f: {  	_ =	shalt  }
0x70: {  	_ =	shalt  }
0x71: {  	_ =	shalt  }
0x72: {  	_ =	shalt  }
0x73: {  	_ =	shalt  }
0x74: {  	_ =	shalt  }
0x75: {  	_ =	shalt  }
0x76: {  	_ =	shalt  }
0x77: {  	_ =	shalt  }
0x78: {  	_ =	shalt  }
0x79: {  	_ =	shalt  }
0x7a: {  	_ =	shalt  }
0x7b: {  	_ =	shalt  }
0x7c: {  	_ =	shalt  }
0x7d: {  	_ =	shalt  }
0x7e: {  	_ =	shalt  }
0x7f: {  	_ =	shalt  }
0x80: {  	_ =	shalt  }
0x81: {  	_ =	shalt  }
0x82: {  	_ =	shalt  }
0x83: {  	_ =	shalt  }
0x84: {  	_ =	shalt  }
0x85: {  	_ =	shalt  }
0x86: {  	_ =	shalt  }
0x87: {  	_ =	shalt  }
.Lfunc_end0:
.L_simem_size_0:
called_computation.1_lowered:
.L_overlay_start_0:
0x88: {  	s2 =	sld [smem:$0x3FD9]  }
0x89: {  	s3 =	sld [smem:$0x3FFE];
	_ =	sdelay $0x1  }
0x8a: {  	s1 =	srdreg.scid  }
0x8b: {  	s0 =	sand.u32 $0x1, s1  }
0x8c: {  	s14 =	sshll.u32 s0, $0xA;
	s2 =	sadd.s32 s3, s2  }
0x8d: {  	s2 =	sadd.s32 s2, s14  }
0x8e: {  	[smem:$0x3FC5] =	sst s2  }
0x8f: {  	_ = 	snop  }
0x90: {  	s2 =	sld [smem:$0x3FD0];
	_ =	sdelay $0x2  }
0x91: {  	s15 =	simm.s32 $0xA;
	s4 =	simm.s32 $0x10  }
0x92: {  	[smem:s4], [sflag:s15] =	dma.local [hbm:s2], $0x1  }
0x93: {  	_ =	swait.eq [sflag:s15], $0x1  }
0x94: {  	s16 =	sld [smem:$0x10];
	[sflag:s15] =	ssyncset.done $0x0  }
0x95: {  	s17 =	sld [smem:$0x11];
	[sflag:s15] =	ssyncadd.s32 $0xFFFFFFFF  }
0x96: {  	s18 =	sld [smem:$0x12];
	(tm) =	ssettm $0x1  }
0x97: {  	s5 =	sld [smem:$0x3FFB];
	_ =	sdelay $0x3  }
0x98: {  	_ =	strace s5  }
0x99: {  	s5 =	sld [smem:$0x3FFC];
	_ =	sdelay $0x3  }
0x9a: {  	_ =	strace s5  }
0x9b: {  	s5 =	sld [smem:$0x3FFD];
	_ =	sdelay $0x3  }
0x9c: {  	_ =	strace s5  }
0x9d: {  	_ =	strace $0x8FFFFFFF  }
0x9e: {  	s19 =	sld [smem:$0x3FDB];
	_ =	sdelay $0x1  }
0x9f: {  	s6 =	simm.s32 $_scs_section_size  }
0xa0: {  	s7 =	simm.s32 $_size__tile_overlayer_lowered;
	s8 =	simm.s32 $_tile_overlayer_lowered  }
0xa1: {  	s22 =	simm.s32 $0x1BFF;
	s21 =	sshll.u32 s8, $0x1;
	s5 =	sadd.s32 s6, s19  }
0xa2: {  	s9 =	simm.s32 $0x0;
	s20 =	sshll.u32 s7, $0x1;
	s7 =	sadd.s32 s21, s5  }
0xa3: {  	[timem:s9], [sflag:s22] =	dma.local [hbm:s7], s20  }
0xa4: {  	_ =	swait.ge [sflag:s22], s20  }
0xa5: {  	s6 =	ssub.s32 $0x0, s20;
	[sflag:s22] =	ssyncset.done $0x0  }
0xa6: {  	[sflag:s22] =	ssyncadd.s32 s6;
	_ =	sdelay $0x1  }
0xa7: {  	s23 =	simm.s32 $0x1B8B  }
0xa8: {  	_ =	swait.ge [sflag:s23], $0x1  }
0xa9: {  	[sflag:s23] =	ssyncset.done $0x0  }
0xaa: {  	s25 =	simm.s32 $0x1B8E;
	s24 =	sld [smem:$0x3FFE];
	[sflag:s23] =	ssyncadd.s32 $0xFFFFFFFF  }
0xab: {  	s26 =	simm.s32 $execute0_lowered;
	[smem:$0x3FD2] =	sst s25  }
0xac: {  	s7 =	sshll.u32 s26, $0x1;
	_ =	strace $0x80000049;
	[dreg:$0x1] =	wrdreg $0xFFFFFFFF  }
0xad: {  	s28 =	simm.s32 $_size_execute0_lowered;
	s5 =	sadd.s32 s5, s7;
	[dreg:$0x0] =	wrdreg $0x0  }
0xae: {  	s7 =	sshll.u32 s28, $0x1;
	[dreg:$0x2] =	wrdreg s5  }
0xaf: {  	[dreg:$0x3] =	wrdreg s7  }
0xb0: {  	[dreg:$0x4] =	wrdreg $0xC0  }
0xb1: {  	_ =	task [dreg:s9], $0x5FFFF  }
0xb2: {  	[dreg:$0x1] =	wrdreg $0xFFFFFFFF  }
0xb3: {  	[dreg:$0x0] =	wrdreg $0x60  }
0xb4: {  	[dreg:$0x2] =	wrdreg s18  }
0xb5: {  	[dreg:$0x3] =	wrdreg s17  }
0xb6: {  	[dreg:$0x4] =	wrdreg s16  }
0xb7: {  	[dreg:$0x5] =	wrdreg s24  }
0xb8: {  	[dreg:$0x6] =	wrdreg $0x182800  }
0xb9: {  	[dreg:$0x7] =	wrdreg $0x9  }
0xba: {  	_ =	task.clear_ibuf [dreg:s9], $0x8FFFF;
	_ =	strace $0x90000049  }
0xbb: {  	s29 =	simm.s32 $0x9;
	_ =	strace $0x8000004B  }
0xbc: {  	_ =	swait.ge [sflag:s29], $0x1  }
0xbd: {  	[sflag:s29] =	ssyncadd.s32 $0xFFFFFFFF  }
0xbe: {  	_ =	strace $0x9000004B  }
0xbf: {  	_ =	sfence  }
0xc0: {  	s30 =	sld [smem:$0x0];
	_ =	sdelay $0x2  }
0xc1: {  	s31 =	sshll.u32 s1, $0xD;
	s1 =	sshrl.u32 s1, $0x2  }
0xc2: {  	s3 =	sand.u32 $0x4000, s31;
	s1 =	sadd.s32 s1, s30  }
0xc3: {  	s0 =	sor.u32 s3, s0;
	s1 =	sshll.u32 s1, $0x11  }
0xc4: {  	s0 =	sor.u32 s1, s0  }
0xc5: {  	s0 =	sadd.s32 $0x8F2B, s0  }
0xc6: {  	[sflag:s0] =	ssyncadd.remote.s32 $0x1  }
0xc7: {  	_ =	sfence.sel $0xFFFF  }
0xc8: {  	[dreg:$0x0] =	wrdreg $0xFFFFFFFF;
	(pc) =	sbr.abs _section_cstart, $3  }
0xc9: {  	[dreg:$0x1] =	wrdreg $0xFFFFFFFF  }
0xca: {  	_ =	task.clear_ibuf [dreg:s9], $0x2FFFF;
	_ =	strace $0x9FFFFFFF  }
0xcb: {  	(tm) =	ssettm $0x7FFFFFFF  }
tec
execute0_lowered:
.L_overlay_start_1:
0x0: {  	(tag) =	ssettag $0x1  }
0x1: {  	s5 =	rddreg [dreg:$0x0]  }
0x2: {  	s7 =	rddreg [dreg:$0x1]  }
0x3: {  	s9 =	rddreg [dreg:$0x2]  }
0x4: {  	s4 =	rddreg [dreg:$0x3]  }
0x5: {  	s1 =	rddreg [dreg:$0x4]  }
0x6: {  	s0 =	rddreg [dreg:$0x5];
	s2 =	simm.s32 $0x0  }
0x7: {  	s6 =	srdreg.scid;
	s12 =	stileid.u32;
	s15 =	simm.s32 $0x4000  }
0x8: {  	v0 =	vlaneseq.u32;
	s16 =	simm.s32 $0x8000;
	s17 =	simm.s32 $0x2;
	s18 =	simm.s32 $0x80  }
0x9: {  	v1 =	vimm.s32 $0x0;
	s19 =	simm.s32 $0x18080;
	s20 =	simm.s32 $0x18100;
	s21 =	simm.s32 $0xC000;
	v33 =	vimm.s32 $0x1;
	v2 =	vor.u32 $0x10, v0  }
0xa: {  	s22 =	simm.s32 $0x18180;
	s23 =	simm.s32 $0x10000;
	s24 =	simm.s32 $0x18200;
	v3 =	vor.u32 $0x20, v0;
	v4 =	vor.u32 $0x30, v0;
	v5 =	vor.u32 $0x40, v0  }
0xb: {  	s25 =	simm.s32 $0x14000;
	s26 =	simm.s32 $0x0;
	[smem:$0x7FF] =	sst s2;
	v6 =	vor.u32 $0x50, v0;
	v7 =	vor.u32 $0x60, v0;
	v8 =	vor.u32 $0x70, v0  }
0xc: {  	s3 =	sadd.s32 $0x1800, s4;
	s6 =	sand.u32 $0x1, s6;
	s10 =	sshll.u32 s12, $0xD;
	v9 =	vor.u32 $0x80, v0;
	v10 =	vor.u32 $0x90, v0;
	v11 =	vor.u32 $0xA0, v0  }
0xd: {  	v12 =	vor.u32 $0xB0, v0;
	v13 =	vor.u32 $0xC0, v0;
	v14 =	vor.u32 $0xD0, v0;
	p0 =	sne.s32 s12, $0x0;
	s12 =	simm.s32 $0x18000;
	_ =	strace $0x8000004A  }
0xe: {  	v15 =	vor.u32 $0xE0, v0;
	v16 =	vor.u32 $0xF0, v0;
	v17 =	vor.u32 $0x100, v0;
	s8 =	ssub.s32 $0x2, s6;
	s11 =	sshll.u32 s6, $0xC;
	s6 =	sshll.u32 s6, $0xD  }
0xf: {  	v18 =	vor.u32 $0x110, v0;
	v19 =	vor.u32 $0x120, v0;
	v20 =	vor.u32 $0x130, v0;
	s13 =	sshrl.u32 s8, $0x1;
	s10 =	sor.u32 s11, s10;
	s31 =	sadd.s32 s6, s4  }
0x10: {  	v21 =	vor.u32 $0x140, v0;
	v22 =	vor.u32 $0x150, v0;
	v23 =	vor.u32 $0x160, v0;
	s13 =	ssub.s32 s8, s13;
	s14 =	sor.u32 $0x800, s10;
	s4 =	sadd.s32 s5, s10  }
0x11: {  	v24 =	vor.u32 $0x170, v0;
	v25 =	vor.u32 $0x180, v0;
	v26 =	vor.u32 $0x190, v0;
	s6 =	sadd.s32 s7, s10;
	s8 =	sadd.s32 s9, s10;
	s10 =	sadd.s32 $0x1A00, s31  }
0x12: {  	v27 =	vor.u32 $0x1A0, v0;
	v28 =	vor.u32 $0x1B0, v0;
	v29 =	vor.u32 $0x1C0, v0;
	s5 =	sadd.s32 s5, s14;
	s7 =	sadd.s32 s7, s14;
	s9 =	sadd.s32 s9, s14  }
0x13: {  	v30 =	vor.u32 $0x1D0, v0;
	v31 =	vor.u32 $0x1E0, v0;
	v32 =	vor.u32 $0x1F0, v0;
	s11 =	smax.u32 s13, $0x1;
	s13 =	simm.s32 $0x3;
	s14 =	simm.s32 $0x1  }
.LBB2_1:
0x14: {  	s28 =	simm.s32 $0x8200  }
0x15: {  	[tilespmem:s28+$0xFFFFFE00] =	vst v1  }
0x16: {  	[tilespmem:s28+$0x1F0] =	vst v1  }
0x17: {  	[tilespmem:s28+$0x1E0] =	vst v1  }
0x18: {  	[tilespmem:s28+$0x1D0] =	vst v1  }
0x19: {  	[tilespmem:s28+$0x1C0] =	vst v1  }
0x1a: {  	[tilespmem:s28+$0x1B0] =	vst v1  }
0x1b: {  	[tilespmem:s28+$0x1A0] =	vst v1  }
0x1c: {  	[tilespmem:s28+$0x190] =	vst v1  }
0x1d: {  	[tilespmem:s28+$0x180] =	vst v1  }
0x1e: {  	[tilespmem:s28+$0x170] =	vst v1  }
0x1f: {  	[tilespmem:s28+$0x160] =	vst v1  }
0x20: {  	[tilespmem:s28+$0x150] =	vst v1  }
0x21: {  	[tilespmem:s28+$0x140] =	vst v1  }
0x22: {  	[tilespmem:s28+$0x130] =	vst v1  }
0x23: {  	[tilespmem:s28+$0x120] =	vst v1  }
0x24: {  	[tilespmem:s28+$0x110] =	vst v1  }
0x25: {  	[tilespmem:s28+$0x100] =	vst v1  }
0x26: {  	[tilespmem:s28+$0xF0] =	vst v1  }
0x27: {  	[tilespmem:s28+$0xE0] =	vst v1  }
0x28: {  	[tilespmem:s28+$0xD0] =	vst v1  }
0x29: {  	[tilespmem:s28+$0xC0] =	vst v1  }
0x2a: {  	[tilespmem:s28+$0xB0] =	vst v1  }
0x2b: {  	[tilespmem:s28+$0xA0] =	vst v1  }
0x2c: {  	[tilespmem:s28+$0x90] =	vst v1  }
0x2d: {  	[tilespmem:s28+$0x80] =	vst v1  }
0x2e: {  	[tilespmem:s28+$0x70] =	vst v1  }
0x2f: {  	[tilespmem:s28+$0x60] =	vst v1  }
0x30: {  	[tilespmem:s28+$0x50] =	vst v1  }
0x31: {  	[tilespmem:s28+$0x40] =	vst v1  }
0x32: {  	[tilespmem:s28+$0x30] =	vst v1  }
0x33: {  	[tilespmem:s28+$0x20] =	vst v1  }
0x34: {  	[tilespmem:s28+$0x10] =	vst v1  }
0x35: {  	[tilespmem:s28+$0x0] =	vst v1  }
0x36: {  	[tilespmem:s28+$0xFFFFFFF0] =	vst v1  }
0x37: {  	[tilespmem:s28+$0xFFFFFFE0] =	vst v1  }
0x38: {  	[tilespmem:s28+$0xFFFFFFD0] =	vst v1  }
0x39: {  	[tilespmem:s28+$0xFFFFFFC0] =	vst v1  }
0x3a: {  	[tilespmem:s28+$0xFFFFFFB0] =	vst v1  }
0x3b: {  	[tilespmem:s28+$0xFFFFFFA0] =	vst v1  }
0x3c: {  	[tilespmem:s28+$0xFFFFFF90] =	vst v1  }
0x3d: {  	[tilespmem:s28+$0xFFFFFF80] =	vst v1  }
0x3e: {  	[tilespmem:s28+$0xFFFFFF70] =	vst v1  }
0x3f: {  	[tilespmem:s28+$0xFFFFFF60] =	vst v1  }
0x40: {  	[tilespmem:s28+$0xFFFFFF50] =	vst v1  }
0x41: {  	[tilespmem:s28+$0xFFFFFF40] =	vst v1  }
0x42: {  	[tilespmem:s28+$0xFFFFFF30] =	vst v1  }
0x43: {  	[tilespmem:s28+$0xFFFFFF20] =	vst v1  }
0x44: {  	[tilespmem:s28+$0xFFFFFF10] =	vst v1  }
0x45: {  	[tilespmem:s28+$0xFFFFFF00] =	vst v1  }
0x46: {  	[tilespmem:s28+$0xFFFFFEF0] =	vst v1  }
0x47: {  	[tilespmem:s28+$0xFFFFFEE0] =	vst v1  }
0x48: {  	[tilespmem:s28+$0xFFFFFED0] =	vst v1  }
0x49: {  	[tilespmem:s28+$0xFFFFFEC0] =	vst v1  }
0x4a: {  	[tilespmem:s28+$0xFFFFFEB0] =	vst v1  }
0x4b: {  	[tilespmem:s28+$0xFFFFFEA0] =	vst v1  }
0x4c: {  	[tilespmem:s28+$0xFFFFFE90] =	vst v1  }
0x4d: {  	[tilespmem:s28+$0xFFFFFE80] =	vst v1  }
0x4e: {  	[tilespmem:s28+$0xFFFFFE70] =	vst v1  }
0x4f: {  	[tilespmem:s28+$0xFFFFFE60] =	vst v1  }
0x50: {  	[tilespmem:s28+$0xFFFFFE50] =	vst v1  }
0x51: {  	[tilespmem:s28+$0xFFFFFE40] =	vst v1  }
0x52: {  	[tilespmem:s28+$0xFFFFFE30] =	vst v1  }
0x53: {  	s29 =	simm.s32 $0x0;
	[tilespmem:s28+$0xFFFFFE20] =	vst v1  }
.LBB2_2:
0x54: {  	s29 =	sadd.s32 $0x8, s29;
	[tilespmem:s28+$0xFFFFFE10] =	vst v1;
	s28 =	sadd.s32 $0x400, s28  }
0x55: {  	[tilespmem:s28+$0xFFFFFE00] =	vst v1;
	p1 =	slt.u32 s29, $0x1F8  }
0x56: {  	[tilespmem:s28+$0x1F0] =	vst v1  }
0x57: {  	[tilespmem:s28+$0x1E0] =	vst v1  }
0x58: {  	[tilespmem:s28+$0x1D0] =	vst v1  }
0x59: {  	[tilespmem:s28+$0x1C0] =	vst v1  }
0x5a: {  	[tilespmem:s28+$0x1B0] =	vst v1  }
0x5b: {  	[tilespmem:s28+$0x1A0] =	vst v1  }
0x5c: {  	[tilespmem:s28+$0x190] =	vst v1  }
0x5d: {  	[tilespmem:s28+$0x180] =	vst v1  }
0x5e: {  	[tilespmem:s28+$0x170] =	vst v1  }
0x5f: {  	[tilespmem:s28+$0x160] =	vst v1  }
0x60: {  	[tilespmem:s28+$0x150] =	vst v1  }
0x61: {  	[tilespmem:s28+$0x140] =	vst v1  }
0x62: {  	[tilespmem:s28+$0x130] =	vst v1  }
0x63: {  	[tilespmem:s28+$0x120] =	vst v1  }
0x64: {  	[tilespmem:s28+$0x110] =	vst v1  }
0x65: {  	[tilespmem:s28+$0x100] =	vst v1  }
0x66: {  	[tilespmem:s28+$0xF0] =	vst v1  }
0x67: {  	[tilespmem:s28+$0xE0] =	vst v1  }
0x68: {  	[tilespmem:s28+$0xD0] =	vst v1  }
0x69: {  	[tilespmem:s28+$0xC0] =	vst v1  }
0x6a: {  	[tilespmem:s28+$0xB0] =	vst v1  }
0x6b: {  	[tilespmem:s28+$0xA0] =	vst v1  }
0x6c: {  	[tilespmem:s28+$0x90] =	vst v1  }
0x6d: {  	[tilespmem:s28+$0x80] =	vst v1  }
0x6e: {  	[tilespmem:s28+$0x70] =	vst v1  }
0x6f: {  	[tilespmem:s28+$0x60] =	vst v1  }
0x70: {  	[tilespmem:s28+$0x50] =	vst v1  }
0x71: {  	[tilespmem:s28+$0x40] =	vst v1  }
0x72: {  	[tilespmem:s28+$0x30] =	vst v1  }
0x73: {  	[tilespmem:s28+$0x20] =	vst v1  }
0x74: {  	[tilespmem:s28+$0x10] =	vst v1  }
0x75: {  	[tilespmem:s28+$0x0] =	vst v1  }
0x76: {  	[tilespmem:s28+$0xFFFFFFF0] =	vst v1  }
0x77: {  	[tilespmem:s28+$0xFFFFFFE0] =	vst v1  }
0x78: {  	[tilespmem:s28+$0xFFFFFFD0] =	vst v1  }
0x79: {  	[tilespmem:s28+$0xFFFFFFC0] =	vst v1  }
0x7a: {  	[tilespmem:s28+$0xFFFFFFB0] =	vst v1  }
0x7b: {  	[tilespmem:s28+$0xFFFFFFA0] =	vst v1  }
0x7c: {  	[tilespmem:s28+$0xFFFFFF90] =	vst v1  }
0x7d: {  	[tilespmem:s28+$0xFFFFFF80] =	vst v1  }
0x7e: {  	[tilespmem:s28+$0xFFFFFF70] =	vst v1  }
0x7f: {  	[tilespmem:s28+$0xFFFFFF60] =	vst v1  }
0x80: {  	[tilespmem:s28+$0xFFFFFF50] =	vst v1  }
0x81: {  	[tilespmem:s28+$0xFFFFFF40] =	vst v1  }
0x82: {  	[tilespmem:s28+$0xFFFFFF30] =	vst v1  }
0x83: {  	[tilespmem:s28+$0xFFFFFF20] =	vst v1  }
0x84: {  	[tilespmem:s28+$0xFFFFFF10] =	vst v1  }
0x85: {  	[tilespmem:s28+$0xFFFFFF00] =	vst v1  }
0x86: {  	[tilespmem:s28+$0xFFFFFEF0] =	vst v1  }
0x87: {  	[tilespmem:s28+$0xFFFFFEE0] =	vst v1  }
0x88: {  	[tilespmem:s28+$0xFFFFFED0] =	vst v1  }
0x89: {  	[tilespmem:s28+$0xFFFFFEC0] =	vst v1  }
0x8a: {  	[tilespmem:s28+$0xFFFFFEB0] =	vst v1  }
0x8b: {  	[tilespmem:s28+$0xFFFFFEA0] =	vst v1  }
0x8c: {  	[tilespmem:s28+$0xFFFFFE90] =	vst v1  }
0x8d: {  	[tilespmem:s28+$0xFFFFFE80] =	vst v1  }
0x8e: {  	[tilespmem:s28+$0xFFFFFE70] =	vst v1  }
.Ltmp0:
0x8f: {  	[tilespmem:s28+$0xFFFFFE60] =	vst v1;
	(pc) =	sbr.rel @p1 .LBB2_2-.Ltmp0, $4  }
0x90: {  	[tilespmem:s28+$0xFFFFFE50] =	vst v1  }
0x91: {  	[tilespmem:s28+$0xFFFFFE40] =	vst v1  }
0x92: {  	[tilespmem:s28+$0xFFFFFE30] =	vst v1  }
0x93: {  	[tilespmem:s28+$0xFFFFFE20] =	vst v1  }
0x94: {  	[tilespmem:s28+$0xFFFFFE10] =	vst v1  }
0x95: {  	[tilespmem:$0x18080] =	vst v0  }
0x96: {  	[tilespmem:$0x18090] =	vst v2  }
0x97: {  	[tilespmem:$0x180A0] =	vst v3  }
0x98: {  	[tilespmem:$0x180B0] =	vst v4  }
0x99: {  	[tilespmem:$0x180C0] =	vst v5  }
0x9a: {  	[tilespmem:$0x180D0] =	vst v6  }
0x9b: {  	[tilespmem:$0x180E0] =	vst v7  }
0x9c: {  	[tilespmem:$0x180F0] =	vst v8  }
0x9d: {  	[tilespmem:$0x18100] =	vst v9  }
0x9e: {  	[tilespmem:$0x18110] =	vst v10  }
0x9f: {  	[tilespmem:$0x18120] =	vst v11  }
0xa0: {  	[tilespmem:$0x18130] =	vst v12  }
0xa1: {  	[tilespmem:$0x18140] =	vst v13  }
0xa2: {  	[tilespmem:$0x18150] =	vst v14  }
0xa3: {  	[tilespmem:$0x18160] =	vst v15  }
0xa4: {  	[tilespmem:$0x18170] =	vst v16  }
0xa5: {  	[tilespmem:$0x18180] =	vst v17  }
0xa6: {  	[tilespmem:$0x18190] =	vst v18  }
0xa7: {  	[tilespmem:$0x181A0] =	vst v19  }
0xa8: {  	[tilespmem:$0x181B0] =	vst v20  }
0xa9: {  	[tilespmem:$0x181C0] =	vst v21  }
0xaa: {  	[tilespmem:$0x181D0] =	vst v22  }
0xab: {  	[tilespmem:$0x181E0] =	vst v23  }
0xac: {  	[tilespmem:$0x181F0] =	vst v24  }
0xad: {  	[tilespmem:$0x18200] =	vst v25  }
0xae: {  	[tilespmem:$0x18210] =	vst v26  }
0xaf: {  	[tilespmem:$0x18220] =	vst v27  }
0xb0: {  	[tilespmem:$0x18230] =	vst v28  }
0xb1: {  	[tilespmem:$0x18240] =	vst v29  }
0xb2: {  	[tilespmem:$0x18250] =	vst v30  }
0xb3: {  	[tilespmem:$0x18260] =	vst v31  }
0xb4: {  	s28 =	simm.s32 @!p0 $0x8000;
	[tilespmem:$0x18270] =	vst v32  }
0xb5: {  	[spmem:s1] =	stream.linear.scatter @!p0 [tilespmem:s28], [sflag:$0x3], $0x10000, $0x38;
	[tilespmem:$0x19280] =	vst v63  }
0xb6: {  	s28 =	simm.s32 @!p0 $0x3  }
0xb7: {  	_ =	swait.ge @!p0 [sflag:s28], $0x10000  }
0xb8: {  	[sflag:s28] =	ssyncset.done @!p0 $0x0  }
0xb9: {  	[sflag:s28] =	ssyncadd.s32 @!p0 $0xFFFF0000  }
0xba: {  	[tilespmem:s12], [sflag:$0x3] =	stream.linear.gather [hbm4b:s3+s2], $0x10, $0x38;
	[tilespmem:$0x19280] =	vst v63  }
0xbb: {  	_ =	swait.ge [sflag:s13], $0x10  }
0xbc: {  	[sflag:s13] =	ssyncset.done $0x0  }
0xbd: {  	[sflag:s13] =	ssyncadd.s32 $0xFFFFFFF0  }
0xbe: {  	v34 =	vld [tilespmem:$0x18000];
	[tilespmem:s2], [sflag:$0x1] =	stream.linear.gather [hbm4b:s4+s2], $0x4000, $0x38  }
0xbf: {  	_ =	swait.ge [sflag:s14], $0x4000  }
0xc0: {  	[sflag:s14] =	ssyncset.done $0x0  }
0xc1: {  	s28 =	simm.s32 $0x40;
	[sflag:s14] =	ssyncadd.s32 $0xFFFFC000  }
0xc2: {  	[tilespmem:s15], [sflag:$0x2] =	stream.linear.gather [hbm4b:s5+s2], $0x4000, $0x38;
	[tilespmem:$0x19280] =	vst v63  }
0xc3: {  	v38 =	vld [tilespmem:s28+$0x20]  }
0xc4: {  	v35 =	vld [tilespmem:s28+$0xFFFFFFE0]  }
0xc5: {  	v39 =	vld [tilespmem:s28+$0xFFFFFFC0]  }
0xc6: {  	v36 =	vld [tilespmem:s28+$0xFFFFFFF0]  }
0xc7: {  	v40 =	vld [tilespmem:s28+$0x30]  }
0xc8: {  	v44 =	vld [tilespmem:s28+$0x0];
	v37 =	vshra.s32 v38, $0x1F  }
0xc9: {  	v41 =	vand.u32 $0x7FFFFFFF, v37  }
0xca: {  	v34 =	vadd.s32 $0xFFFF8000, v34;
	v41 =	vxor.u32 v38, v41  }
0xcb: {  	v42 =	vshra.s32 v39, $0x1F;
	v43 =	vshra.s32 v36, $0x1F;
	v37 =	vld [tilespmem:s28+$0x10];
	v45 =	vshra.s32 v41, $0x10  }
0xcc: {  	v46 =	vshra.s32 v35, $0x1F;
	v60 =	vshra.s32 v40, $0x1F;
	v38 =	vld [tilespmem:s28+$0xFFFFFFD0];
	vm1 =	veq.s32 v45, v34  }
0xcd: {  	v47 =	vshra.s32 v44, $0x1F;
	v42 =	vand.u32 $0x7FFFFFFF, v42;
	v48 =	vand.u32 $0xFFFF, v41  }
0xce: {  	v43 =	vand.u32 $0x7FFFFFFF, v43;
	v62 =	vand.u32 $0x7FFFFFFF, v47;
	v39 =	vxor.u32 v39, v42  }
0xcf: {  	v42 =	vand.u32 $0x7FFFFFFF, v46;
	v61 =	vshra.s32 v39, $0x10;
	v45 =	vand.u32 $0x7FFFFFFF, v60  }
0xd0: {  	vm0 =	veq.s32 v61, v34;
	v45 =	vxor.u32 v40, v45;
	v40 =	vxor.u32 v44, v62  }
0xd1: {  	v41 =	vshra.s32 v37, $0x1F;
	v49 =	vshra.s32 v45, $0x10;
	v63 =	vshra.s32 v38, $0x1F  }
0xd2: {  	s29 =	simm.s32 $0xC0;
	s28 =	simm.s32 $0x0;
	v46 =	vshra.s32 v40, $0x10;
	v44 =	vand.u32 $0x7FFFFFFF, v63;
	[tilespmem:v48+s16+$0x0] =	vst.idx.add.s32.msk vm1, v33;
	vm1 =	veq.s32 v49, v34  }
.LBB2_4:
0xd3: {  	v47 =	vld [tilespmem:s29+$0x20];
	s28 =	sadd.s32 $0x8, s28;
	v42 =	vxor.u32 v35, v42;
	v43 =	vxor.u32 v36, v43;
	v45 =	vand.u32 $0xFFFF, v45  }
0xd4: {  	v41 =	vand.u32 $0x7FFFFFFF, v41;
	v35 =	vld [tilespmem:s29+$0xFFFFFFE0];
	p1 =	slt.u32 s28, $0x3F8;
	v36 =	vshra.s32 v42, $0x10;
	v48 =	vshra.s32 v43, $0x10  }
0xd5: {  	v39 =	vand.u32 $0xFFFF, v39;
	v37 =	vxor.u32 v37, v41;
	v49 =	vld [tilespmem:s29+$0xFFFFFFC0];
	vm2 =	veq.s32 v36, v34  }
0xd6: {  	v38 =	vxor.u32 v38, v44;
	vm4 =	veq.s32 v46, v34;
	v41 =	vshra.s32 v37, $0x10;
	v36 =	vld [tilespmem:s29+$0xFFFFFFF0]  }
0xd7: {  	v40 =	vand.u32 $0xFFFF, v40;
	v46 =	vand.u32 $0xFFFF, v38;
	v50 =	vand.u32 $0xFFFF, v42;
	v44 =	vld [tilespmem:s29+$0x30]  }
0xd8: {  	vm5 =	veq.s32 v41, v34;
	v41 =	vand.u32 $0xFFFF, v37;
	v51 =	vld [tilespmem:s29+$0x0];
	v42 =	vshra.s32 v47, $0x1F  }
0xd9: {  	v52 =	vshra.s32 v38, $0x10;
	vm3 =	veq.s32 v48, v34;
	v37 =	vld [tilespmem:s29+$0x10];
	v42 =	vand.u32 $0x7FFFFFFF, v42  }
0xda: {  	vm6 =	veq.s32 v52, v34;
	v38 =	vld [tilespmem:s29+$0xFFFFFFD0];
	v42 =	vxor.u32 v47, v42;
	v47 =	vand.u32 $0xFFFF, v43  }
0xdb: {  	v43 =	vshra.s32 v49, $0x1F;
	v48 =	vshra.s32 v36, $0x1F;
	v52 =	vshra.s32 v42, $0x10;
	[tilespmem:v39+s16+$0x0] =	vst.idx.add.s32.msk vm0, v33  }
0xdc: {  	v53 =	vshra.s32 v35, $0x1F;
	vm7 =	veq.s32 v52, v34;
	v52 =	vshra.s32 v44, $0x1F;
	[tilespmem:v40+s16+$0x0] =	vst.idx.add.s32.msk vm4, v33  }
0xdd: {  	v39 =	vand.u32 $0x7FFFFFFF, v43;
	v54 =	vand.u32 $0xFFFF, v42;
	v40 =	vshra.s32 v51, $0x1F;
	[tilespmem:v45+s16+$0x0] =	vst.idx.add.s32.msk vm1, v33  }
.Ltmp1:
0xde: {  	v42 =	vand.u32 $0x7FFFFFFF, v53;
	v39 =	vxor.u32 v49, v39;
	v43 =	vand.u32 $0x7FFFFFFF, v48;
	[tilespmem:v41+s16+$0x0] =	vst.idx.add.s32.msk vm5, v33;
	(pc) =	sbr.rel @p1 .LBB2_4-.Ltmp1, $4  }
0xdf: {  	v45 =	vshra.s32 v39, $0x10;
	v48 =	vand.u32 $0x7FFFFFFF, v52;
	v41 =	vshra.s32 v37, $0x1F;
	[tilespmem:v50+s16+$0x0] =	vst.idx.add.s32.msk vm2, v33  }
0xe0: {  	vm0 =	veq.s32 v45, v34;
	v40 =	vand.u32 $0x7FFFFFFF, v40;
	v45 =	vxor.u32 v44, v48;
	[tilespmem:v46+s16+$0x0] =	vst.idx.add.s32.msk vm6, v33  }
0xe1: {  	v44 =	vshra.s32 v38, $0x1F;
	v40 =	vxor.u32 v51, v40;
	v48 =	vshra.s32 v45, $0x10;
	[tilespmem:v47+s16+$0x0] =	vst.idx.add.s32.msk vm3, v33  }
0xe2: {  	s29 =	sadd.s32 $0x80, s29;
	v44 =	vand.u32 $0x7FFFFFFF, v44;
	v46 =	vshra.s32 v40, $0x10;
	vm1 =	veq.s32 v48, v34;
	[tilespmem:v54+s16+$0x0] =	vst.idx.add.s32.msk vm7, v33  }
0xe3: {  	v35 =	vxor.u32 v35, v42;
	v36 =	vxor.u32 v36, v43;
	v41 =	vand.u32 $0x7FFFFFFF, v41  }
0xe4: {  	v39 =	vand.u32 $0xFFFF, v39;
	vm2 =	veq.s32 v46, v34;
	v57 =	vand.u32 $0xFFFF, v45  }
0xe5: {  	v40 =	vand.u32 $0xFFFF, v40;
	v38 =	vxor.u32 v38, v44;
	v59 =	vshra.s32 v35, $0x10  }
0xe6: {  	v37 =	vxor.u32 v37, v41;
	v60 =	vshra.s32 v38, $0x10;
	vm4 =	veq.s32 v59, v34  }
0xe7: {  	v61 =	vshra.s32 v36, $0x10;
	v35 =	vand.u32 $0xFFFF, v35;
	vm5 =	veq.s32 v60, v34  }
0xe8: {  	v38 =	vand.u32 $0xFFFF, v38;
	v58 =	vshra.s32 v37, $0x10;
	vm6 =	veq.s32 v61, v34  }
0xe9: {  	v36 =	vand.u32 $0xFFFF, v36;
	vm3 =	veq.s32 v58, v34;
	[tilespmem:v39+s16+$0x0] =	vst.idx.add.s32.msk vm0, v33  }
0xea: {  	v37 =	vand.u32 $0xFFFF, v37;
	[tilespmem:v57+s16+$0x0] =	vst.idx.add.s32.msk vm1, v33  }
0xeb: {  	[tilespmem:v40+s16+$0x0] =	vst.idx.add.s32.msk vm2, v33  }
0xec: {  	[tilespmem:v35+s16+$0x0] =	vst.idx.add.s32.msk vm4, v33  }
0xed: {  	[tilespmem:v38+s16+$0x0] =	vst.idx.add.s32.msk vm5, v33  }
0xee: {  	[tilespmem:v36+s16+$0x0] =	vst.idx.add.s32.msk vm6, v33  }
0xef: {  	[tilespmem:v37+s16+$0x0] =	vst.idx.add.s32.msk vm3, v33  }
0xf0: {  	_ =	swait.ge [sflag:s17], $0x4000  }
0xf1: {  	[sflag:s17] =	ssyncset.done $0x0  }
0xf2: {  	s28 =	simm.s32 $0x4040;
	[sflag:s17] =	ssyncadd.s32 $0xFFFFC000  }
0xf3: {  	[tilespmem:s2], [sflag:$0x1] =	stream.linear.gather [hbm4b:s6+s2], $0x4000, $0x38;
	[tilespmem:$0x19280] =	vst v63  }
0xf4: {  	v62 =	vld [tilespmem:s28+$0x20]  }
0xf5: {  	v35 =	vld [tilespmem:s28+$0xFFFFFFE0]  }
0xf6: {  	v63 =	vld [tilespmem:s28+$0xFFFFFFC0]  }
0xf7: {  	v36 =	vld [tilespmem:s28+$0xFFFFFFF0]  }
0xf8: {  	v52 =	vld [tilespmem:s28+$0x30]  }
0xf9: {  	v53 =	vld [tilespmem:s28+$0x0];
	v54 =	vshra.s32 v62, $0x1F  }
0xfa: {  	v55 =	vand.u32 $0x7FFFFFFF, v54  }
0xfb: {  	v37 =	vld [tilespmem:s28+$0x10];
	v41 =	vxor.u32 v62, v55  }
0xfc: {  	v38 =	vld [tilespmem:s28+$0xFFFFFFD0];
	v56 =	vshra.s32 v63, $0x1F;
	v57 =	vshra.s32 v36, $0x1F;
	v58 =	vshra.s32 v41, $0x10  }
0xfd: {  	v59 =	vshra.s32 v35, $0x1F;
	v60 =	vshra.s32 v52, $0x1F;
	vm1 =	veq.s32 v58, v34  }
0xfe: {  	v47 =	vshra.s32 v53, $0x1F;
	v42 =	vand.u32 $0x7FFFFFFF, v56;
	v48 =	vand.u32 $0xFFFF, v41  }
0xff: {  	v43 =	vand.u32 $0x7FFFFFFF, v57;
	v45 =	vand.u32 $0x7FFFFFFF, v60;
	v39 =	vxor.u32 v63, v42  }
0x100: {  	v42 =	vand.u32 $0x7FFFFFFF, v59;
	v62 =	vand.u32 $0x7FFFFFFF, v47;
	v45 =	vxor.u32 v52, v45  }
0x101: {  	v63 =	vshra.s32 v38, $0x1F;
	v61 =	vshra.s32 v39, $0x10;
	v41 =	vshra.s32 v37, $0x1F  }
0x102: {  	v40 =	vxor.u32 v53, v62;
	v49 =	vshra.s32 v45, $0x10;
	v44 =	vand.u32 $0x7FFFFFFF, v63  }
0x103: {  	s29 =	simm.s32 $0x40C0;
	s28 =	simm.s32 $0x0;
	vm0 =	veq.s32 v61, v34;
	v46 =	vshra.s32 v40, $0x10;
	[tilespmem:v48+s16+$0x0] =	vst.idx.add.s32.msk vm1, v33;
	vm1 =	veq.s32 v49, v34  }
.LBB2_6:
0x104: {  	v47 =	vld [tilespmem:s29+$0x20];
	s28 =	sadd.s32 $0x8, s28;
	v42 =	vxor.u32 v35, v42;
	v43 =	vxor.u32 v36, v43;
	v45 =	vand.u32 $0xFFFF, v45  }
0x105: {  	v41 =	vand.u32 $0x7FFFFFFF, v41;
	v35 =	vld [tilespmem:s29+$0xFFFFFFE0];
	p1 =	slt.u32 s28, $0x3F8;
	v36 =	vshra.s32 v42, $0x10;
	v48 =	vshra.s32 v43, $0x10  }
0x106: {  	v39 =	vand.u32 $0xFFFF, v39;
	v37 =	vxor.u32 v37, v41;
	v49 =	vld [tilespmem:s29+$0xFFFFFFC0];
	vm2 =	veq.s32 v36, v34  }
0x107: {  	v38 =	vxor.u32 v38, v44;
	vm4 =	veq.s32 v46, v34;
	v41 =	vshra.s32 v37, $0x10;
	v36 =	vld [tilespmem:s29+$0xFFFFFFF0]  }
0x108: {  	v40 =	vand.u32 $0xFFFF, v40;
	v46 =	vand.u32 $0xFFFF, v38;
	v50 =	vand.u32 $0xFFFF, v42;
	v44 =	vld [tilespmem:s29+$0x30]  }
0x109: {  	vm5 =	veq.s32 v41, v34;
	v41 =	vand.u32 $0xFFFF, v37;
	v51 =	vld [tilespmem:s29+$0x0];
	v42 =	vshra.s32 v47, $0x1F  }
0x10a: {  	v52 =	vshra.s32 v38, $0x10;
	vm3 =	veq.s32 v48, v34;
	v37 =	vld [tilespmem:s29+$0x10];
	v42 =	vand.u32 $0x7FFFFFFF, v42  }
0x10b: {  	vm6 =	veq.s32 v52, v34;
	v38 =	vld [tilespmem:s29+$0xFFFFFFD0];
	v42 =	vxor.u32 v47, v42;
	v47 =	vand.u32 $0xFFFF, v43  }
0x10c: {  	v43 =	vshra.s32 v49, $0x1F;
	v48 =	vshra.s32 v36, $0x1F;
	v52 =	vshra.s32 v42, $0x10;
	[tilespmem:v39+s16+$0x0] =	vst.idx.add.s32.msk vm0, v33  }
0x10d: {  	v53 =	vshra.s32 v35, $0x1F;
	vm7 =	veq.s32 v52, v34;
	v52 =	vshra.s32 v44, $0x1F;
	[tilespmem:v40+s16+$0x0] =	vst.idx.add.s32.msk vm4, v33  }
0x10e: {  	v39 =	vand.u32 $0x7FFFFFFF, v43;
	v54 =	vand.u32 $0xFFFF, v42;
	v40 =	vshra.s32 v51, $0x1F;
	[tilespmem:v45+s16+$0x0] =	vst.idx.add.s32.msk vm1, v33  }
.Ltmp2:
0x10f: {  	v42 =	vand.u32 $0x7FFFFFFF, v53;
	v39 =	vxor.u32 v49, v39;
	v43 =	vand.u32 $0x7FFFFFFF, v48;
	[tilespmem:v41+s16+$0x0] =	vst.idx.add.s32.msk vm5, v33;
	(pc) =	sbr.rel @p1 .LBB2_6-.Ltmp2, $4  }
0x110: {  	v45 =	vshra.s32 v39, $0x10;
	v48 =	vand.u32 $0x7FFFFFFF, v52;
	v41 =	vshra.s32 v37, $0x1F;
	[tilespmem:v50+s16+$0x0] =	vst.idx.add.s32.msk vm2, v33  }
0x111: {  	vm0 =	veq.s32 v45, v34;
	v40 =	vand.u32 $0x7FFFFFFF, v40;
	v45 =	vxor.u32 v44, v48;
	[tilespmem:v46+s16+$0x0] =	vst.idx.add.s32.msk vm6, v33  }
0x112: {  	v44 =	vshra.s32 v38, $0x1F;
	v40 =	vxor.u32 v51, v40;
	v48 =	vshra.s32 v45, $0x10;
	[tilespmem:v47+s16+$0x0] =	vst.idx.add.s32.msk vm3, v33  }
0x113: {  	s29 =	sadd.s32 $0x80, s29;
	v44 =	vand.u32 $0x7FFFFFFF, v44;
	v46 =	vshra.s32 v40, $0x10;
	vm1 =	veq.s32 v48, v34;
	[tilespmem:v54+s16+$0x0] =	vst.idx.add.s32.msk vm7, v33  }
0x114: {  	v35 =	vxor.u32 v35, v42;
	v36 =	vxor.u32 v36, v43;
	v41 =	vand.u32 $0x7FFFFFFF, v41  }
0x115: {  	v39 =	vand.u32 $0xFFFF, v39;
	vm2 =	veq.s32 v46, v34;
	v57 =	vand.u32 $0xFFFF, v45  }
0x116: {  	v40 =	vand.u32 $0xFFFF, v40;
	v38 =	vxor.u32 v38, v44;
	v59 =	vshra.s32 v35, $0x10  }
0x117: {  	v37 =	vxor.u32 v37, v41;
	v60 =	vshra.s32 v38, $0x10;
	vm4 =	veq.s32 v59, v34  }
0x118: {  	v61 =	vshra.s32 v36, $0x10;
	v35 =	vand.u32 $0xFFFF, v35;
	vm5 =	veq.s32 v60, v34  }
0x119: {  	v38 =	vand.u32 $0xFFFF, v38;
	v58 =	vshra.s32 v37, $0x10;
	vm6 =	veq.s32 v61, v34  }
0x11a: {  	v36 =	vand.u32 $0xFFFF, v36;
	vm3 =	veq.s32 v58, v34;
	[tilespmem:v39+s16+$0x0] =	vst.idx.add.s32.msk vm0, v33  }
0x11b: {  	v37 =	vand.u32 $0xFFFF, v37;
	[tilespmem:v57+s16+$0x0] =	vst.idx.add.s32.msk vm1, v33  }
0x11c: {  	[tilespmem:v40+s16+$0x0] =	vst.idx.add.s32.msk vm2, v33  }
0x11d: {  	[tilespmem:v35+s16+$0x0] =	vst.idx.add.s32.msk vm4, v33  }
0x11e: {  	[tilespmem:v38+s16+$0x0] =	vst.idx.add.s32.msk vm5, v33  }
0x11f: {  	[tilespmem:v36+s16+$0x0] =	vst.idx.add.s32.msk vm6, v33  }
0x120: {  	[tilespmem:v37+s16+$0x0] =	vst.idx.add.s32.msk vm3, v33  }
0x121: {  	_ =	swait.ge [sflag:s14], $0x4000  }
0x122: {  	[sflag:s14] =	ssyncset.done $0x0  }
0x123: {  	s28 =	simm.s32 $0x40;
	[sflag:s14] =	ssyncadd.s32 $0xFFFFC000  }
0x124: {  	[tilespmem:s15], [sflag:$0x2] =	stream.linear.gather [hbm4b:s7+s2], $0x4000, $0x38;
	[tilespmem:$0x19280] =	vst v63  }
0x125: {  	v62 =	vld [tilespmem:s28+$0x20]  }
0x126: {  	v35 =	vld [tilespmem:s28+$0xFFFFFFE0]  }
0x127: {  	v63 =	vld [tilespmem:s28+$0xFFFFFFC0]  }
0x128: {  	v36 =	vld [tilespmem:s28+$0xFFFFFFF0]  }
0x129: {  	v52 =	vld [tilespmem:s28+$0x30]  }
0x12a: {  	v53 =	vld [tilespmem:s28+$0x0];
	v54 =	vshra.s32 v62, $0x1F  }
0x12b: {  	v55 =	vand.u32 $0x7FFFFFFF, v54  }
0x12c: {  	v37 =	vld [tilespmem:s28+$0x10];
	v41 =	vxor.u32 v62, v55  }
0x12d: {  	v38 =	vld [tilespmem:s28+$0xFFFFFFD0];
	v56 =	vshra.s32 v63, $0x1F;
	v57 =	vshra.s32 v36, $0x1F;
	v58 =	vshra.s32 v41, $0x10  }
0x12e: {  	v59 =	vshra.s32 v35, $0x1F;
	v60 =	vshra.s32 v52, $0x1F;
	vm1 =	veq.s32 v58, v34  }
0x12f: {  	v47 =	vshra.s32 v53, $0x1F;
	v42 =	vand.u32 $0x7FFFFFFF, v56;
	v48 =	vand.u32 $0xFFFF, v41  }
0x130: {  	v43 =	vand.u32 $0x7FFFFFFF, v57;
	v45 =	vand.u32 $0x7FFFFFFF, v60;
	v39 =	vxor.u32 v63, v42  }
0x131: {  	v42 =	vand.u32 $0x7FFFFFFF, v59;
	v62 =	vand.u32 $0x7FFFFFFF, v47;
	v45 =	vxor.u32 v52, v45  }
0x132: {  	v63 =	vshra.s32 v38, $0x1F;
	v61 =	vshra.s32 v39, $0x10;
	v41 =	vshra.s32 v37, $0x1F  }
0x133: {  	v40 =	vxor.u32 v53, v62;
	v49 =	vshra.s32 v45, $0x10;
	v44 =	vand.u32 $0x7FFFFFFF, v63  }
0x134: {  	s29 =	simm.s32 $0xC0;
	s28 =	simm.s32 $0x0;
	vm0 =	veq.s32 v61, v34;
	v46 =	vshra.s32 v40, $0x10;
	[tilespmem:v48+s16+$0x0] =	vst.idx.add.s32.msk vm1, v33;
	vm1 =	veq.s32 v49, v34  }
.LBB2_8:
0x135: {  	v47 =	vld [tilespmem:s29+$0x20];
	s28 =	sadd.s32 $0x8, s28;
	v42 =	vxor.u32 v35, v42;
	v43 =	vxor.u32 v36, v43;
	v45 =	vand.u32 $0xFFFF, v45  }
0x136: {  	v41 =	vand.u32 $0x7FFFFFFF, v41;
	v35 =	vld [tilespmem:s29+$0xFFFFFFE0];
	p1 =	slt.u32 s28, $0x3F8;
	v36 =	vshra.s32 v42, $0x10;
	v48 =	vshra.s32 v43, $0x10  }
0x137: {  	v39 =	vand.u32 $0xFFFF, v39;
	v37 =	vxor.u32 v37, v41;
	v49 =	vld [tilespmem:s29+$0xFFFFFFC0];
	vm2 =	veq.s32 v36, v34  }
0x138: {  	v38 =	vxor.u32 v38, v44;
	vm4 =	veq.s32 v46, v34;
	v41 =	vshra.s32 v37, $0x10;
	v36 =	vld [tilespmem:s29+$0xFFFFFFF0]  }
0x139: {  	v40 =	vand.u32 $0xFFFF, v40;
	v46 =	vand.u32 $0xFFFF, v38;
	v50 =	vand.u32 $0xFFFF, v42;
	v44 =	vld [tilespmem:s29+$0x30]  }
0x13a: {  	vm5 =	veq.s32 v41, v34;
	v41 =	vand.u32 $0xFFFF, v37;
	v51 =	vld [tilespmem:s29+$0x0];
	v42 =	vshra.s32 v47, $0x1F  }
0x13b: {  	v52 =	vshra.s32 v38, $0x10;
	vm3 =	veq.s32 v48, v34;
	v37 =	vld [tilespmem:s29+$0x10];
	v42 =	vand.u32 $0x7FFFFFFF, v42  }
0x13c: {  	vm6 =	veq.s32 v52, v34;
	v38 =	vld [tilespmem:s29+$0xFFFFFFD0];
	v42 =	vxor.u32 v47, v42;
	v47 =	vand.u32 $0xFFFF, v43  }
0x13d: {  	v43 =	vshra.s32 v49, $0x1F;
	v48 =	vshra.s32 v36, $0x1F;
	v52 =	vshra.s32 v42, $0x10;
	[tilespmem:v39+s16+$0x0] =	vst.idx.add.s32.msk vm0, v33  }
0x13e: {  	v53 =	vshra.s32 v35, $0x1F;
	vm7 =	veq.s32 v52, v34;
	v52 =	vshra.s32 v44, $0x1F;
	[tilespmem:v40+s16+$0x0] =	vst.idx.add.s32.msk vm4, v33  }
0x13f: {  	v39 =	vand.u32 $0x7FFFFFFF, v43;
	v54 =	vand.u32 $0xFFFF, v42;
	v40 =	vshra.s32 v51, $0x1F;
	[tilespmem:v45+s16+$0x0] =	vst.idx.add.s32.msk vm1, v33  }
.Ltmp3:
0x140: {  	v42 =	vand.u32 $0x7FFFFFFF, v53;
	v39 =	vxor.u32 v49, v39;
	v43 =	vand.u32 $0x7FFFFFFF, v48;
	[tilespmem:v41+s16+$0x0] =	vst.idx.add.s32.msk vm5, v33;
	(pc) =	sbr.rel @p1 .LBB2_8-.Ltmp3, $4  }
0x141: {  	v45 =	vshra.s32 v39, $0x10;
	v48 =	vand.u32 $0x7FFFFFFF, v52;
	v41 =	vshra.s32 v37, $0x1F;
	[tilespmem:v50+s16+$0x0] =	vst.idx.add.s32.msk vm2, v33  }
0x142: {  	vm0 =	veq.s32 v45, v34;
	v40 =	vand.u32 $0x7FFFFFFF, v40;
	v45 =	vxor.u32 v44, v48;
	[tilespmem:v46+s16+$0x0] =	vst.idx.add.s32.msk vm6, v33  }
0x143: {  	v44 =	vshra.s32 v38, $0x1F;
	v40 =	vxor.u32 v51, v40;
	v48 =	vshra.s32 v45, $0x10;
	[tilespmem:v47+s16+$0x0] =	vst.idx.add.s32.msk vm3, v33  }
0x144: {  	s29 =	sadd.s32 $0x80, s29;
	v44 =	vand.u32 $0x7FFFFFFF, v44;
	v46 =	vshra.s32 v40, $0x10;
	vm1 =	veq.s32 v48, v34;
	[tilespmem:v54+s16+$0x0] =	vst.idx.add.s32.msk vm7, v33  }
0x145: {  	v35 =	vxor.u32 v35, v42;
	v36 =	vxor.u32 v36, v43;
	v41 =	vand.u32 $0x7FFFFFFF, v41  }
0x146: {  	v39 =	vand.u32 $0xFFFF, v39;
	vm2 =	veq.s32 v46, v34;
	v57 =	vand.u32 $0xFFFF, v45  }
0x147: {  	v40 =	vand.u32 $0xFFFF, v40;
	v38 =	vxor.u32 v38, v44;
	v59 =	vshra.s32 v35, $0x10  }
0x148: {  	v37 =	vxor.u32 v37, v41;
	v60 =	vshra.s32 v38, $0x10;
	vm4 =	veq.s32 v59, v34  }
0x149: {  	v61 =	vshra.s32 v36, $0x10;
	v35 =	vand.u32 $0xFFFF, v35;
	vm5 =	veq.s32 v60, v34  }
0x14a: {  	v38 =	vand.u32 $0xFFFF, v38;
	v58 =	vshra.s32 v37, $0x10;
	vm6 =	veq.s32 v61, v34  }
0x14b: {  	v36 =	vand.u32 $0xFFFF, v36;
	vm3 =	veq.s32 v58, v34;
	[tilespmem:v39+s16+$0x0] =	vst.idx.add.s32.msk vm0, v33  }
0x14c: {  	v37 =	vand.u32 $0xFFFF, v37;
	[tilespmem:v57+s16+$0x0] =	vst.idx.add.s32.msk vm1, v33  }
0x14d: {  	[tilespmem:v40+s16+$0x0] =	vst.idx.add.s32.msk vm2, v33  }
0x14e: {  	[tilespmem:v35+s16+$0x0] =	vst.idx.add.s32.msk vm4, v33  }
0x14f: {  	[tilespmem:v38+s16+$0x0] =	vst.idx.add.s32.msk vm5, v33  }
0x150: {  	[tilespmem:v36+s16+$0x0] =	vst.idx.add.s32.msk vm6, v33  }
0x151: {  	[tilespmem:v37+s16+$0x0] =	vst.idx.add.s32.msk vm3, v33  }
0x152: {  	_ =	swait.ge [sflag:s17], $0x4000  }
0x153: {  	[sflag:s17] =	ssyncset.done $0x0  }
0x154: {  	s28 =	simm.s32 $0x4040;
	[sflag:s17] =	ssyncadd.s32 $0xFFFFC000  }
0x155: {  	[tilespmem:s2], [sflag:$0x1] =	stream.linear.gather [hbm4b:s8+s2], $0x4000, $0x38;
	[tilespmem:$0x19280] =	vst v63  }
0x156: {  	v62 =	vld [tilespmem:s28+$0x20]  }
0x157: {  	v35 =	vld [tilespmem:s28+$0xFFFFFFE0]  }
0x158: {  	v63 =	vld [tilespmem:s28+$0xFFFFFFC0]  }
0x159: {  	v36 =	vld [tilespmem:s28+$0xFFFFFFF0]  }
0x15a: {  	v52 =	vld [tilespmem:s28+$0x30]  }
0x15b: {  	v53 =	vld [tilespmem:s28+$0x0];
	v54 =	vshra.s32 v62, $0x1F  }
0x15c: {  	v55 =	vand.u32 $0x7FFFFFFF, v54  }
0x15d: {  	v37 =	vld [tilespmem:s28+$0x10];
	v41 =	vxor.u32 v62, v55  }
0x15e: {  	v38 =	vld [tilespmem:s28+$0xFFFFFFD0];
	v56 =	vshra.s32 v63, $0x1F;
	v57 =	vshra.s32 v36, $0x1F;
	v58 =	vshra.s32 v41, $0x10  }
0x15f: {  	v59 =	vshra.s32 v35, $0x1F;
	v60 =	vshra.s32 v52, $0x1F;
	vm1 =	veq.s32 v58, v34  }
0x160: {  	v47 =	vshra.s32 v53, $0x1F;
	v42 =	vand.u32 $0x7FFFFFFF, v56;
	v48 =	vand.u32 $0xFFFF, v41  }
0x161: {  	v43 =	vand.u32 $0x7FFFFFFF, v57;
	v45 =	vand.u32 $0x7FFFFFFF, v60;
	v39 =	vxor.u32 v63, v42  }
0x162: {  	v42 =	vand.u32 $0x7FFFFFFF, v59;
	v62 =	vand.u32 $0x7FFFFFFF, v47;
	v45 =	vxor.u32 v52, v45  }
0x163: {  	v63 =	vshra.s32 v38, $0x1F;
	v61 =	vshra.s32 v39, $0x10;
	v41 =	vshra.s32 v37, $0x1F  }
0x164: {  	v40 =	vxor.u32 v53, v62;
	v49 =	vshra.s32 v45, $0x10;
	v44 =	vand.u32 $0x7FFFFFFF, v63  }
0x165: {  	s29 =	simm.s32 $0x40C0;
	s28 =	simm.s32 $0x0;
	vm0 =	veq.s32 v61, v34;
	v46 =	vshra.s32 v40, $0x10;
	[tilespmem:v48+s16+$0x0] =	vst.idx.add.s32.msk vm1, v33;
	vm1 =	veq.s32 v49, v34  }
.LBB2_10:
0x166: {  	v47 =	vld [tilespmem:s29+$0x20];
	s28 =	sadd.s32 $0x8, s28;
	v42 =	vxor.u32 v35, v42;
	v43 =	vxor.u32 v36, v43;
	v45 =	vand.u32 $0xFFFF, v45  }
0x167: {  	v41 =	vand.u32 $0x7FFFFFFF, v41;
	v35 =	vld [tilespmem:s29+$0xFFFFFFE0];
	p1 =	slt.u32 s28, $0x3F8;
	v36 =	vshra.s32 v42, $0x10;
	v48 =	vshra.s32 v43, $0x10  }
0x168: {  	v39 =	vand.u32 $0xFFFF, v39;
	v37 =	vxor.u32 v37, v41;
	v49 =	vld [tilespmem:s29+$0xFFFFFFC0];
	vm2 =	veq.s32 v36, v34  }
0x169: {  	v38 =	vxor.u32 v38, v44;
	vm4 =	veq.s32 v46, v34;
	v41 =	vshra.s32 v37, $0x10;
	v36 =	vld [tilespmem:s29+$0xFFFFFFF0]  }
0x16a: {  	v40 =	vand.u32 $0xFFFF, v40;
	v46 =	vand.u32 $0xFFFF, v38;
	v50 =	vand.u32 $0xFFFF, v42;
	v44 =	vld [tilespmem:s29+$0x30]  }
0x16b: {  	vm5 =	veq.s32 v41, v34;
	v41 =	vand.u32 $0xFFFF, v37;
	v51 =	vld [tilespmem:s29+$0x0];
	v42 =	vshra.s32 v47, $0x1F  }
0x16c: {  	v52 =	vshra.s32 v38, $0x10;
	vm3 =	veq.s32 v48, v34;
	v37 =	vld [tilespmem:s29+$0x10];
	v42 =	vand.u32 $0x7FFFFFFF, v42  }
0x16d: {  	vm6 =	veq.s32 v52, v34;
	v38 =	vld [tilespmem:s29+$0xFFFFFFD0];
	v42 =	vxor.u32 v47, v42;
	v47 =	vand.u32 $0xFFFF, v43  }
0x16e: {  	v43 =	vshra.s32 v49, $0x1F;
	v48 =	vshra.s32 v36, $0x1F;
	v52 =	vshra.s32 v42, $0x10;
	[tilespmem:v39+s16+$0x0] =	vst.idx.add.s32.msk vm0, v33  }
0x16f: {  	v53 =	vshra.s32 v35, $0x1F;
	vm7 =	veq.s32 v52, v34;
	v52 =	vshra.s32 v44, $0x1F;
	[tilespmem:v40+s16+$0x0] =	vst.idx.add.s32.msk vm4, v33  }
0x170: {  	v39 =	vand.u32 $0x7FFFFFFF, v43;
	v54 =	vand.u32 $0xFFFF, v42;
	v40 =	vshra.s32 v51, $0x1F;
	[tilespmem:v45+s16+$0x0] =	vst.idx.add.s32.msk vm1, v33  }
.Ltmp4:
0x171: {  	v42 =	vand.u32 $0x7FFFFFFF, v53;
	v39 =	vxor.u32 v49, v39;
	v43 =	vand.u32 $0x7FFFFFFF, v48;
	[tilespmem:v41+s16+$0x0] =	vst.idx.add.s32.msk vm5, v33;
	(pc) =	sbr.rel @p1 .LBB2_10-.Ltmp4, $4  }
0x172: {  	v45 =	vshra.s32 v39, $0x10;
	v48 =	vand.u32 $0x7FFFFFFF, v52;
	v41 =	vshra.s32 v37, $0x1F;
	[tilespmem:v50+s16+$0x0] =	vst.idx.add.s32.msk vm2, v33  }
0x173: {  	vm0 =	veq.s32 v45, v34;
	v40 =	vand.u32 $0x7FFFFFFF, v40;
	v45 =	vxor.u32 v44, v48;
	[tilespmem:v46+s16+$0x0] =	vst.idx.add.s32.msk vm6, v33  }
0x174: {  	v44 =	vshra.s32 v38, $0x1F;
	v40 =	vxor.u32 v51, v40;
	v48 =	vshra.s32 v45, $0x10;
	[tilespmem:v47+s16+$0x0] =	vst.idx.add.s32.msk vm3, v33  }
0x175: {  	s29 =	sadd.s32 $0x80, s29;
	v44 =	vand.u32 $0x7FFFFFFF, v44;
	v46 =	vshra.s32 v40, $0x10;
	vm1 =	veq.s32 v48, v34;
	[tilespmem:v54+s16+$0x0] =	vst.idx.add.s32.msk vm7, v33  }
0x176: {  	v35 =	vxor.u32 v35, v42;
	v36 =	vxor.u32 v36, v43;
	v41 =	vand.u32 $0x7FFFFFFF, v41  }
0x177: {  	v39 =	vand.u32 $0xFFFF, v39;
	vm2 =	veq.s32 v46, v34;
	v57 =	vand.u32 $0xFFFF, v45  }
0x178: {  	v40 =	vand.u32 $0xFFFF, v40;
	v38 =	vxor.u32 v38, v44;
	v59 =	vshra.s32 v35, $0x10  }
0x179: {  	v37 =	vxor.u32 v37, v41;
	v60 =	vshra.s32 v38, $0x10;
	vm4 =	veq.s32 v59, v34  }
0x17a: {  	v61 =	vshra.s32 v36, $0x10;
	v35 =	vand.u32 $0xFFFF, v35;
	vm5 =	veq.s32 v60, v34  }
0x17b: {  	v38 =	vand.u32 $0xFFFF, v38;
	v58 =	vshra.s32 v37, $0x10;
	vm6 =	veq.s32 v61, v34  }
0x17c: {  	v36 =	vand.u32 $0xFFFF, v36;
	vm3 =	veq.s32 v58, v34;
	[tilespmem:v39+s16+$0x0] =	vst.idx.add.s32.msk vm0, v33  }
0x17d: {  	v37 =	vand.u32 $0xFFFF, v37;
	[tilespmem:v57+s16+$0x0] =	vst.idx.add.s32.msk vm1, v33  }
0x17e: {  	[tilespmem:v40+s16+$0x0] =	vst.idx.add.s32.msk vm2, v33  }
0x17f: {  	[tilespmem:v35+s16+$0x0] =	vst.idx.add.s32.msk vm4, v33  }
0x180: {  	[tilespmem:v38+s16+$0x0] =	vst.idx.add.s32.msk vm5, v33  }
0x181: {  	[tilespmem:v36+s16+$0x0] =	vst.idx.add.s32.msk vm6, v33  }
0x182: {  	[tilespmem:v37+s16+$0x0] =	vst.idx.add.s32.msk vm3, v33  }
0x183: {  	_ =	swait.ge [sflag:s14], $0x4000  }
0x184: {  	[sflag:s14] =	ssyncset.done $0x0  }
0x185: {  	s28 =	simm.s32 $0x40;
	[sflag:s14] =	ssyncadd.s32 $0xFFFFC000  }
0x186: {  	[tilespmem:s15], [sflag:$0x2] =	stream.linear.gather [hbm4b:s9+s2], $0x4000, $0x38;
	[tilespmem:$0x19280] =	vst v63  }
0x187: {  	v62 =	vld [tilespmem:s28+$0x20]  }
0x188: {  	v35 =	vld [tilespmem:s28+$0xFFFFFFE0]  }
0x189: {  	v63 =	vld [tilespmem:s28+$0xFFFFFFC0]  }
0x18a: {  	v36 =	vld [tilespmem:s28+$0xFFFFFFF0]  }
0x18b: {  	v52 =	vld [tilespmem:s28+$0x30]  }
0x18c: {  	v53 =	vld [tilespmem:s28+$0x0];
	v54 =	vshra.s32 v62, $0x1F  }
0x18d: {  	v55 =	vand.u32 $0x7FFFFFFF, v54  }
0x18e: {  	v37 =	vld [tilespmem:s28+$0x10];
	v41 =	vxor.u32 v62, v55  }
0x18f: {  	v38 =	vld [tilespmem:s28+$0xFFFFFFD0];
	v56 =	vshra.s32 v63, $0x1F;
	v57 =	vshra.s32 v36, $0x1F;
	v58 =	vshra.s32 v41, $0x10  }
0x190: {  	v59 =	vshra.s32 v35, $0x1F;
	v60 =	vshra.s32 v52, $0x1F;
	vm1 =	veq.s32 v58, v34  }
0x191: {  	v47 =	vshra.s32 v53, $0x1F;
	v42 =	vand.u32 $0x7FFFFFFF, v56;
	v48 =	vand.u32 $0xFFFF, v41  }
0x192: {  	v43 =	vand.u32 $0x7FFFFFFF, v57;
	v45 =	vand.u32 $0x7FFFFFFF, v60;
	v39 =	vxor.u32 v63, v42  }
0x193: {  	v42 =	vand.u32 $0x7FFFFFFF, v59;
	v62 =	vand.u32 $0x7FFFFFFF, v47;
	v45 =	vxor.u32 v52, v45  }
0x194: {  	v63 =	vshra.s32 v38, $0x1F;
	v61 =	vshra.s32 v39, $0x10;
	v41 =	vshra.s32 v37, $0x1F  }
0x195: {  	v40 =	vxor.u32 v53, v62;
	v49 =	vshra.s32 v45, $0x10;
	v44 =	vand.u32 $0x7FFFFFFF, v63  }
0x196: {  	s29 =	simm.s32 $0xC0;
	s28 =	simm.s32 $0x0;
	vm0 =	veq.s32 v61, v34;
	v46 =	vshra.s32 v40, $0x10;
	[tilespmem:v48+s16+$0x0] =	vst.idx.add.s32.msk vm1, v33;
	vm1 =	veq.s32 v49, v34  }
.LBB2_12:
0x197: {  	v47 =	vld [tilespmem:s29+$0x20];
	s28 =	sadd.s32 $0x8, s28;
	v42 =	vxor.u32 v35, v42;
	v43 =	vxor.u32 v36, v43;
	v45 =	vand.u32 $0xFFFF, v45  }
0x198: {  	v41 =	vand.u32 $0x7FFFFFFF, v41;
	v35 =	vld [tilespmem:s29+$0xFFFFFFE0];
	p1 =	slt.u32 s28, $0x3F8;
	v36 =	vshra.s32 v42, $0x10;
	v48 =	vshra.s32 v43, $0x10  }
0x199: {  	v39 =	vand.u32 $0xFFFF, v39;
	v37 =	vxor.u32 v37, v41;
	v49 =	vld [tilespmem:s29+$0xFFFFFFC0];
	vm2 =	veq.s32 v36, v34  }
0x19a: {  	v38 =	vxor.u32 v38, v44;
	vm4 =	veq.s32 v46, v34;
	v41 =	vshra.s32 v37, $0x10;
	v36 =	vld [tilespmem:s29+$0xFFFFFFF0]  }
0x19b: {  	v40 =	vand.u32 $0xFFFF, v40;
	v46 =	vand.u32 $0xFFFF, v38;
	v50 =	vand.u32 $0xFFFF, v42;
	v44 =	vld [tilespmem:s29+$0x30]  }
0x19c: {  	vm5 =	veq.s32 v41, v34;
	v41 =	vand.u32 $0xFFFF, v37;
	v51 =	vld [tilespmem:s29+$0x0];
	v42 =	vshra.s32 v47, $0x1F  }
0x19d: {  	v52 =	vshra.s32 v38, $0x10;
	vm3 =	veq.s32 v48, v34;
	v37 =	vld [tilespmem:s29+$0x10];
	v42 =	vand.u32 $0x7FFFFFFF, v42  }
0x19e: {  	vm6 =	veq.s32 v52, v34;
	v38 =	vld [tilespmem:s29+$0xFFFFFFD0];
	v42 =	vxor.u32 v47, v42;
	v47 =	vand.u32 $0xFFFF, v43  }
0x19f: {  	v43 =	vshra.s32 v49, $0x1F;
	v48 =	vshra.s32 v36, $0x1F;
	v52 =	vshra.s32 v42, $0x10;
	[tilespmem:v39+s16+$0x0] =	vst.idx.add.s32.msk vm0, v33  }
0x1a0: {  	v53 =	vshra.s32 v35, $0x1F;
	vm7 =	veq.s32 v52, v34;
	v52 =	vshra.s32 v44, $0x1F;
	[tilespmem:v40+s16+$0x0] =	vst.idx.add.s32.msk vm4, v33  }
0x1a1: {  	v39 =	vand.u32 $0x7FFFFFFF, v43;
	v54 =	vand.u32 $0xFFFF, v42;
	v40 =	vshra.s32 v51, $0x1F;
	[tilespmem:v45+s16+$0x0] =	vst.idx.add.s32.msk vm1, v33  }
.Ltmp5:
0x1a2: {  	v42 =	vand.u32 $0x7FFFFFFF, v53;
	v39 =	vxor.u32 v49, v39;
	v43 =	vand.u32 $0x7FFFFFFF, v48;
	[tilespmem:v41+s16+$0x0] =	vst.idx.add.s32.msk vm5, v33;
	(pc) =	sbr.rel @p1 .LBB2_12-.Ltmp5, $4  }
0x1a3: {  	v45 =	vshra.s32 v39, $0x10;
	v48 =	vand.u32 $0x7FFFFFFF, v52;
	v41 =	vshra.s32 v37, $0x1F;
	[tilespmem:v50+s16+$0x0] =	vst.idx.add.s32.msk vm2, v33  }
0x1a4: {  	vm0 =	veq.s32 v45, v34;
	v40 =	vand.u32 $0x7FFFFFFF, v40;
	v45 =	vxor.u32 v44, v48;
	[tilespmem:v46+s16+$0x0] =	vst.idx.add.s32.msk vm6, v33  }
0x1a5: {  	v44 =	vshra.s32 v38, $0x1F;
	v40 =	vxor.u32 v51, v40;
	v48 =	vshra.s32 v45, $0x10;
	[tilespmem:v47+s16+$0x0] =	vst.idx.add.s32.msk vm3, v33  }
0x1a6: {  	s29 =	sadd.s32 $0x80, s29;
	v44 =	vand.u32 $0x7FFFFFFF, v44;
	v46 =	vshra.s32 v40, $0x10;
	vm1 =	veq.s32 v48, v34;
	[tilespmem:v54+s16+$0x0] =	vst.idx.add.s32.msk vm7, v33  }
0x1a7: {  	v35 =	vxor.u32 v35, v42;
	v36 =	vxor.u32 v36, v43;
	v41 =	vand.u32 $0x7FFFFFFF, v41  }
0x1a8: {  	v39 =	vand.u32 $0xFFFF, v39;
	vm2 =	veq.s32 v46, v34;
	v57 =	vand.u32 $0xFFFF, v45  }
0x1a9: {  	v40 =	vand.u32 $0xFFFF, v40;
	v38 =	vxor.u32 v38, v44;
	v59 =	vshra.s32 v35, $0x10  }
0x1aa: {  	v37 =	vxor.u32 v37, v41;
	v60 =	vshra.s32 v38, $0x10;
	vm4 =	veq.s32 v59, v34  }
0x1ab: {  	v61 =	vshra.s32 v36, $0x10;
	v35 =	vand.u32 $0xFFFF, v35;
	vm5 =	veq.s32 v60, v34  }
0x1ac: {  	v38 =	vand.u32 $0xFFFF, v38;
	v58 =	vshra.s32 v37, $0x10;
	vm6 =	veq.s32 v61, v34  }
0x1ad: {  	v36 =	vand.u32 $0xFFFF, v36;
	vm3 =	veq.s32 v58, v34;
	[tilespmem:v39+s16+$0x0] =	vst.idx.add.s32.msk vm0, v33  }
0x1ae: {  	v37 =	vand.u32 $0xFFFF, v37;
	[tilespmem:v57+s16+$0x0] =	vst.idx.add.s32.msk vm1, v33  }
0x1af: {  	[tilespmem:v40+s16+$0x0] =	vst.idx.add.s32.msk vm2, v33  }
0x1b0: {  	[tilespmem:v35+s16+$0x0] =	vst.idx.add.s32.msk vm4, v33  }
0x1b1: {  	[tilespmem:v38+s16+$0x0] =	vst.idx.add.s32.msk vm5, v33  }
0x1b2: {  	[tilespmem:v36+s16+$0x0] =	vst.idx.add.s32.msk vm6, v33  }
0x1b3: {  	[tilespmem:v37+s16+$0x0] =	vst.idx.add.s32.msk vm3, v33  }
0x1b4: {  	_ =	swait.ge [sflag:s17], $0x4000  }
0x1b5: {  	[sflag:s17] =	ssyncset.done $0x0  }
0x1b6: {  	s28 =	simm.s32 $0x4040;
	[sflag:s17] =	ssyncadd.s32 $0xFFFFC000  }
0x1b7: {  	v62 =	vld [tilespmem:s28+$0x20]  }
0x1b8: {  	v35 =	vld [tilespmem:s28+$0xFFFFFFE0]  }
0x1b9: {  	v63 =	vld [tilespmem:s28+$0xFFFFFFC0]  }
0x1ba: {  	v36 =	vld [tilespmem:s28+$0xFFFFFFF0]  }
0x1bb: {  	v52 =	vld [tilespmem:s28+$0x30]  }
0x1bc: {  	v53 =	vld [tilespmem:s28+$0x0];
	v54 =	vshra.s32 v62, $0x1F  }
0x1bd: {  	v55 =	vand.u32 $0x7FFFFFFF, v54  }
0x1be: {  	v37 =	vld [tilespmem:s28+$0x10];
	v41 =	vxor.u32 v62, v55  }
0x1bf: {  	v38 =	vld [tilespmem:s28+$0xFFFFFFD0];
	v56 =	vshra.s32 v63, $0x1F;
	v57 =	vshra.s32 v36, $0x1F;
	v58 =	vshra.s32 v41, $0x10  }
0x1c0: {  	v59 =	vshra.s32 v35, $0x1F;
	v60 =	vshra.s32 v52, $0x1F;
	vm1 =	veq.s32 v58, v34  }
0x1c1: {  	v47 =	vshra.s32 v53, $0x1F;
	v42 =	vand.u32 $0x7FFFFFFF, v56;
	v48 =	vand.u32 $0xFFFF, v41  }
0x1c2: {  	v43 =	vand.u32 $0x7FFFFFFF, v57;
	v45 =	vand.u32 $0x7FFFFFFF, v60;
	v39 =	vxor.u32 v63, v42  }
0x1c3: {  	v42 =	vand.u32 $0x7FFFFFFF, v59;
	v62 =	vand.u32 $0x7FFFFFFF, v47;
	v45 =	vxor.u32 v52, v45  }
0x1c4: {  	v63 =	vshra.s32 v38, $0x1F;
	v61 =	vshra.s32 v39, $0x10;
	v41 =	vshra.s32 v37, $0x1F  }
0x1c5: {  	v40 =	vxor.u32 v53, v62;
	v49 =	vshra.s32 v45, $0x10;
	v44 =	vand.u32 $0x7FFFFFFF, v63  }
0x1c6: {  	s29 =	simm.s32 $0x40C0;
	s28 =	simm.s32 $0x0;
	vm0 =	veq.s32 v61, v34;
	v46 =	vshra.s32 v40, $0x10;
	[tilespmem:v48+s16+$0x0] =	vst.idx.add.s32.msk vm1, v33;
	vm1 =	veq.s32 v49, v34  }
.LBB2_14:
0x1c7: {  	v47 =	vld [tilespmem:s29+$0x20];
	s28 =	sadd.s32 $0x8, s28;
	v42 =	vxor.u32 v35, v42;
	v43 =	vxor.u32 v36, v43;
	v45 =	vand.u32 $0xFFFF, v45  }
0x1c8: {  	v41 =	vand.u32 $0x7FFFFFFF, v41;
	v35 =	vld [tilespmem:s29+$0xFFFFFFE0];
	p1 =	slt.u32 s28, $0x3F8;
	v36 =	vshra.s32 v42, $0x10;
	v48 =	vshra.s32 v43, $0x10  }
0x1c9: {  	v39 =	vand.u32 $0xFFFF, v39;
	v37 =	vxor.u32 v37, v41;
	v49 =	vld [tilespmem:s29+$0xFFFFFFC0];
	vm2 =	veq.s32 v36, v34  }
0x1ca: {  	v38 =	vxor.u32 v38, v44;
	vm4 =	veq.s32 v46, v34;
	v41 =	vshra.s32 v37, $0x10;
	v36 =	vld [tilespmem:s29+$0xFFFFFFF0]  }
0x1cb: {  	v40 =	vand.u32 $0xFFFF, v40;
	v46 =	vand.u32 $0xFFFF, v38;
	v50 =	vand.u32 $0xFFFF, v42;
	v44 =	vld [tilespmem:s29+$0x30]  }
0x1cc: {  	vm5 =	veq.s32 v41, v34;
	v41 =	vand.u32 $0xFFFF, v37;
	v51 =	vld [tilespmem:s29+$0x0];
	v42 =	vshra.s32 v47, $0x1F  }
0x1cd: {  	v52 =	vshra.s32 v38, $0x10;
	vm3 =	veq.s32 v48, v34;
	v37 =	vld [tilespmem:s29+$0x10];
	v42 =	vand.u32 $0x7FFFFFFF, v42  }
0x1ce: {  	vm6 =	veq.s32 v52, v34;
	v38 =	vld [tilespmem:s29+$0xFFFFFFD0];
	v42 =	vxor.u32 v47, v42;
	v47 =	vand.u32 $0xFFFF, v43  }
0x1cf: {  	v43 =	vshra.s32 v49, $0x1F;
	v48 =	vshra.s32 v36, $0x1F;
	v52 =	vshra.s32 v42, $0x10;
	[tilespmem:v39+s16+$0x0] =	vst.idx.add.s32.msk vm0, v33  }
0x1d0: {  	v53 =	vshra.s32 v35, $0x1F;
	vm7 =	veq.s32 v52, v34;
	v52 =	vshra.s32 v44, $0x1F;
	[tilespmem:v40+s16+$0x0] =	vst.idx.add.s32.msk vm4, v33  }
0x1d1: {  	v39 =	vand.u32 $0x7FFFFFFF, v43;
	v54 =	vand.u32 $0xFFFF, v42;
	v40 =	vshra.s32 v51, $0x1F;
	[tilespmem:v45+s16+$0x0] =	vst.idx.add.s32.msk vm1, v33  }
.Ltmp6:
0x1d2: {  	v42 =	vand.u32 $0x7FFFFFFF, v53;
	v39 =	vxor.u32 v49, v39;
	v43 =	vand.u32 $0x7FFFFFFF, v48;
	[tilespmem:v41+s16+$0x0] =	vst.idx.add.s32.msk vm5, v33;
	(pc) =	sbr.rel @p1 .LBB2_14-.Ltmp6, $4  }
0x1d3: {  	v45 =	vshra.s32 v39, $0x10;
	v48 =	vand.u32 $0x7FFFFFFF, v52;
	v41 =	vshra.s32 v37, $0x1F;
	[tilespmem:v50+s16+$0x0] =	vst.idx.add.s32.msk vm2, v33  }
0x1d4: {  	vm0 =	veq.s32 v45, v34;
	v40 =	vand.u32 $0x7FFFFFFF, v40;
	v45 =	vxor.u32 v44, v48;
	[tilespmem:v46+s16+$0x0] =	vst.idx.add.s32.msk vm6, v33  }
0x1d5: {  	v44 =	vshra.s32 v38, $0x1F;
	v40 =	vxor.u32 v51, v40;
	v48 =	vshra.s32 v45, $0x10;
	[tilespmem:v47+s16+$0x0] =	vst.idx.add.s32.msk vm3, v33  }
0x1d6: {  	s29 =	sadd.s32 $0x80, s29;
	v44 =	vand.u32 $0x7FFFFFFF, v44;
	v46 =	vshra.s32 v40, $0x10;
	vm1 =	veq.s32 v48, v34;
	[tilespmem:v54+s16+$0x0] =	vst.idx.add.s32.msk vm7, v33  }
0x1d7: {  	v35 =	vxor.u32 v35, v42;
	v36 =	vxor.u32 v36, v43;
	v41 =	vand.u32 $0x7FFFFFFF, v41  }
0x1d8: {  	v39 =	vand.u32 $0xFFFF, v39;
	vm2 =	veq.s32 v46, v34;
	v58 =	vand.u32 $0xFFFF, v45  }
0x1d9: {  	v40 =	vand.u32 $0xFFFF, v40;
	v38 =	vxor.u32 v38, v44;
	v60 =	vshra.s32 v35, $0x10  }
0x1da: {  	v37 =	vxor.u32 v37, v41;
	v61 =	vshra.s32 v38, $0x10;
	vm4 =	veq.s32 v60, v34  }
0x1db: {  	v62 =	vshra.s32 v36, $0x10;
	v35 =	vand.u32 $0xFFFF, v35;
	vm5 =	veq.s32 v61, v34  }
0x1dc: {  	v38 =	vand.u32 $0xFFFF, v38;
	v59 =	vshra.s32 v37, $0x10;
	vm6 =	veq.s32 v62, v34  }
0x1dd: {  	v63 =	vand.u32 $0xFFFF, v36;
	vm3 =	veq.s32 v59, v34;
	[tilespmem:v39+s16+$0x0] =	vst.idx.add.s32.msk vm0, v33  }
0x1de: {  	v37 =	vand.u32 $0xFFFF, v37;
	[tilespmem:v58+s16+$0x0] =	vst.idx.add.s32.msk vm1, v33  }
0x1df: {  	[tilespmem:v40+s16+$0x0] =	vst.idx.add.s32.msk vm2, v33  }
0x1e0: {  	[tilespmem:v35+s16+$0x0] =	vst.idx.add.s32.msk vm4, v33  }
0x1e1: {  	[tilespmem:v38+s16+$0x0] =	vst.idx.add.s32.msk vm5, v33  }
0x1e2: {  	[tilespmem:v63+s16+$0x0] =	vst.idx.add.s32.msk vm6, v33  }
0x1e3: {  	[tilespmem:v37+s16+$0x0] =	vst.idx.add.s32.msk vm3, v33  }
0x1e4: {  	[bflag:$0x0] =	sbarrier.arrive $0xFFFF  }
0x1e5: {  	[spmem:s1] =	stream.indirect.scatter.add.s32 [tilespmem:s16], [sflag:$0x3], $0x80, s19, s18, $0xb8;
	[tilespmem:$0x19280] =	vst v63  }
0x1e6: {  	_ =	swait.ge [sflag:s13], $0x4000  }
0x1e7: {  	[sflag:s13] =	ssyncset.done $0x0  }
0x1e8: {  	[sflag:s13] =	ssyncadd.s32 $0xFFFFC000  }
0x1e9: {  	[spmem:s1] =	stream.indirect.scatter.add.s32 [tilespmem:s21], [sflag:$0x3], $0x80, s20, s18, $0xb8;
	[tilespmem:$0x19280] =	vst v63  }
0x1ea: {  	_ =	swait.ge [sflag:s13], $0x4000  }
0x1eb: {  	[sflag:s13] =	ssyncset.done $0x0  }
0x1ec: {  	[sflag:s13] =	ssyncadd.s32 $0xFFFFC000  }
0x1ed: {  	[spmem:s1] =	stream.indirect.scatter.add.s32 [tilespmem:s23], [sflag:$0x3], $0x80, s22, s18, $0xb8;
	[tilespmem:$0x19280] =	vst v63  }
0x1ee: {  	_ =	swait.ge [sflag:s13], $0x4000  }
0x1ef: {  	[sflag:s13] =	ssyncset.done $0x0  }
0x1f0: {  	[sflag:s13] =	ssyncadd.s32 $0xFFFFC000  }
0x1f1: {  	[spmem:s1] =	stream.indirect.scatter.add.s32 [tilespmem:s25], [sflag:$0x3], $0x80, s24, s18, $0xb8;
	[tilespmem:$0x19280] =	vst v63  }
0x1f2: {  	_ =	swait.ge [sflag:s13], $0x4000  }
0x1f3: {  	[sflag:s13] =	ssyncset.done $0x0  }
0x1f4: {  	s28 =	sshrl.u32 @!p0 s1, $0x3;
	s26 =	sadd.s32 $0x1, s26;
	[sflag:s13] =	ssyncadd.s32 $0xFFFFC000  }
0x1f5: {  	s29 =	simm.s32 @!p0 $0x1C03;
	p1 =	sne.s32 s26, s11;
	[bflag:$0x0] =	sbarrier.arrive $0xFFFF  }
0x1f6: {  	[hbm:s10], [sflag:s29] =	dma.local @!p0 [spmem:s28], $0x2000  }
.Ltmp7:
0x1f7: {  	_ = 	snop;
	(pc) =	sbr.rel @p1 .LBB2_1-.Ltmp7, $4  }
0x1f8: {  	s28 =	simm.s32 @!p0 $0x3  }
0x1f9: {  	_ =	swait.ge @!p0 [sflag:s28], $0x2000  }
0x1fa: {  	[sflag:s28] =	ssyncset.done @!p0 $0x0  }
0x1fb: {  	[sflag:s28] =	ssyncadd.s32 @!p0 $0xFFFFE000  }
0x1fc: {  	_ =	sfence.sel $0x180000  }
0x1fd: {  	[bflag:$0x0] =	sbarrier.arrive $0xFFFF  }
0x1fe: {  	_ =	strace $0x9000004A  }
0x1ff: {  	s0 =	sadd.s32 @!p0 $0x100000, s0;
	[bflag:$0x2] =	sbarrier.arrive $0xFFFF  }
0x200: {  	[sflag:s0] =	ssyncadd.tile.s32 @!p0 $0x1;
	_ =	shalt  }
.Lfunc_end2:
_tile_overlayer_lowered:
.L_overlay_start_2:
0x201: {  	(tag) =	ssettag $0x2  }
0x202: {  	s0 =	rddreg [dreg:$0x0];
	s2 =	stileid.u32  }
0x203: {  	s1 =	rddreg [dreg:$0x1];
	p0 =	sne.s32 s2, $0x0  }
0x204: {  	s3 =	rddreg [dreg:$0x2];
	[bflag:$0x3] =	sbarrier.arrive $0xFFFF;
	s2 =	simm.s32 @!p0 $0x1C03  }
0x205: {  	[timem:s3], [sflag:s2] =	dma.local @!p0 [hbm:s0], s1  }
0x206: {  	s0 =	simm.s32 @!p0 $0x3  }
0x207: {  	_ =	swait.ge @!p0 [sflag:s0], s1  }
0x208: {  	s1 =	ssub.s32 @!p0 $0x0, s1;
	[sflag:s0] =	ssyncset.done @!p0 $0x0  }
0x209: {  	[sflag:s0] =	ssyncadd.s32 @!p0 s1  }
0x20a: {  	[bflag:$0x3] =	sbarrier.arrive $0xFFFF  }
0x20b: {  	_ =	shalt  }

</sc_bundles>
